<compile_context>
chip_gen: v7x
topology: tpu7x:2x2x1
jax: 0.10.2.dev20260603
libtpu: 0.0.44.dev20260713+nightly
codegen_flags: <defaults>
</compile_context>

<pallas_src>
import jax
import jax.numpy as jnp
from jax import lax
from jax.experimental import pallas as pl
from jax.experimental.pallas import tpu as pltpu
from jax.experimental.pallas import tpu_sc as plsc

N = 10000
E = 320000
D = 128

NC = 2
NS = 16
K = 80
EPT = E // NS
NCHUNK = EPT // K
ROWS_MAIN = 624
TAIL = N - NS * ROWS_MAIN


def _sc_aggregate_kernel(x_hbm, sd_hbm, e_hbm, outa_hbm, outb_hbm, outc_hbm,
                         acc_s, eb0_v, eb1_v, ob_v, zb_v, si0_v, si1_v,
                         gi0_v, gi1_v, se0, se1, ss0, ss1, sg0, sg1, sc0, sc1):
    c = lax.axis_index("c")
    s = lax.axis_index("s")
    zvec = jnp.zeros((16,), jnp.float32)
    eb = (eb0_v, eb1_v)
    si = (si0_v, si1_v)
    gi = (gi0_v, gi1_v)
    ses = (se0, se1)
    sss = (ss0, ss1)
    sgs = (sg0, sg1)

    def init_z(r, _):
        for j in range(D // 16):
            zb_v[r, pl.ds(j * 16, 16)] = zvec
        return 0
    lax.fori_loop(0, K, init_z, 0)

    def zero_acc():
        for q in range(ROWS_MAIN // K):
            pltpu.sync_copy(zb_v, acc_s.at[pl.ds(s * ROWS_MAIN + q * K, K)])
        rem = ROWS_MAIN % K
        pltpu.sync_copy(zb_v.at[pl.ds(0, rem)],
                        acc_s.at[pl.ds(s * ROWS_MAIN + (ROWS_MAIN // K) * K, rem)])

        @pl.when(s == NS - 1)
        def _():
            pltpu.sync_copy(zb_v.at[pl.ds(0, TAIL)],
                            acc_s.at[pl.ds(NS * ROWS_MAIN, TAIL)])

    def copy_out(dst_hbm):
        pltpu.sync_copy(acc_s.at[pl.ds(s * ROWS_MAIN, ROWS_MAIN)],
                        dst_hbm.at[c, pl.ds(s * ROWS_MAIN, ROWS_MAIN)])

        @pl.when(s == NS - 1)
        def _():
            pltpu.sync_copy(acc_s.at[pl.ds(NS * ROWS_MAIN, TAIL)],
                            dst_hbm.at[c, pl.ds(NS * ROWS_MAIN, TAIL)])

    ovec = jnp.ones((16,), jnp.float32)

    def init_o(r, _):
        for j in range(D // 16):
            ob_v[r, pl.ds(j * 16, 16)] = ovec
        return 0
    lax.fori_loop(0, K, init_o, 0)

    ebase = s * EPT
    soff = (1 - c) * E
    goff = c * E

    def sidx_issue(j, p):
        pltpu.async_copy(sd_hbm.at[pl.ds(soff + ebase + j * K, K)], si[p], sss[p])

    def sidx_wait(j, p):
        pltpu.make_async_copy(
            sd_hbm.at[pl.ds(soff + ebase + j * K, K)], si[p], sss[p]).wait()

    def gidx_issue(j, p):
        pltpu.async_copy(sd_hbm.at[pl.ds(goff + ebase + j * K, K)], gi[p], sgs[p])

    def gidx_wait(j, p):
        pltpu.make_async_copy(
            sd_hbm.at[pl.ds(goff + ebase + j * K, K)], gi[p], sgs[p]).wait()

    def edge_issue(j, p):
        pltpu.async_copy(e_hbm.at[pl.ds(ebase + j * K, K)], eb[p], ses[p])

    def edge_wait(j, p):
        pltpu.make_async_copy(
            e_hbm.at[pl.ds(ebase + j * K, K)], eb[p], ses[p]).wait()

    def gather_issue(p):
        pltpu.async_copy(x_hbm.at[gi[p]], eb[p], ses[p])

    def gather_wait(p):
        pltpu.make_async_copy(x_hbm.at[gi[p]], eb[p], ses[p]).wait()

    HALF = NCHUNK // 2

    zero_acc()
    plsc.subcore_barrier()

    sidx_issue(0, 0)
    edge_issue(0, 0)
    sidx_issue(1, 1)
    edge_issue(1, 1)

    def outer_a(i2, _):
        for p in (0, 1):
            j = i2 * 2 + p
            edge_wait(j, p)
            sidx_wait(j, p)
            pltpu.sync_copy(eb[p], acc_s.at[si[p]], add=True)

            @pl.when(i2 < HALF - 1)
            def _():
                sidx_issue(j + 2, p)
                edge_issue(j + 2, p)
        return 0
    lax.fori_loop(0, HALF, outer_a, 0)

    plsc.subcore_barrier()
    copy_out(outa_hbm)
    zero_acc()
    plsc.subcore_barrier()

    sidx_issue(0, 0)
    gidx_issue(0, 0)
    gidx_wait(0, 0)
    gather_issue(0)
    sidx_issue(1, 1)
    gidx_issue(1, 1)

    def outer_b(i2, _):
        for p in (0, 1):
            j = i2 * 2 + p
            gather_wait(p)
            if p == 0:
                gidx_wait(j + 1, 1)
                gather_issue(1)
            else:
                @pl.when(i2 < HALF - 1)
                def _():
                    gidx_wait(j + 1, 0)
                    gather_issue(0)
            sidx_wait(j, p)
            pltpu.sync_copy(eb[p], acc_s.at[si[p]], add=True)

            @pl.when(i2 < HALF - 1)
            def _():
                sidx_issue(j + 2, p)
                gidx_issue(j + 2, p)
        return 0
    lax.fori_loop(0, HALF, outer_b, 0)

    plsc.subcore_barrier()
    copy_out(outb_hbm)
    zero_acc()
    plsc.subcore_barrier()

    for jr in (NCHUNK - 2, NCHUNK - 1):
        sidx_issue(jr, 0)
        sidx_wait(jr, 0)
        pltpu.sync_copy(ob_v, acc_s.at[si[0]], add=True)

    si4 = (si0_v, si1_v, gi0_v, gi1_v)
    ssi4 = (ss0, ss1, sg0, sg1)
    ssc4 = (se0, se1, sc0, sc1)

    def c_idx_issue(j, q):
        pltpu.async_copy(sd_hbm.at[pl.ds(soff + ebase + j * K, K)],
                         si4[q], ssi4[q])

    def c_idx_wait(j, q):
        pltpu.make_async_copy(sd_hbm.at[pl.ds(soff + ebase + j * K, K)],
                              si4[q], ssi4[q]).wait()

    def c_sc_issue(q):
        pltpu.async_copy(ob_v, acc_s.at[si4[q]], ssc4[q], add=True)

    def c_sc_wait(q):
        pltpu.make_async_copy(ob_v, acc_s.at[si4[q]], ssc4[q]).wait()

    c_idx_issue(0, 0)
    c_idx_issue(1, 1)
    NC4 = (NCHUNK - 2) // 4

    def outer_c(i4, _):
        for q in range(4):
            j = i4 * 4 + q
            c_idx_wait(j, q)
            c_sc_issue(q)
            qn = (q + 2) % 4
            if q < 2:
                @pl.when(i4 > 0)
                def _():
                    c_sc_wait(qn)
                c_idx_issue(j + 2, qn)
            else:
                c_sc_wait(qn)

                @pl.when(i4 < NC4 - 1)
                def _():
                    c_idx_issue(j + 2, qn)
        return 0
    lax.fori_loop(0, NC4, outer_c, 0)
    c_sc_wait(2)
    c_sc_wait(3)

    plsc.subcore_barrier()
    copy_out(outc_hbm)


def _sc_aggregate(node_embs, sd, edge_embs):
    mesh = plsc.VectorSubcoreMesh(core_axis_name="c", subcore_axis_name="s")
    f = pl.kernel(
        _sc_aggregate_kernel,
        out_type=(
            jax.ShapeDtypeStruct((NC, N, D), jnp.float32),
            jax.ShapeDtypeStruct((NC, N, D), jnp.float32),
            jax.ShapeDtypeStruct((NC, N, D), jnp.float32),
        ),
        mesh=mesh,
        scratch_types=[
            pltpu.VMEM_SHARED((N, D), jnp.float32),
            pltpu.VMEM((K, D), jnp.float32),
            pltpu.VMEM((K, D), jnp.float32),
            pltpu.VMEM((K, D), jnp.float32),
            pltpu.VMEM((K, D), jnp.float32),
            pltpu.VMEM((K,), jnp.int32),
            pltpu.VMEM((K,), jnp.int32),
            pltpu.VMEM((K,), jnp.int32),
            pltpu.VMEM((K,), jnp.int32),
            pltpu.SemaphoreType.DMA,
            pltpu.SemaphoreType.DMA,
            pltpu.SemaphoreType.DMA,
            pltpu.SemaphoreType.DMA,
            pltpu.SemaphoreType.DMA,
            pltpu.SemaphoreType.DMA,
            pltpu.SemaphoreType.DMA,
            pltpu.SemaphoreType.DMA,
        ],
    )
    return f(node_embs, sd, edge_embs)


BLK = 1000
NBLK = N // BLK


def _tc_combine_kernel(x_ref, a0_ref, a1_ref, b0_ref, b1_ref, c0_ref, c1_ref,
                       w_ref, bsum_ref, h_ref, st_ref):
    g = pl.program_id(0)

    @pl.when(g == 0)
    def _():
        st_ref[...] = jnp.zeros_like(st_ref)

    cf = jnp.maximum(c0_ref[...][:, 0:1], 1.0)
    cr = jnp.maximum(c1_ref[...][:, 0:1], 1.0)
    hf = (b0_ref[...] - a0_ref[...]) / cf
    hr = (b1_ref[...] - a1_ref[...]) / cr
    stacked = jnp.concatenate([hf, hr, x_ref[...]], axis=1)
    h = (jnp.dot(stacked, w_ref[...], preferred_element_type=jnp.float32)
         * (1.0 / 3.0) + bsum_ref[...])
    h_ref[...] = h
    st_ref[0:1, :] += jnp.sum(h, axis=0, keepdims=True)
    st_ref[1:2, :] += jnp.sum(h * h, axis=0, keepdims=True)


def _tc_norm_kernel(h_ref, st_ref, gamma_ref, beta_ref, out_ref):
    mean = st_ref[0:1, :] * (1.0 / N)
    var = st_ref[1:2, :] * (1.0 / N) - mean * mean
    scale = gamma_ref[...] * lax.rsqrt(var + 1e-5)
    out_ref[...] = (h_ref[...] - mean) * scale + beta_ref[...]


def _tc_combine(x, a0, a1, b0, b1, c0, c1, w, bsum, gamma, beta):
    row = lambda i: (i, 0)
    h, st = pl.pallas_call(
        _tc_combine_kernel,
        grid=(NBLK,),
        in_specs=[
            pl.BlockSpec((BLK, D), row),
            pl.BlockSpec((BLK, D), row),
            pl.BlockSpec((BLK, D), row),
            pl.BlockSpec((BLK, D), row),
            pl.BlockSpec((BLK, D), row),
            pl.BlockSpec((BLK, D), row),
            pl.BlockSpec((BLK, D), row),
            pl.BlockSpec((3 * D, D), lambda i: (0, 0)),
            pl.BlockSpec((1, D), lambda i: (0, 0)),
        ],
        out_specs=[
            pl.BlockSpec((BLK, D), row),
            pl.BlockSpec((8, D), lambda i: (0, 0)),
        ],
        out_shape=[
            jax.ShapeDtypeStruct((N, D), jnp.float32),
            jax.ShapeDtypeStruct((8, D), jnp.float32),
        ],
    )(x, a0, a1, b0, b1, c0, c1, w, bsum)
    out = pl.pallas_call(
        _tc_norm_kernel,
        grid=(NBLK,),
        in_specs=[
            pl.BlockSpec((BLK, D), row),
            pl.BlockSpec((8, D), lambda i: (0, 0)),
            pl.BlockSpec((1, D), lambda i: (0, 0)),
            pl.BlockSpec((1, D), lambda i: (0, 0)),
        ],
        out_specs=pl.BlockSpec((BLK, D), row),
        out_shape=jax.ShapeDtypeStruct((N, D), jnp.float32),
    )(h, st, gamma, beta)
    return out


@jax.jit
def kernel(node_embs, edge_embs, edge_index, W_O, b_O, W_I, b_I, W_S, b_S,
           bn_gamma, bn_beta):
    sd = edge_index.astype(jnp.int32).reshape(-1)
    outa, outb, outc = _sc_aggregate(node_embs, sd, edge_embs)
    w = jnp.concatenate([W_O.T, W_I.T, W_S.T], axis=0)
    bsum = ((b_O + b_I + b_S) * (1.0 / 3.0)).reshape(1, D)
    return _tc_combine(node_embs, outa[0], outa[1], outb[0], outb[1],
                       outc[0], outc[1], w, bsum,
                       bn_gamma.reshape(1, D), bn_beta.reshape(1, D))

# --- scband reference (transcript-rebuilt; emitter-appended) ---
"""Pipeline reference for scband-comp-gcnlayer-5832565588650 (READ-ONLY COPY).

The authoritative reference and input builder live on the scoring server;
editing this copy changes nothing except your own understanding.
"""

import jax, jax.numpy as jnp
import numpy as np

N_NODES = 10000
N_EDGES = 320000
D = 128


def setup_inputs(seed: int = 0) -> dict:
    key = jax.random.key(seed)
    ks = jax.random.split(key, 12)
    node_embs = jax.random.normal(ks[0], (N_NODES, D), dtype=jnp.float32)
    edge_embs = jax.random.normal(ks[1], (N_EDGES, D), dtype=jnp.float32)
    edge_index = jax.random.randint(ks[2], (2, N_EDGES), 0, N_NODES)
    s = 1.0 / np.sqrt(D)
    W_O = jax.random.uniform(ks[3], (D, D), minval=-s, maxval=s, dtype=jnp.float32)
    b_O = jax.random.uniform(ks[4], (D,), minval=-s, maxval=s, dtype=jnp.float32)
    W_I = jax.random.uniform(ks[5], (D, D), minval=-s, maxval=s, dtype=jnp.float32)
    b_I = jax.random.uniform(ks[6], (D,), minval=-s, maxval=s, dtype=jnp.float32)
    W_S = jax.random.uniform(ks[7], (D, D), minval=-s, maxval=s, dtype=jnp.float32)
    b_S = jax.random.uniform(ks[8], (D,), minval=-s, maxval=s, dtype=jnp.float32)
    bn_gamma = jnp.ones((D,), dtype=jnp.float32)
    bn_beta = jnp.zeros((D,), dtype=jnp.float32)
    return {"node_embs": node_embs, "edge_embs": edge_embs, "edge_index": edge_index,
            "W_O": W_O, "b_O": b_O, "W_I": W_I, "b_I": b_I, "W_S": W_S, "b_S": b_S,
            "bn_gamma": bn_gamma, "bn_beta": bn_beta}


def _mean_aggregate(messages, dst_idx, num_nodes):
    # DGL fn.mean: mean over incoming messages; nodes with no in-edges get 0
    summed = jax.ops.segment_sum(messages, dst_idx, num_segments=num_nodes)
    cnt = jax.ops.segment_sum(jnp.ones((messages.shape[0],), jnp.float32), dst_idx, num_segments=num_nodes)
    return summed / jnp.maximum(cnt, 1.0)[:, None]


def reference(node_embs, edge_embs, edge_index, W_O, b_O, W_I, b_I, W_S, b_S, bn_gamma, bn_beta):
    n = node_embs.shape[0]
    src = edge_index[0]
    dst = edge_index[1]
    # comp_opt == 'TransE': message m = h_src - h_edge
    # forward graph: messages flow src -> dst, mean-aggregated at dst
    m_fwd = jnp.take(node_embs, src, axis=0) - edge_embs
    h_fwd = _mean_aggregate(m_fwd, dst, n)
    # reversed graph: edge (u,v) becomes (v,u); message m = h_dst - h_edge aggregated at src
    m_rev = jnp.take(node_embs, dst, axis=0) - edge_embs
    h_rev = _mean_aggregate(m_rev, src, n)
    # dropout is identity in inference reference
    h = (1.0 / 3.0) * (h_fwd @ W_O.T + b_O) \
        + (1.0 / 3.0) * (h_rev @ W_I.T + b_I) \
        + (1.0 / 3.0) * (node_embs @ W_S.T + b_S)
    # BatchNorm1d, training-mode batch statistics
    mean = jnp.mean(h, axis=0)
    var = jnp.var(h, axis=0)
    h = (h - mean) / jnp.sqrt(var + 1e-5) * bn_gamma + bn_beta
    return h

if __name__ == "__main__":
    import jax
    _d = setup_inputs()
    print(jax.jit(kernel)(*tuple(_d.values())))

</pallas_src>

<mosaic_0001>
#map = affine_map<(d0, d1) -> (0, 0)>
#map1 = affine_map<(d0, d1) -> (0)>
#map2 = affine_map<(d0, d1) -> (0, 0, 0)>
module attributes {stable_mosaic.version = 14 : i64} {
  func.func @_sc_aggregate_kernel(%arg0: i32, %arg1: i32, %arg2: memref<10000x128xf32, #tpu.memory_space<hbm>>, %arg3: memref<640000xi32, #tpu.memory_space<hbm>>, %arg4: memref<320000x128xf32, #tpu.memory_space<hbm>>, %arg5: memref<2x10000x128xf32, #tpu.memory_space<hbm>>, %arg6: memref<2x10000x128xf32, #tpu.memory_space<hbm>>, %arg7: memref<2x10000x128xf32, #tpu.memory_space<hbm>>, %arg8: memref<10000x128xf32, #tpu.memory_space<vmem_shared>>, %arg9: memref<80x128xf32, #tpu.memory_space<vmem>>, %arg10: memref<80x128xf32, #tpu.memory_space<vmem>>, %arg11: memref<80x128xf32, #tpu.memory_space<vmem>>, %arg12: memref<80x128xf32, #tpu.memory_space<vmem>>, %arg13: memref<80xi32, #tpu.memory_space<vmem>>, %arg14: memref<80xi32, #tpu.memory_space<vmem>>, %arg15: memref<80xi32, #tpu.memory_space<vmem>>, %arg16: memref<80xi32, #tpu.memory_space<vmem>>, %arg17: memref<!tpu.dma_semaphore, #tpu.memory_space<semaphore_mem>>, %arg18: memref<!tpu.dma_semaphore, #tpu.memory_space<semaphore_mem>>, %arg19: memref<!tpu.dma_semaphore, #tpu.memory_space<semaphore_mem>>, %arg20: memref<!tpu.dma_semaphore, #tpu.memory_space<semaphore_mem>>, %arg21: memref<!tpu.dma_semaphore, #tpu.memory_space<semaphore_mem>>, %arg22: memref<!tpu.dma_semaphore, #tpu.memory_space<semaphore_mem>>, %arg23: memref<!tpu.dma_semaphore, #tpu.memory_space<semaphore_mem>>, %arg24: memref<!tpu.dma_semaphore, #tpu.memory_space<semaphore_mem>>) attributes {dimension_semantics = [#tpu.dimension_semantics<core_parallel>, #tpu.dimension_semantics<subcore_parallel>], iteration_bounds = array<i64: 2, 16>, scalar_prefetch = 0 : i64, scratch_operands = 17 : i64, tpu.core_type = #tpu.core_type<sc_vector_subcore>, window_params = [{transform_indices = #map}, {transform_indices = #map1}, {transform_indices = #map}, {transform_indices = #map2}, {transform_indices = #map2}, {transform_indices = #map2}]} {
    %broadcast_in_dim3A = arith.constant 0.000000e+00 : f32
    %broadcast_in_dim3A_0 = vector.broadcast %broadcast_in_dim3A : f32 to vector<16xf32>
    %scan3A = arith.constant 0 : i32
    %scan3A_1 = arith.constant 0 : i32
    %scan3A_2 = arith.constant 80 : i32
    %scan3A_3 = arith.addi %scan3A_1, %scan3A_2 : i32
    %scan3A_4 = arith.constant 1 : i32
    %scan3A_5 = scf.for %scan3A_266 = %scan3A_1 to %scan3A_3 step %scan3A_4 iter_args(%scan3A_267 = %scan3A) -> (i32)  : i32 {
      %swap3A = arith.index_cast %scan3A_266 : i32 to index
      %swap3A_268 = arith.constant 0 : index
      %swap3A_269 = tpu.vector_load %arg12[%swap3A, %swap3A_268] {strides = array<i32>} : memref<80x128xf32, #tpu.memory_space<vmem>>, vector<1x16xf32>,
      %swap3A_270 = vector.shape_cast %swap3A_269 : vector<1x16xf32> to vector<16xf32>
      %swap3A_271 = vector.shape_cast %broadcast_in_dim3A_0 : vector<16xf32> to vector<1x16xf32>
      tpu.vector_store %arg12[%swap3A, %swap3A_268], %swap3A_271 {strides = array<i32>} : memref<80x128xf32, #tpu.memory_space<vmem>>, vector<1x16xf32>,
      %swap3A_272 = arith.index_cast %scan3A_266 : i32 to index
      %swap3A_273 = arith.constant 16 : index
      %swap3A_274 = tpu.vector_load %arg12[%swap3A_272, %swap3A_273] {strides = array<i32>} : memref<80x128xf32, #tpu.memory_space<vmem>>, vector<1x16xf32>,
      %swap3A_275 = vector.shape_cast %swap3A_274 : vector<1x16xf32> to vector<16xf32>
      %swap3A_276 = vector.shape_cast %broadcast_in_dim3A_0 : vector<16xf32> to vector<1x16xf32>
      tpu.vector_store %arg12[%swap3A_272, %swap3A_273], %swap3A_276 {strides = array<i32>} : memref<80x128xf32, #tpu.memory_space<vmem>>, vector<1x16xf32>,
      %swap3A_277 = arith.index_cast %scan3A_266 : i32 to index
      %swap3A_278 = arith.constant 32 : index
      %swap3A_279 = tpu.vector_load %arg12[%swap3A_277, %swap3A_278] {strides = array<i32>} : memref<80x128xf32, #tpu.memory_space<vmem>>, vector<1x16xf32>,
      %swap3A_280 = vector.shape_cast %swap3A_279 : vector<1x16xf32> to vector<16xf32>
      %swap3A_281 = vector.shape_cast %broadcast_in_dim3A_0 : vector<16xf32> to vector<1x16xf32>
      tpu.vector_store %arg12[%swap3A_277, %swap3A_278], %swap3A_281 {strides = array<i32>} : memref<80x128xf32, #tpu.memory_space<vmem>>, vector<1x16xf32>,
      %swap3A_282 = arith.index_cast %scan3A_266 : i32 to index
      %swap3A_283 = arith.constant 48 : index
      %swap3A_284 = tpu.vector_load %arg12[%swap3A_282, %swap3A_283] {strides = array<i32>} : memref<80x128xf32, #tpu.memory_space<vmem>>, vector<1x16xf32>,
      %swap3A_285 = vector.shape_cast %swap3A_284 : vector<1x16xf32> to vector<16xf32>
      %swap3A_286 = vector.shape_cast %broadcast_in_dim3A_0 : vector<16xf32> to vector<1x16xf32>
      tpu.vector_store %arg12[%swap3A_282, %swap3A_283], %swap3A_286 {strides = array<i32>} : memref<80x128xf32, #tpu.memory_space<vmem>>, vector<1x16xf32>,
      %swap3A_287 = arith.index_cast %scan3A_266 : i32 to index
      %swap3A_288 = arith.constant 64 : index
      %swap3A_289 = tpu.vector_load %arg12[%swap3A_287, %swap3A_288] {strides = array<i32>} : memref<80x128xf32, #tpu.memory_space<vmem>>, vector<1x16xf32>,
      %swap3A_290 = vector.shape_cast %swap3A_289 : vector<1x16xf32> to vector<16xf32>
      %swap3A_291 = vector.shape_cast %broadcast_in_dim3A_0 : vector<16xf32> to vector<1x16xf32>
      tpu.vector_store %arg12[%swap3A_287, %swap3A_288], %swap3A_291 {strides = array<i32>} : memref<80x128xf32, #tpu.memory_space<vmem>>, vector<1x16xf32>,
      %swap3A_292 = arith.index_cast %scan3A_266 : i32 to index
      %swap3A_293 = arith.constant 80 : index
      %swap3A_294 = tpu.vector_load %arg12[%swap3A_292, %swap3A_293] {strides = array<i32>} : memref<80x128xf32, #tpu.memory_space<vmem>>, vector<1x16xf32>,
      %swap3A_295 = vector.shape_cast %swap3A_294 : vector<1x16xf32> to vector<16xf32>
      %swap3A_296 = vector.shape_cast %broadcast_in_dim3A_0 : vector<16xf32> to vector<1x16xf32>
      tpu.vector_store %arg12[%swap3A_292, %swap3A_293], %swap3A_296 {strides = array<i32>} : memref<80x128xf32, #tpu.memory_space<vmem>>, vector<1x16xf32>,
      %swap3A_297 = arith.index_cast %scan3A_266 : i32 to index
      %swap3A_298 = arith.constant 96 : index
      %swap3A_299 = tpu.vector_load %arg12[%swap3A_297, %swap3A_298] {strides = array<i32>} : memref<80x128xf32, #tpu.memory_space<vmem>>, vector<1x16xf32>,
      %swap3A_300 = vector.shape_cast %swap3A_299 : vector<1x16xf32> to vector<16xf32>
      %swap3A_301 = vector.shape_cast %broadcast_in_dim3A_0 : vector<16xf32> to vector<1x16xf32>
      tpu.vector_store %arg12[%swap3A_297, %swap3A_298], %swap3A_301 {strides = array<i32>} : memref<80x128xf32, #tpu.memory_space<vmem>>, vector<1x16xf32>,
      %swap3A_302 = arith.index_cast %scan3A_266 : i32 to index
      %swap3A_303 = arith.constant 112 : index
      %swap3A_304 = tpu.vector_load %arg12[%swap3A_302, %swap3A_303] {strides = array<i32>} : memref<80x128xf32, #tpu.memory_space<vmem>>, vector<1x16xf32>,
      %swap3A_305 = vector.shape_cast %swap3A_304 : vector<1x16xf32> to vector<16xf32>
      %swap3A_306 = vector.shape_cast %broadcast_in_dim3A_0 : vector<16xf32> to vector<1x16xf32>
      tpu.vector_store %arg12[%swap3A_302, %swap3A_303], %swap3A_306 {strides = array<i32>} : memref<80x128xf32, #tpu.memory_space<vmem>>, vector<1x16xf32>,
      %scan3A_307 = arith.constant 0 : i32
      scf.yield %scan3A_307 : i32
    }
    %scan3A_6 = arith.constant 80 : i32
    %broadcast_in_dim3A_7 = arith.constant 1.000000e+00 : f32
    %broadcast_in_dim3A_8 = vector.broadcast %broadcast_in_dim3A_7 : f32 to vector<16xf32>
    %scan3A_9 = arith.constant 0 : i32
    %scan3A_10 = arith.constant 0 : i32
    %scan3A_11 = arith.constant 80 : i32
    %scan3A_12 = arith.addi %scan3A_10, %scan3A_11 : i32
    %scan3A_13 = arith.constant 1 : i32
    %scan3A_14 = scf.for %scan3A_266 = %scan3A_10 to %scan3A_12 step %scan3A_13 iter_args(%scan3A_267 = %scan3A_9) -> (i32)  : i32 {
      %swap3A = arith.index_cast %scan3A_266 : i32 to index
      %swap3A_268 = arith.constant 0 : index
      %swap3A_269 = tpu.vector_load %arg11[%swap3A, %swap3A_268] {strides = array<i32>} : memref<80x128xf32, #tpu.memory_space<vmem>>, vector<1x16xf32>,
      %swap3A_270 = vector.shape_cast %swap3A_269 : vector<1x16xf32> to vector<16xf32>
      %swap3A_271 = vector.shape_cast %broadcast_in_dim3A_8 : vector<16xf32> to vector<1x16xf32>
      tpu.vector_store %arg11[%swap3A, %swap3A_268], %swap3A_271 {strides = array<i32>} : memref<80x128xf32, #tpu.memory_space<vmem>>, vector<1x16xf32>,
      %swap3A_272 = arith.index_cast %scan3A_266 : i32 to index
      %swap3A_273 = arith.constant 16 : index
      %swap3A_274 = tpu.vector_load %arg11[%swap3A_272, %swap3A_273] {strides = array<i32>} : memref<80x128xf32, #tpu.memory_space<vmem>>, vector<1x16xf32>,
      %swap3A_275 = vector.shape_cast %swap3A_274 : vector<1x16xf32> to vector<16xf32>
      %swap3A_276 = vector.shape_cast %broadcast_in_dim3A_8 : vector<16xf32> to vector<1x16xf32>
      tpu.vector_store %arg11[%swap3A_272, %swap3A_273], %swap3A_276 {strides = array<i32>} : memref<80x128xf32, #tpu.memory_space<vmem>>, vector<1x16xf32>,
      %swap3A_277 = arith.index_cast %scan3A_266 : i32 to index
      %swap3A_278 = arith.constant 32 : index
      %swap3A_279 = tpu.vector_load %arg11[%swap3A_277, %swap3A_278] {strides = array<i32>} : memref<80x128xf32, #tpu.memory_space<vmem>>, vector<1x16xf32>,
      %swap3A_280 = vector.shape_cast %swap3A_279 : vector<1x16xf32> to vector<16xf32>
      %swap3A_281 = vector.shape_cast %broadcast_in_dim3A_8 : vector<16xf32> to vector<1x16xf32>
      tpu.vector_store %arg11[%swap3A_277, %swap3A_278], %swap3A_281 {strides = array<i32>} : memref<80x128xf32, #tpu.memory_space<vmem>>, vector<1x16xf32>,
      %swap3A_282 = arith.index_cast %scan3A_266 : i32 to index
      %swap3A_283 = arith.constant 48 : index
      %swap3A_284 = tpu.vector_load %arg11[%swap3A_282, %swap3A_283] {strides = array<i32>} : memref<80x128xf32, #tpu.memory_space<vmem>>, vector<1x16xf32>,
      %swap3A_285 = vector.shape_cast %swap3A_284 : vector<1x16xf32> to vector<16xf32>
      %swap3A_286 = vector.shape_cast %broadcast_in_dim3A_8 : vector<16xf32> to vector<1x16xf32>
      tpu.vector_store %arg11[%swap3A_282, %swap3A_283], %swap3A_286 {strides = array<i32>} : memref<80x128xf32, #tpu.memory_space<vmem>>, vector<1x16xf32>,
      %swap3A_287 = arith.index_cast %scan3A_266 : i32 to index
      %swap3A_288 = arith.constant 64 : index
      %swap3A_289 = tpu.vector_load %arg11[%swap3A_287, %swap3A_288] {strides = array<i32>} : memref<80x128xf32, #tpu.memory_space<vmem>>, vector<1x16xf32>,
      %swap3A_290 = vector.shape_cast %swap3A_289 : vector<1x16xf32> to vector<16xf32>
      %swap3A_291 = vector.shape_cast %broadcast_in_dim3A_8 : vector<16xf32> to vector<1x16xf32>
      tpu.vector_store %arg11[%swap3A_287, %swap3A_288], %swap3A_291 {strides = array<i32>} : memref<80x128xf32, #tpu.memory_space<vmem>>, vector<1x16xf32>,
      %swap3A_292 = arith.index_cast %scan3A_266 : i32 to index
      %swap3A_293 = arith.constant 80 : index
      %swap3A_294 = tpu.vector_load %arg11[%swap3A_292, %swap3A_293] {strides = array<i32>} : memref<80x128xf32, #tpu.memory_space<vmem>>, vector<1x16xf32>,
      %swap3A_295 = vector.shape_cast %swap3A_294 : vector<1x16xf32> to vector<16xf32>
      %swap3A_296 = vector.shape_cast %broadcast_in_dim3A_8 : vector<16xf32> to vector<1x16xf32>
      tpu.vector_store %arg11[%swap3A_292, %swap3A_293], %swap3A_296 {strides = array<i32>} : memref<80x128xf32, #tpu.memory_space<vmem>>, vector<1x16xf32>,
      %swap3A_297 = arith.index_cast %scan3A_266 : i32 to index
      %swap3A_298 = arith.constant 96 : index
      %swap3A_299 = tpu.vector_load %arg11[%swap3A_297, %swap3A_298] {strides = array<i32>} : memref<80x128xf32, #tpu.memory_space<vmem>>, vector<1x16xf32>,
      %swap3A_300 = vector.shape_cast %swap3A_299 : vector<1x16xf32> to vector<16xf32>
      %swap3A_301 = vector.shape_cast %broadcast_in_dim3A_8 : vector<16xf32> to vector<1x16xf32>
      tpu.vector_store %arg11[%swap3A_297, %swap3A_298], %swap3A_301 {strides = array<i32>} : memref<80x128xf32, #tpu.memory_space<vmem>>, vector<1x16xf32>,
      %swap3A_302 = arith.index_cast %scan3A_266 : i32 to index
      %swap3A_303 = arith.constant 112 : index
      %swap3A_304 = tpu.vector_load %arg11[%swap3A_302, %swap3A_303] {strides = array<i32>} : memref<80x128xf32, #tpu.memory_space<vmem>>, vector<1x16xf32>,
      %swap3A_305 = vector.shape_cast %swap3A_304 : vector<1x16xf32> to vector<16xf32>
      %swap3A_306 = vector.shape_cast %broadcast_in_dim3A_8 : vector<16xf32> to vector<1x16xf32>
      tpu.vector_store %arg11[%swap3A_302, %swap3A_303], %swap3A_306 {strides = array<i32>} : memref<80x128xf32, #tpu.memory_space<vmem>>, vector<1x16xf32>,
      %scan3A_307 = arith.constant 0 : i32
      scf.yield %scan3A_307 : i32
    }
    %scan3A_15 = arith.constant 80 : i32
    %mul3A = arith.constant 20000 : i32
    %mul3A_16 = arith.muli %arg1, %mul3A : i32
    %sub3A = arith.constant 1 : i32
    %sub3A_17 = arith.subi %sub3A, %arg0 : i32
    %mul3A_18 = arith.constant 320000 : i32
    %mul3A_19 = arith.muli %sub3A_17, %mul3A_18 : i32
    %mul3A_20 = arith.constant 320000 : i32
    %mul3A_21 = arith.muli %arg0, %mul3A_20 : i32
    %mul3A_22 = arith.constant 624 : i32
    %mul3A_23 = arith.muli %arg1, %mul3A_22 : i32
    %add3A = arith.constant 0 : i32
    %add3A_24 = arith.addi %mul3A_23, %add3A : i32
    "tpu.region"() ({
      %run_scoped3A = tpu.sem_alloc : memref<!tpu.dma_semaphore, #tpu.memory_space<semaphore_mem>>
      %dma_start3A_266 = arith.constant 0 : i32
      %dma_start3A_267 = tpu.memref_slice %arg8[%add3A_24, %dma_start3A_266] : memref<10000x128xf32, #tpu.memory_space<vmem_shared>> -> memref<80x128xf32, #tpu.memory_space<vmem_shared>>
      %dma_start3A_268 = arith.constant 0 : i32
      %dma_start3A_269 = tpu.memref_slice %arg8[%add3A_24, %dma_start3A_268] : memref<10000x128xf32, #tpu.memory_space<vmem_shared>> -> memref<80x128xf32, #tpu.memory_space<vmem_shared>>
      tpu.enqueue_dma source(%arg12 : memref<80x128xf32, #tpu.memory_space<vmem>>) target(%dma_start3A_269 : memref<80x128xf32, #tpu.memory_space<vmem_shared>>) target_semaphore(%run_scoped3A : memref<!tpu.dma_semaphore, #tpu.memory_space<semaphore_mem>>)
      %dma_wait3A_270 = arith.constant 0 : i32
      %dma_wait3A_271 = tpu.memref_slice %arg8[%add3A_24, %dma_wait3A_270] : memref<10000x128xf32, #tpu.memory_space<vmem_shared>> -> memref<80x128xf32, #tpu.memory_space<vmem_shared>>
      %dma_wait3A_272 = arith.constant 0 : i32
      %dma_wait3A_273 = tpu.memref_slice %arg8[%add3A_24, %dma_wait3A_272] : memref<10000x128xf32, #tpu.memory_space<vmem_shared>> -> memref<80x128xf32, #tpu.memory_space<vmem_shared>>
      tpu.wait_dma2 semaphore(%run_scoped3A : memref<!tpu.dma_semaphore, #tpu.memory_space<semaphore_mem>>) src(%arg12 : memref<80x128xf32, #tpu.memory_space<vmem>>) dst(%dma_wait3A_273 : memref<80x128xf32, #tpu.memory_space<vmem_shared>>)
      tpu.yield
    }) : () -> ()
    %mul3A_25 = arith.constant 624 : i32
    %mul3A_26 = arith.muli %arg1, %mul3A_25 : i32
    %add3A_27 = arith.constant 80 : i32
    %add3A_28 = arith.addi %mul3A_26, %add3A_27 : i32
    "tpu.region"() ({
      %run_scoped3A = tpu.sem_alloc : memref<!tpu.dma_semaphore, #tpu.memory_space<semaphore_mem>>
      %dma_start3A_266 = arith.constant 0 : i32
      %dma_start3A_267 = tpu.memref_slice %arg8[%add3A_28, %dma_start3A_266] : memref<10000x128xf32, #tpu.memory_space<vmem_shared>> -> memref<80x128xf32, #tpu.memory_space<vmem_shared>>
      %dma_start3A_268 = arith.constant 0 : i32
      %dma_start3A_269 = tpu.memref_slice %arg8[%add3A_28, %dma_start3A_268] : memref<10000x128xf32, #tpu.memory_space<vmem_shared>> -> memref<80x128xf32, #tpu.memory_space<vmem_shared>>
      tpu.enqueue_dma source(%arg12 : memref<80x128xf32, #tpu.memory_space<vmem>>) target(%dma_start3A_269 : memref<80x128xf32, #tpu.memory_space<vmem_shared>>) target_semaphore(%run_scoped3A : memref<!tpu.dma_semaphore, #tpu.memory_space<semaphore_mem>>)
      %dma_wait3A_270 = arith.constant 0 : i32
      %dma_wait3A_271 = tpu.memref_slice %arg8[%add3A_28, %dma_wait3A_270] : memref<10000x128xf32, #tpu.memory_space<vmem_shared>> -> memref<80x128xf32, #tpu.memory_space<vmem_shared>>
      %dma_wait3A_272 = arith.constant 0 : i32
      %dma_wait3A_273 = tpu.memref_slice %arg8[%add3A_28, %dma_wait3A_272] : memref<10000x128xf32, #tpu.memory_space<vmem_shared>> -> memref<80x128xf32, #tpu.memory_space<vmem_shared>>
      tpu.wait_dma2 semaphore(%run_scoped3A : memref<!tpu.dma_semaphore, #tpu.memory_space<semaphore_mem>>) src(%arg12 : memref<80x128xf32, #tpu.memory_space<vmem>>) dst(%dma_wait3A_273 : memref<80x128xf32, #tpu.memory_space<vmem_shared>>)
      tpu.yield
    }) : () -> ()
    %mul3A_29 = arith.constant 624 : i32
    %mul3A_30 = arith.muli %arg1, %mul3A_29 : i32
    %add3A_31 = arith.constant 160 : i32
    %add3A_32 = arith.addi %mul3A_30, %add3A_31 : i32
    "tpu.region"() ({
      %run_scoped3A = tpu.sem_alloc : memref<!tpu.dma_semaphore, #tpu.memory_space<semaphore_mem>>
      %dma_start3A_266 = arith.constant 0 : i32
      %dma_start3A_267 = tpu.memref_slice %arg8[%add3A_32, %dma_start3A_266] : memref<10000x128xf32, #tpu.memory_space<vmem_shared>> -> memref<80x128xf32, #tpu.memory_space<vmem_shared>>
      %dma_start3A_268 = arith.constant 0 : i32
      %dma_start3A_269 = tpu.memref_slice %arg8[%add3A_32, %dma_start3A_268] : memref<10000x128xf32, #tpu.memory_space<vmem_shared>> -> memref<80x128xf32, #tpu.memory_space<vmem_shared>>
      tpu.enqueue_dma source(%arg12 : memref<80x128xf32, #tpu.memory_space<vmem>>) target(%dma_start3A_269 : memref<80x128xf32, #tpu.memory_space<vmem_shared>>) target_semaphore(%run_scoped3A : memref<!tpu.dma_semaphore, #tpu.memory_space<semaphore_mem>>)
      %dma_wait3A_270 = arith.constant 0 : i32
      %dma_wait3A_271 = tpu.memref_slice %arg8[%add3A_32, %dma_wait3A_270] : memref<10000x128xf32, #tpu.memory_space<vmem_shared>> -> memref<80x128xf32, #tpu.memory_space<vmem_shared>>
      %dma_wait3A_272 = arith.constant 0 : i32
      %dma_wait3A_273 = tpu.memref_slice %arg8[%add3A_32, %dma_wait3A_272] : memref<10000x128xf32, #tpu.memory_space<vmem_shared>> -> memref<80x128xf32, #tpu.memory_space<vmem_shared>>
      tpu.wait_dma2 semaphore(%run_scoped3A : memref<!tpu.dma_semaphore, #tpu.memory_space<semaphore_mem>>) src(%arg12 : memref<80x128xf32, #tpu.memory_space<vmem>>) dst(%dma_wait3A_273 : memref<80x128xf32, #tpu.memory_space<vmem_shared>>)
      tpu.yield
    }) : () -> ()
    %mul3A_33 = arith.constant 624 : i32
    %mul3A_34 = arith.muli %arg1, %mul3A_33 : i32
    %add3A_35 = arith.constant 240 : i32
    %add3A_36 = arith.addi %mul3A_34, %add3A_35 : i32
    "tpu.region"() ({
      %run_scoped3A = tpu.sem_alloc : memref<!tpu.dma_semaphore, #tpu.memory_space<semaphore_mem>>
      %dma_start3A_266 = arith.constant 0 : i32
      %dma_start3A_267 = tpu.memref_slice %arg8[%add3A_36, %dma_start3A_266] : memref<10000x128xf32, #tpu.memory_space<vmem_shared>> -> memref<80x128xf32, #tpu.memory_space<vmem_shared>>
      %dma_start3A_268 = arith.constant 0 : i32
      %dma_start3A_269 = tpu.memref_slice %arg8[%add3A_36, %dma_start3A_268] : memref<10000x128xf32, #tpu.memory_space<vmem_shared>> -> memref<80x128xf32, #tpu.memory_space<vmem_shared>>
      tpu.enqueue_dma source(%arg12 : memref<80x128xf32, #tpu.memory_space<vmem>>) target(%dma_start3A_269 : memref<80x128xf32, #tpu.memory_space<vmem_shared>>) target_semaphore(%run_scoped3A : memref<!tpu.dma_semaphore, #tpu.memory_space<semaphore_mem>>)
      %dma_wait3A_270 = arith.constant 0 : i32
      %dma_wait3A_271 = tpu.memref_slice %arg8[%add3A_36, %dma_wait3A_270] : memref<10000x128xf32, #tpu.memory_space<vmem_shared>> -> memref<80x128xf32, #tpu.memory_space<vmem_shared>>
      %dma_wait3A_272 = arith.constant 0 : i32
      %dma_wait3A_273 = tpu.memref_slice %arg8[%add3A_36, %dma_wait3A_272] : memref<10000x128xf32, #tpu.memory_space<vmem_shared>> -> memref<80x128xf32, #tpu.memory_space<vmem_shared>>
      tpu.wait_dma2 semaphore(%run_scoped3A : memref<!tpu.dma_semaphore, #tpu.memory_space<semaphore_mem>>) src(%arg12 : memref<80x128xf32, #tpu.memory_space<vmem>>) dst(%dma_wait3A_273 : memref<80x128xf32, #tpu.memory_space<vmem_shared>>)
      tpu.yield
    }) : () -> ()
    %mul3A_37 = arith.constant 624 : i32
    %mul3A_38 = arith.muli %arg1, %mul3A_37 : i32
    %add3A_39 = arith.constant 320 : i32
    %add3A_40 = arith.addi %mul3A_38, %add3A_39 : i32
    "tpu.region"() ({
      %run_scoped3A = tpu.sem_alloc : memref<!tpu.dma_semaphore, #tpu.memory_space<semaphore_mem>>
      %dma_start3A_266 = arith.constant 0 : i32
      %dma_start3A_267 = tpu.memref_slice %arg8[%add3A_40, %dma_start3A_266] : memref<10000x128xf32, #tpu.memory_space<vmem_shared>> -> memref<80x128xf32, #tpu.memory_space<vmem_shared>>
      %dma_start3A_268 = arith.constant 0 : i32
      %dma_start3A_269 = tpu.memref_slice %arg8[%add3A_40, %dma_start3A_268] : memref<10000x128xf32, #tpu.memory_space<vmem_shared>> -> memref<80x128xf32, #tpu.memory_space<vmem_shared>>
      tpu.enqueue_dma source(%arg12 : memref<80x128xf32, #tpu.memory_space<vmem>>) target(%dma_start3A_269 : memref<80x128xf32, #tpu.memory_space<vmem_shared>>) target_semaphore(%run_scoped3A : memref<!tpu.dma_semaphore, #tpu.memory_space<semaphore_mem>>)
      %dma_wait3A_270 = arith.constant 0 : i32
      %dma_wait3A_271 = tpu.memref_slice %arg8[%add3A_40, %dma_wait3A_270] : memref<10000x128xf32, #tpu.memory_space<vmem_shared>> -> memref<80x128xf32, #tpu.memory_space<vmem_shared>>
      %dma_wait3A_272 = arith.constant 0 : i32
      %dma_wait3A_273 = tpu.memref_slice %arg8[%add3A_40, %dma_wait3A_272] : memref<10000x128xf32, #tpu.memory_space<vmem_shared>> -> memref<80x128xf32, #tpu.memory_space<vmem_shared>>
      tpu.wait_dma2 semaphore(%run_scoped3A : memref<!tpu.dma_semaphore, #tpu.memory_space<semaphore_mem>>) src(%arg12 : memref<80x128xf32, #tpu.memory_space<vmem>>) dst(%dma_wait3A_273 : memref<80x128xf32, #tpu.memory_space<vmem_shared>>)
      tpu.yield
    }) : () -> ()
    %mul3A_41 = arith.constant 624 : i32
    %mul3A_42 = arith.muli %arg1, %mul3A_41 : i32
    %add3A_43 = arith.constant 400 : i32
    %add3A_44 = arith.addi %mul3A_42, %add3A_43 : i32
    "tpu.region"() ({
      %run_scoped3A = tpu.sem_alloc : memref<!tpu.dma_semaphore, #tpu.memory_space<semaphore_mem>>
      %dma_start3A_266 = arith.constant 0 : i32
      %dma_start3A_267 = tpu.memref_slice %arg8[%add3A_44, %dma_start3A_266] : memref<10000x128xf32, #tpu.memory_space<vmem_shared>> -> memref<80x128xf32, #tpu.memory_space<vmem_shared>>
      %dma_start3A_268 = arith.constant 0 : i32
      %dma_start3A_269 = tpu.memref_slice %arg8[%add3A_44, %dma_start3A_268] : memref<10000x128xf32, #tpu.memory_space<vmem_shared>> -> memref<80x128xf32, #tpu.memory_space<vmem_shared>>
      tpu.enqueue_dma source(%arg12 : memref<80x128xf32, #tpu.memory_space<vmem>>) target(%dma_start3A_269 : memref<80x128xf32, #tpu.memory_space<vmem_shared>>) target_semaphore(%run_scoped3A : memref<!tpu.dma_semaphore, #tpu.memory_space<semaphore_mem>>)
      %dma_wait3A_270 = arith.constant 0 : i32
      %dma_wait3A_271 = tpu.memref_slice %arg8[%add3A_44, %dma_wait3A_270] : memref<10000x128xf32, #tpu.memory_space<vmem_shared>> -> memref<80x128xf32, #tpu.memory_space<vmem_shared>>
      %dma_wait3A_272 = arith.constant 0 : i32
      %dma_wait3A_273 = tpu.memref_slice %arg8[%add3A_44, %dma_wait3A_272] : memref<10000x128xf32, #tpu.memory_space<vmem_shared>> -> memref<80x128xf32, #tpu.memory_space<vmem_shared>>
      tpu.wait_dma2 semaphore(%run_scoped3A : memref<!tpu.dma_semaphore, #tpu.memory_space<semaphore_mem>>) src(%arg12 : memref<80x128xf32, #tpu.memory_space<vmem>>) dst(%dma_wait3A_273 : memref<80x128xf32, #tpu.memory_space<vmem_shared>>)
      tpu.yield
    }) : () -> ()
    %mul3A_45 = arith.constant 624 : i32
    %mul3A_46 = arith.muli %arg1, %mul3A_45 : i32
    %add3A_47 = arith.constant 480 : i32
    %add3A_48 = arith.addi %mul3A_46, %add3A_47 : i32
    "tpu.region"() ({
      %run_scoped3A = tpu.sem_alloc : memref<!tpu.dma_semaphore, #tpu.memory_space<semaphore_mem>>
      %dma_start3A_266 = arith.constant 0 : i32
      %dma_start3A_267 = tpu.memref_slice %arg8[%add3A_48, %dma_start3A_266] : memref<10000x128xf32, #tpu.memory_space<vmem_shared>> -> memref<80x128xf32, #tpu.memory_space<vmem_shared>>
      %dma_start3A_268 = arith.constant 0 : i32
      %dma_start3A_269 = tpu.memref_slice %arg8[%add3A_48, %dma_start3A_268] : memref<10000x128xf32, #tpu.memory_space<vmem_shared>> -> memref<80x128xf32, #tpu.memory_space<vmem_shared>>
      tpu.enqueue_dma source(%arg12 : memref<80x128xf32, #tpu.memory_space<vmem>>) target(%dma_start3A_269 : memref<80x128xf32, #tpu.memory_space<vmem_shared>>) target_semaphore(%run_scoped3A : memref<!tpu.dma_semaphore, #tpu.memory_space<semaphore_mem>>)
      %dma_wait3A_270 = arith.constant 0 : i32
      %dma_wait3A_271 = tpu.memref_slice %arg8[%add3A_48, %dma_wait3A_270] : memref<10000x128xf32, #tpu.memory_space<vmem_shared>> -> memref<80x128xf32, #tpu.memory_space<vmem_shared>>
      %dma_wait3A_272 = arith.constant 0 : i32
      %dma_wait3A_273 = tpu.memref_slice %arg8[%add3A_48, %dma_wait3A_272] : memref<10000x128xf32, #tpu.memory_space<vmem_shared>> -> memref<80x128xf32, #tpu.memory_space<vmem_shared>>
      tpu.wait_dma2 semaphore(%run_scoped3A : memref<!tpu.dma_semaphore, #tpu.memory_space<semaphore_mem>>) src(%arg12 : memref<80x128xf32, #tpu.memory_space<vmem>>) dst(%dma_wait3A_273 : memref<80x128xf32, #tpu.memory_space<vmem_shared>>)
      tpu.yield
    }) : () -> ()
    %mul3A_49 = arith.constant 624 : i32
    %mul3A_50 = arith.muli %arg1, %mul3A_49 : i32
    %add3A_51 = arith.constant 560 : i32
    %add3A_52 = arith.addi %mul3A_50, %add3A_51 : i32
    "tpu.region"() ({
      %run_scoped3A = tpu.sem_alloc : memref<!tpu.dma_semaphore, #tpu.memory_space<semaphore_mem>>
      %dma_start3A_266 = arith.constant 0 : i32
      %dma_start3A_267 = arith.constant 0 : i32
      %dma_start3A_268 = tpu.memref_slice %arg12[%dma_start3A_266, %dma_start3A_267] : memref<80x128xf32, #tpu.memory_space<vmem>> -> memref<64x128xf32, #tpu.memory_space<vmem>>
      %dma_start3A_269 = arith.constant 0 : i32
      %dma_start3A_270 = tpu.memref_slice %arg8[%add3A_52, %dma_start3A_269] : memref<10000x128xf32, #tpu.memory_space<vmem_shared>> -> memref<64x128xf32, #tpu.memory_space<vmem_shared>>
      %dma_start3A_271 = arith.constant 0 : i32
      %dma_start3A_272 = tpu.memref_slice %arg8[%add3A_52, %dma_start3A_271] : memref<10000x128xf32, #tpu.memory_space<vmem_shared>> -> memref<64x128xf32, #tpu.memory_space<vmem_shared>>
      %dma_start3A_273 = arith.constant 0 : i32
      %dma_start3A_274 = arith.constant 0 : i32
      %dma_start3A_275 = tpu.memref_slice %arg12[%dma_start3A_273, %dma_start3A_274] : memref<80x128xf32, #tpu.memory_space<vmem>> -> memref<64x128xf32, #tpu.memory_space<vmem>>
      tpu.enqueue_dma source(%dma_start3A_275 : memref<64x128xf32, #tpu.memory_space<vmem>>) target(%dma_start3A_272 : memref<64x128xf32, #tpu.memory_space<vmem_shared>>) target_semaphore(%run_scoped3A : memref<!tpu.dma_semaphore, #tpu.memory_space<semaphore_mem>>)
      %dma_wait3A_276 = arith.constant 0 : i32
      %dma_wait3A_277 = arith.constant 0 : i32
      %dma_wait3A_278 = tpu.memref_slice %arg12[%dma_wait3A_276, %dma_wait3A_277] : memref<80x128xf32, #tpu.memory_space<vmem>> -> memref<64x128xf32, #tpu.memory_space<vmem>>
      %dma_wait3A_279 = arith.constant 0 : i32
      %dma_wait3A_280 = tpu.memref_slice %arg8[%add3A_52, %dma_wait3A_279] : memref<10000x128xf32, #tpu.memory_space<vmem_shared>> -> memref<64x128xf32, #tpu.memory_space<vmem_shared>>
      %dma_wait3A_281 = arith.constant 0 : i32
      %dma_wait3A_282 = tpu.memref_slice %arg8[%add3A_52, %dma_wait3A_281] : memref<10000x128xf32, #tpu.memory_space<vmem_shared>> -> memref<64x128xf32, #tpu.memory_space<vmem_shared>>
      %dma_wait3A_283 = arith.constant 0 : i32
      %dma_wait3A_284 = arith.constant 0 : i32
      %dma_wait3A_285 = tpu.memref_slice %arg12[%dma_wait3A_283, %dma_wait3A_284] : memref<80x128xf32, #tpu.memory_space<vmem>> -> memref<64x128xf32, #tpu.memory_space<vmem>>
      tpu.wait_dma2 semaphore(%run_scoped3A : memref<!tpu.dma_semaphore, #tpu.memory_space<semaphore_mem>>) src(%dma_wait3A_285 : memref<64x128xf32, #tpu.memory_space<vmem>>) dst(%dma_wait3A_282 : memref<64x128xf32, #tpu.memory_space<vmem_shared>>)
      tpu.yield
    }) : () -> ()
    %eq3A = arith.constant 15 : i32
    %eq3A_53 = arith.cmpi eq, %arg1, %eq3A : i32
    %convert_element_type3A = arith.extui %eq3A_53 : i1 to i32
    %cond3A = arith.constant 0 : i32
    %cond3A_54 = arith.cmpi ne, %convert_element_type3A, %cond3A : i32
    scf.if %cond3A_54 {
      "tpu.region"() ({
        %run_scoped3A = tpu.sem_alloc : memref<!tpu.dma_semaphore, #tpu.memory_space<semaphore_mem>>
        %dma_start3A_266 = arith.constant 0 : i32
        %dma_start3A_267 = arith.constant 0 : i32
        %dma_start3A_268 = tpu.memref_slice %arg12[%dma_start3A_266, %dma_start3A_267] : memref<80x128xf32, #tpu.memory_space<vmem>> -> memref<16x128xf32, #tpu.memory_space<vmem>>
        %dma_start3A_269 = arith.constant 9984 : i32
        %dma_start3A_270 = arith.constant 0 : i32
        %dma_start3A_271 = tpu.memref_slice %arg8[%dma_start3A_269, %dma_start3A_270] : memref<10000x128xf32, #tpu.memory_space<vmem_shared>> -> memref<16x128xf32, #tpu.memory_space<vmem_shared>>
        %dma_start3A_272 = arith.constant 9984 : i32
        %dma_start3A_273 = arith.constant 0 : i32
        %dma_start3A_274 = tpu.memref_slice %arg8[%dma_start3A_272, %dma_start3A_273] : memref<10000x128xf32, #tpu.memory_space<vmem_shared>> -> memref<16x128xf32, #tpu.memory_space<vmem_shared>>
        %dma_start3A_275 = arith.constant 0 : i32
        %dma_start3A_276 = arith.constant 0 : i32
        %dma_start3A_277 = tpu.memref_slice %arg12[%dma_start3A_275, %dma_start3A_276] : memref<80x128xf32, #tpu.memory_space<vmem>> -> memref<16x128xf32, #tpu.memory_space<vmem>>
        tpu.enqueue_dma source(%dma_start3A_277 : memref<16x128xf32, #tpu.memory_space<vmem>>) target(%dma_start3A_274 : memref<16x128xf32, #tpu.memory_space<vmem_shared>>) target_semaphore(%run_scoped3A : memref<!tpu.dma_semaphore, #tpu.memory_space<semaphore_mem>>)
        %dma_wait3A_278 = arith.constant 0 : i32
        %dma_wait3A_279 = arith.constant 0 : i32
        %dma_wait3A_280 = tpu.memref_slice %arg12[%dma_wait3A_278, %dma_wait3A_279] : memref<80x128xf32, #tpu.memory_space<vmem>> -> memref<16x128xf32, #tpu.memory_space<vmem>>
        %dma_wait3A_281 = arith.constant 9984 : i32
        %dma_wait3A_282 = arith.constant 0 : i32
        %dma_wait3A_283 = tpu.memref_slice %arg8[%dma_wait3A_281, %dma_wait3A_282] : memref<10000x128xf32, #tpu.memory_space<vmem_shared>> -> memref<16x128xf32, #tpu.memory_space<vmem_shared>>
        %dma_wait3A_284 = arith.constant 9984 : i32
        %dma_wait3A_285 = arith.constant 0 : i32
        %dma_wait3A_286 = tpu.memref_slice %arg8[%dma_wait3A_284, %dma_wait3A_285] : memref<10000x128xf32, #tpu.memory_space<vmem_shared>> -> memref<16x128xf32, #tpu.memory_space<vmem_shared>>
        %dma_wait3A_287 = arith.constant 0 : i32
        %dma_wait3A_288 = arith.constant 0 : i32
        %dma_wait3A_289 = tpu.memref_slice %arg12[%dma_wait3A_287, %dma_wait3A_288] : memref<80x128xf32, #tpu.memory_space<vmem>> -> memref<16x128xf32, #tpu.memory_space<vmem>>
        tpu.wait_dma2 semaphore(%run_scoped3A : memref<!tpu.dma_semaphore, #tpu.memory_space<semaphore_mem>>) src(%dma_wait3A_289 : memref<16x128xf32, #tpu.memory_space<vmem>>) dst(%dma_wait3A_286 : memref<16x128xf32, #tpu.memory_space<vmem_shared>>)
        tpu.yield
      }) : () -> ()
    } else {
    }
    %barrier3A = arith.constant 0 : index
    tpu.barrier barrier_id(%barrier3A)
    %add3A_55 = arith.addi %mul3A_19, %mul3A_16 : i32
    %add3A_56 = arith.constant 0 : i32
    %add3A_57 = arith.addi %add3A_55, %add3A_56 : i32
    %dma_start3A = tpu.memref_slice %arg3[%add3A_57] : memref<640000xi32, #tpu.memory_space<hbm>> -> memref<80xi32, #tpu.memory_space<hbm>>
    %dma_start3A_58 = tpu.memref_slice %arg3[%add3A_57] : memref<640000xi32, #tpu.memory_space<hbm>> -> memref<80xi32, #tpu.memory_space<hbm>>
    tpu.enqueue_dma source(%dma_start3A_58 : memref<80xi32, #tpu.memory_space<hbm>>) target(%arg13 : memref<80xi32, #tpu.memory_space<vmem>>) target_semaphore(%arg19 : memref<!tpu.dma_semaphore, #tpu.memory_space<semaphore_mem>>)
    %add3A_59 = arith.constant 0 : i32
    %add3A_60 = arith.addi %mul3A_16, %add3A_59 : i32
    %dma_start3A_61 = arith.constant 0 : i32
    %dma_start3A_62 = tpu.memref_slice %arg4[%add3A_60, %dma_start3A_61] : memref<320000x128xf32, #tpu.memory_space<hbm>> -> memref<80x128xf32, #tpu.memory_space<hbm>>
    %dma_start3A_63 = arith.constant 0 : i32
    %dma_start3A_64 = tpu.memref_slice %arg4[%add3A_60, %dma_start3A_63] : memref<320000x128xf32, #tpu.memory_space<hbm>> -> memref<80x128xf32, #tpu.memory_space<hbm>>
    tpu.enqueue_dma source(%dma_start3A_64 : memref<80x128xf32, #tpu.memory_space<hbm>>) target(%arg9 : memref<80x128xf32, #tpu.memory_space<vmem>>) target_semaphore(%arg17 : memref<!tpu.dma_semaphore, #tpu.memory_space<semaphore_mem>>)
    %add3A_65 = arith.addi %mul3A_19, %mul3A_16 : i32
    %add3A_66 = arith.constant 80 : i32
    %add3A_67 = arith.addi %add3A_65, %add3A_66 : i32
    %dma_start3A_68 = tpu.memref_slice %arg3[%add3A_67] : memref<640000xi32, #tpu.memory_space<hbm>> -> memref<80xi32, #tpu.memory_space<hbm>>
    %dma_start3A_69 = tpu.memref_slice %arg3[%add3A_67] : memref<640000xi32, #tpu.memory_space<hbm>> -> memref<80xi32, #tpu.memory_space<hbm>>
    tpu.enqueue_dma source(%dma_start3A_69 : memref<80xi32, #tpu.memory_space<hbm>>) target(%arg14 : memref<80xi32, #tpu.memory_space<vmem>>) target_semaphore(%arg20 : memref<!tpu.dma_semaphore, #tpu.memory_space<semaphore_mem>>)
    %add3A_70 = arith.constant 80 : i32
    %add3A_71 = arith.addi %mul3A_16, %add3A_70 : i32
    %dma_start3A_72 = arith.constant 0 : i32
    %dma_start3A_73 = tpu.memref_slice %arg4[%add3A_71, %dma_start3A_72] : memref<320000x128xf32, #tpu.memory_space<hbm>> -> memref<80x128xf32, #tpu.memory_space<hbm>>
    %dma_start3A_74 = arith.constant 0 : i32
    %dma_start3A_75 = tpu.memref_slice %arg4[%add3A_71, %dma_start3A_74] : memref<320000x128xf32, #tpu.memory_space<hbm>> -> memref<80x128xf32, #tpu.memory_space<hbm>>
    tpu.enqueue_dma source(%dma_start3A_75 : memref<80x128xf32, #tpu.memory_space<hbm>>) target(%arg10 : memref<80x128xf32, #tpu.memory_space<vmem>>) target_semaphore(%arg18 : memref<!tpu.dma_semaphore, #tpu.memory_space<semaphore_mem>>)
    %scan3A_76 = arith.constant 0 : i32
    %scan3A_77 = arith.constant 0 : i32
    %scan3A_78 = arith.constant 125 : i32
    %scan3A_79 = arith.addi %scan3A_77, %scan3A_78 : i32
    %scan3A_80 = arith.constant 1 : i32
    %scan3A_81 = scf.for %scan3A_266 = %scan3A_77 to %scan3A_79 step %scan3A_80 iter_args(%scan3A_267 = %scan3A_76) -> (i32)  : i32 {
      %mul3A_268 = arith.constant 2 : i32
      %mul3A_269 = arith.muli %scan3A_266, %mul3A_268 : i32
      %add3A_270 = arith.constant 0 : i32
      %add3A_271 = arith.addi %mul3A_269, %add3A_270 : i32
      %mul3A_272 = arith.constant 80 : i32
      %mul3A_273 = arith.muli %add3A_271, %mul3A_272 : i32
      %add3A_274 = arith.addi %mul3A_16, %mul3A_273 : i32
      %dma_wait3A_275 = arith.constant 0 : i32
      %dma_wait3A_276 = tpu.memref_slice %arg4[%add3A_274, %dma_wait3A_275] : memref<320000x128xf32, #tpu.memory_space<hbm>> -> memref<80x128xf32, #tpu.memory_space<hbm>>
      %dma_wait3A_277 = arith.constant 0 : i32
      %dma_wait3A_278 = tpu.memref_slice %arg4[%add3A_274, %dma_wait3A_277] : memref<320000x128xf32, #tpu.memory_space<hbm>> -> memref<80x128xf32, #tpu.memory_space<hbm>>
      tpu.wait_dma2 semaphore(%arg17 : memref<!tpu.dma_semaphore, #tpu.memory_space<semaphore_mem>>) src(%dma_wait3A_278 : memref<80x128xf32, #tpu.memory_space<hbm>>) dst(%arg9 : memref<80x128xf32, #tpu.memory_space<vmem>>)
      %add3A_279 = arith.addi %mul3A_19, %mul3A_16 : i32
      %mul3A_280 = arith.constant 80 : i32
      %mul3A_281 = arith.muli %add3A_271, %mul3A_280 : i32
      %add3A_282 = arith.addi %add3A_279, %mul3A_281 : i32
      %dma_wait3A_283 = tpu.memref_slice %arg3[%add3A_282] : memref<640000xi32, #tpu.memory_space<hbm>> -> memref<80xi32, #tpu.memory_space<hbm>>
      %dma_wait3A_284 = tpu.memref_slice %arg3[%add3A_282] : memref<640000xi32, #tpu.memory_space<hbm>> -> memref<80xi32, #tpu.memory_space<hbm>>
      tpu.wait_dma2 semaphore(%arg19 : memref<!tpu.dma_semaphore, #tpu.memory_space<semaphore_mem>>) src(%dma_wait3A_284 : memref<80xi32, #tpu.memory_space<hbm>>) dst(%arg13 : memref<80xi32, #tpu.memory_space<vmem>>)
      "tpu.region"() ({
        %run_scoped3A = tpu.sem_alloc : memref<!tpu.dma_semaphore, #tpu.memory_space<semaphore_mem>>
        %dma_start3A_312 = arith.constant 0 : i32
        %dma_start3A_313 = arith.constant 0 : i32
        %dma_start3A_314 = tpu.memref_slice %arg8[%dma_start3A_312, %dma_start3A_313] : memref<10000x128xf32, #tpu.memory_space<vmem_shared>> -> memref<10000x128xf32, #tpu.memory_space<vmem_shared>>
        tpu.enqueue_indirect_dma source(%arg9 : memref<80x128xf32, #tpu.memory_space<vmem>>) target(%dma_start3A_314 : memref<10000x128xf32, #tpu.memory_space<vmem_shared>>) offsets(%arg13 : memref<80xi32, #tpu.memory_space<vmem>>) semaphore(%run_scoped3A : memref<!tpu.dma_semaphore, #tpu.memory_space<semaphore_mem>>) {add = true}
        %dma_wait3A_315 = arith.constant 0 : i32
        %dma_wait3A_316 = arith.constant 0 : i32
        %dma_wait3A_317 = tpu.memref_slice %arg8[%dma_wait3A_315, %dma_wait3A_316] : memref<10000x128xf32, #tpu.memory_space<vmem_shared>> -> memref<10000x128xf32, #tpu.memory_space<vmem_shared>>
        tpu.wait_indirect_dma semaphore(%run_scoped3A : memref<!tpu.dma_semaphore, #tpu.memory_space<semaphore_mem>>) src(%arg9 : memref<80x128xf32, #tpu.memory_space<vmem>>) dst(%dma_wait3A_317 : memref<10000x128xf32, #tpu.memory_space<vmem_shared>>)
        tpu.yield
      }) : () -> ()
      %lt3A = arith.constant 124 : i32
      %lt3A_285 = arith.cmpi slt, %scan3A_266, %lt3A : i32
      %convert_element_type3A_286 = arith.extui %lt3A_285 : i1 to i32
      %cond3A_287 = arith.constant 0 : i32
      %cond3A_288 = arith.cmpi ne, %convert_element_type3A_286, %cond3A_287 : i32
      scf.if %cond3A_288 {
        %add3A_312 = arith.constant 2 : i32
        %add3A_313 = arith.addi %add3A_271, %add3A_312 : i32
        %add3A_314 = arith.addi %mul3A_19, %mul3A_16 : i32
        %mul3A_315 = arith.constant 80 : i32
        %mul3A_316 = arith.muli %add3A_313, %mul3A_315 : i32
        %add3A_317 = arith.addi %add3A_314, %mul3A_316 : i32
        %dma_start3A_318 = tpu.memref_slice %arg3[%add3A_317] : memref<640000xi32, #tpu.memory_space<hbm>> -> memref<80xi32, #tpu.memory_space<hbm>>
        %dma_start3A_319 = tpu.memref_slice %arg3[%add3A_317] : memref<640000xi32, #tpu.memory_space<hbm>> -> memref<80xi32, #tpu.memory_space<hbm>>
        tpu.enqueue_dma source(%dma_start3A_319 : memref<80xi32, #tpu.memory_space<hbm>>) target(%arg13 : memref<80xi32, #tpu.memory_space<vmem>>) target_semaphore(%arg19 : memref<!tpu.dma_semaphore, #tpu.memory_space<semaphore_mem>>)
        %add3A_320 = arith.constant 2 : i32
        %add3A_321 = arith.addi %add3A_271, %add3A_320 : i32
        %mul3A_322 = arith.constant 80 : i32
        %mul3A_323 = arith.muli %add3A_321, %mul3A_322 : i32
        %add3A_324 = arith.addi %mul3A_16, %mul3A_323 : i32
        %dma_start3A_325 = arith.constant 0 : i32
        %dma_start3A_326 = tpu.memref_slice %arg4[%add3A_324, %dma_start3A_325] : memref<320000x128xf32, #tpu.memory_space<hbm>> -> memref<80x128xf32, #tpu.memory_space<hbm>>
        %dma_start3A_327 = arith.constant 0 : i32
        %dma_start3A_328 = tpu.memref_slice %arg4[%add3A_324, %dma_start3A_327] : memref<320000x128xf32, #tpu.memory_space<hbm>> -> memref<80x128xf32, #tpu.memory_space<hbm>>
        tpu.enqueue_dma source(%dma_start3A_328 : memref<80x128xf32, #tpu.memory_space<hbm>>) target(%arg9 : memref<80x128xf32, #tpu.memory_space<vmem>>) target_semaphore(%arg17 : memref<!tpu.dma_semaphore, #tpu.memory_space<semaphore_mem>>)
      } else {
      }
      %mul3A_289 = arith.constant 2 : i32
      %mul3A_290 = arith.muli %scan3A_266, %mul3A_289 : i32
      %add3A_291 = arith.constant 1 : i32
      %add3A_292 = arith.addi %mul3A_290, %add3A_291 : i32
      %mul3A_293 = arith.constant 80 : i32
      %mul3A_294 = arith.muli %add3A_292, %mul3A_293 : i32
      %add3A_295 = arith.addi %mul3A_16, %mul3A_294 : i32
      %dma_wait3A_296 = arith.constant 0 : i32
      %dma_wait3A_297 = tpu.memref_slice %arg4[%add3A_295, %dma_wait3A_296] : memref<320000x128xf32, #tpu.memory_space<hbm>> -> memref<80x128xf32, #tpu.memory_space<hbm>>
      %dma_wait3A_298 = arith.constant 0 : i32
      %dma_wait3A_299 = tpu.memref_slice %arg4[%add3A_295, %dma_wait3A_298] : memref<320000x128xf32, #tpu.memory_space<hbm>> -> memref<80x128xf32, #tpu.memory_space<hbm>>
      tpu.wait_dma2 semaphore(%arg18 : memref<!tpu.dma_semaphore, #tpu.memory_space<semaphore_mem>>) src(%dma_wait3A_299 : memref<80x128xf32, #tpu.memory_space<hbm>>) dst(%arg10 : memref<80x128xf32, #tpu.memory_space<vmem>>)
      %add3A_300 = arith.addi %mul3A_19, %mul3A_16 : i32
      %mul3A_301 = arith.constant 80 : i32
      %mul3A_302 = arith.muli %add3A_292, %mul3A_301 : i32
      %add3A_303 = arith.addi %add3A_300, %mul3A_302 : i32
      %dma_wait3A_304 = tpu.memref_slice %arg3[%add3A_303] : memref<640000xi32, #tpu.memory_space<hbm>> -> memref<80xi32, #tpu.memory_space<hbm>>
      %dma_wait3A_305 = tpu.memref_slice %arg3[%add3A_303] : memref<640000xi32, #tpu.memory_space<hbm>> -> memref<80xi32, #tpu.memory_space<hbm>>
      tpu.wait_dma2 semaphore(%arg20 : memref<!tpu.dma_semaphore, #tpu.memory_space<semaphore_mem>>) src(%dma_wait3A_305 : memref<80xi32, #tpu.memory_space<hbm>>) dst(%arg14 : memref<80xi32, #tpu.memory_space<vmem>>)
      "tpu.region"() ({
        %run_scoped3A = tpu.sem_alloc : memref<!tpu.dma_semaphore, #tpu.memory_space<semaphore_mem>>
        %dma_start3A_312 = arith.constant 0 : i32
        %dma_start3A_313 = arith.constant 0 : i32
        %dma_start3A_314 = tpu.memref_slice %arg8[%dma_start3A_312, %dma_start3A_313] : memref<10000x128xf32, #tpu.memory_space<vmem_shared>> -> memref<10000x128xf32, #tpu.memory_space<vmem_shared>>
        tpu.enqueue_indirect_dma source(%arg10 : memref<80x128xf32, #tpu.memory_space<vmem>>) target(%dma_start3A_314 : memref<10000x128xf32, #tpu.memory_space<vmem_shared>>) offsets(%arg14 : memref<80xi32, #tpu.memory_space<vmem>>) semaphore(%run_scoped3A : memref<!tpu.dma_semaphore, #tpu.memory_space<semaphore_mem>>) {add = true}
        %dma_wait3A_315 = arith.constant 0 : i32
        %dma_wait3A_316 = arith.constant 0 : i32
        %dma_wait3A_317 = tpu.memref_slice %arg8[%dma_wait3A_315, %dma_wait3A_316] : memref<10000x128xf32, #tpu.memory_space<vmem_shared>> -> memref<10000x128xf32, #tpu.memory_space<vmem_shared>>
        tpu.wait_indirect_dma semaphore(%run_scoped3A : memref<!tpu.dma_semaphore, #tpu.memory_space<semaphore_mem>>) src(%arg10 : memref<80x128xf32, #tpu.memory_space<vmem>>) dst(%dma_wait3A_317 : memref<10000x128xf32, #tpu.memory_space<vmem_shared>>)
        tpu.yield
      }) : () -> ()
      %lt3A_306 = arith.constant 124 : i32
      %lt3A_307 = arith.cmpi slt, %scan3A_266, %lt3A_306 : i32
      %convert_element_type3A_308 = arith.extui %lt3A_307 : i1 to i32
      %cond3A_309 = arith.constant 0 : i32
      %cond3A_310 = arith.cmpi ne, %convert_element_type3A_308, %cond3A_309 : i32
      scf.if %cond3A_310 {
        %add3A_312 = arith.constant 2 : i32
        %add3A_313 = arith.addi %add3A_292, %add3A_312 : i32
        %add3A_314 = arith.addi %mul3A_19, %mul3A_16 : i32
        %mul3A_315 = arith.constant 80 : i32
        %mul3A_316 = arith.muli %add3A_313, %mul3A_315 : i32
        %add3A_317 = arith.addi %add3A_314, %mul3A_316 : i32
        %dma_start3A_318 = tpu.memref_slice %arg3[%add3A_317] : memref<640000xi32, #tpu.memory_space<hbm>> -> memref<80xi32, #tpu.memory_space<hbm>>
        %dma_start3A_319 = tpu.memref_slice %arg3[%add3A_317] : memref<640000xi32, #tpu.memory_space<hbm>> -> memref<80xi32, #tpu.memory_space<hbm>>
        tpu.enqueue_dma source(%dma_start3A_319 : memref<80xi32, #tpu.memory_space<hbm>>) target(%arg14 : memref<80xi32, #tpu.memory_space<vmem>>) target_semaphore(%arg20 : memref<!tpu.dma_semaphore, #tpu.memory_space<semaphore_mem>>)
        %add3A_320 = arith.constant 2 : i32
        %add3A_321 = arith.addi %add3A_292, %add3A_320 : i32
        %mul3A_322 = arith.constant 80 : i32
        %mul3A_323 = arith.muli %add3A_321, %mul3A_322 : i32
        %add3A_324 = arith.addi %mul3A_16, %mul3A_323 : i32
        %dma_start3A_325 = arith.constant 0 : i32
        %dma_start3A_326 = tpu.memref_slice %arg4[%add3A_324, %dma_start3A_325] : memref<320000x128xf32, #tpu.memory_space<hbm>> -> memref<80x128xf32, #tpu.memory_space<hbm>>
        %dma_start3A_327 = arith.constant 0 : i32
        %dma_start3A_328 = tpu.memref_slice %arg4[%add3A_324, %dma_start3A_327] : memref<320000x128xf32, #tpu.memory_space<hbm>> -> memref<80x128xf32, #tpu.memory_space<hbm>>
        tpu.enqueue_dma source(%dma_start3A_328 : memref<80x128xf32, #tpu.memory_space<hbm>>) target(%arg10 : memref<80x128xf32, #tpu.memory_space<vmem>>) target_semaphore(%arg18 : memref<!tpu.dma_semaphore, #tpu.memory_space<semaphore_mem>>)
      } else {
      }
      %scan3A_311 = arith.constant 0 : i32
      scf.yield %scan3A_311 : i32
    }
    %scan3A_82 = arith.constant 125 : i32
    %barrier3A_83 = arith.constant 0 : index
    tpu.barrier barrier_id(%barrier3A_83)
    %mul3A_84 = arith.constant 624 : i32
    %mul3A_85 = arith.muli %arg1, %mul3A_84 : i32
    %mul3A_86 = arith.constant 624 : i32
    %mul3A_87 = arith.muli %arg1, %mul3A_86 : i32
    "tpu.region"() ({
      %run_scoped3A = tpu.sem_alloc : memref<!tpu.dma_semaphore, #tpu.memory_space<semaphore_mem>>
      %dma_start3A_266 = arith.constant 0 : i32
      %dma_start3A_267 = tpu.memref_slice %arg5[%arg0, %mul3A_87, %dma_start3A_266] : memref<2x10000x128xf32, #tpu.memory_space<hbm>> -> memref<1x624x128xf32, #tpu.memory_space<hbm>>
      %dma_start3A_268 = tpu.memref_squeeze %dma_start3A_267 : memref<1x624x128xf32, #tpu.memory_space<hbm>> -> memref<624x128xf32, #tpu.memory_space<hbm>>
      %dma_start3A_269 = arith.constant 0 : i32
      %dma_start3A_270 = tpu.memref_slice %arg8[%mul3A_85, %dma_start3A_269] : memref<10000x128xf32, #tpu.memory_space<vmem_shared>> -> memref<624x128xf32, #tpu.memory_space<vmem_shared>>
      tpu.enqueue_dma source(%dma_start3A_270 : memref<624x128xf32, #tpu.memory_space<vmem_shared>>) target(%dma_start3A_268 : memref<624x128xf32, #tpu.memory_space<hbm>>) target_semaphore(%run_scoped3A : memref<!tpu.dma_semaphore, #tpu.memory_space<semaphore_mem>>)
      %dma_wait3A_271 = arith.constant 0 : i32
      %dma_wait3A_272 = tpu.memref_slice %arg5[%arg0, %mul3A_87, %dma_wait3A_271] : memref<2x10000x128xf32, #tpu.memory_space<hbm>> -> memref<1x624x128xf32, #tpu.memory_space<hbm>>
      %dma_wait3A_273 = tpu.memref_squeeze %dma_wait3A_272 : memref<1x624x128xf32, #tpu.memory_space<hbm>> -> memref<624x128xf32, #tpu.memory_space<hbm>>
      %dma_wait3A_274 = arith.constant 0 : i32
      %dma_wait3A_275 = tpu.memref_slice %arg8[%mul3A_85, %dma_wait3A_274] : memref<10000x128xf32, #tpu.memory_space<vmem_shared>> -> memref<624x128xf32, #tpu.memory_space<vmem_shared>>
      tpu.wait_dma2 semaphore(%run_scoped3A : memref<!tpu.dma_semaphore, #tpu.memory_space<semaphore_mem>>) src(%dma_wait3A_275 : memref<624x128xf32, #tpu.memory_space<vmem_shared>>) dst(%dma_wait3A_273 : memref<624x128xf32, #tpu.memory_space<hbm>>)
      tpu.yield
    }) : () -> ()
    %eq3A_88 = arith.constant 15 : i32
    %eq3A_89 = arith.cmpi eq, %arg1, %eq3A_88 : i32
    %convert_element_type3A_90 = arith.extui %eq3A_89 : i1 to i32
    %cond3A_91 = arith.constant 0 : i32
    %cond3A_92 = arith.cmpi ne, %convert_element_type3A_90, %cond3A_91 : i32
    scf.if %cond3A_92 {
      "tpu.region"() ({
        %run_scoped3A = tpu.sem_alloc : memref<!tpu.dma_semaphore, #tpu.memory_space<semaphore_mem>>
        %dma_start3A_266 = arith.constant 9984 : i32
        %dma_start3A_267 = arith.constant 0 : i32
        %dma_start3A_268 = tpu.memref_slice %arg5[%arg0, %dma_start3A_266, %dma_start3A_267] : memref<2x10000x128xf32, #tpu.memory_space<hbm>> -> memref<1x16x128xf32, #tpu.memory_space<hbm>>
        %dma_start3A_269 = tpu.memref_squeeze %dma_start3A_268 : memref<1x16x128xf32, #tpu.memory_space<hbm>> -> memref<16x128xf32, #tpu.memory_space<hbm>>
        %dma_start3A_270 = arith.constant 9984 : i32
        %dma_start3A_271 = arith.constant 0 : i32
        %dma_start3A_272 = tpu.memref_slice %arg8[%dma_start3A_270, %dma_start3A_271] : memref<10000x128xf32, #tpu.memory_space<vmem_shared>> -> memref<16x128xf32, #tpu.memory_space<vmem_shared>>
        tpu.enqueue_dma source(%dma_start3A_272 : memref<16x128xf32, #tpu.memory_space<vmem_shared>>) target(%dma_start3A_269 : memref<16x128xf32, #tpu.memory_space<hbm>>) target_semaphore(%run_scoped3A : memref<!tpu.dma_semaphore, #tpu.memory_space<semaphore_mem>>)
        %dma_wait3A_273 = arith.constant 9984 : i32
        %dma_wait3A_274 = arith.constant 0 : i32
        %dma_wait3A_275 = tpu.memref_slice %arg5[%arg0, %dma_wait3A_273, %dma_wait3A_274] : memref<2x10000x128xf32, #tpu.memory_space<hbm>> -> memref<1x16x128xf32, #tpu.memory_space<hbm>>
        %dma_wait3A_276 = tpu.memref_squeeze %dma_wait3A_275 : memref<1x16x128xf32, #tpu.memory_space<hbm>> -> memref<16x128xf32, #tpu.memory_space<hbm>>
        %dma_wait3A_277 = arith.constant 9984 : i32
        %dma_wait3A_278 = arith.constant 0 : i32
        %dma_wait3A_279 = tpu.memref_slice %arg8[%dma_wait3A_277, %dma_wait3A_278] : memref<10000x128xf32, #tpu.memory_space<vmem_shared>> -> memref<16x128xf32, #tpu.memory_space<vmem_shared>>
        tpu.wait_dma2 semaphore(%run_scoped3A : memref<!tpu.dma_semaphore, #tpu.memory_space<semaphore_mem>>) src(%dma_wait3A_279 : memref<16x128xf32, #tpu.memory_space<vmem_shared>>) dst(%dma_wait3A_276 : memref<16x128xf32, #tpu.memory_space<hbm>>)
        tpu.yield
      }) : () -> ()
    } else {
    }
    %mul3A_93 = arith.constant 624 : i32
    %mul3A_94 = arith.muli %arg1, %mul3A_93 : i32
    %add3A_95 = arith.constant 0 : i32
    %add3A_96 = arith.addi %mul3A_94, %add3A_95 : i32
    "tpu.region"() ({
      %run_scoped3A = tpu.sem_alloc : memref<!tpu.dma_semaphore, #tpu.memory_space<semaphore_mem>>
      %dma_start3A_266 = arith.constant 0 : i32
      %dma_start3A_267 = tpu.memref_slice %arg8[%add3A_96, %dma_start3A_266] : memref<10000x128xf32, #tpu.memory_space<vmem_shared>> -> memref<80x128xf32, #tpu.memory_space<vmem_shared>>
      %dma_start3A_268 = arith.constant 0 : i32
      %dma_start3A_269 = tpu.memref_slice %arg8[%add3A_96, %dma_start3A_268] : memref<10000x128xf32, #tpu.memory_space<vmem_shared>> -> memref<80x128xf32, #tpu.memory_space<vmem_shared>>
      tpu.enqueue_dma source(%arg12 : memref<80x128xf32, #tpu.memory_space<vmem>>) target(%dma_start3A_269 : memref<80x128xf32, #tpu.memory_space<vmem_shared>>) target_semaphore(%run_scoped3A : memref<!tpu.dma_semaphore, #tpu.memory_space<semaphore_mem>>)
      %dma_wait3A_270 = arith.constant 0 : i32
      %dma_wait3A_271 = tpu.memref_slice %arg8[%add3A_96, %dma_wait3A_270] : memref<10000x128xf32, #tpu.memory_space<vmem_shared>> -> memref<80x128xf32, #tpu.memory_space<vmem_shared>>
      %dma_wait3A_272 = arith.constant 0 : i32
      %dma_wait3A_273 = tpu.memref_slice %arg8[%add3A_96, %dma_wait3A_272] : memref<10000x128xf32, #tpu.memory_space<vmem_shared>> -> memref<80x128xf32, #tpu.memory_space<vmem_shared>>
      tpu.wait_dma2 semaphore(%run_scoped3A : memref<!tpu.dma_semaphore, #tpu.memory_space<semaphore_mem>>) src(%arg12 : memref<80x128xf32, #tpu.memory_space<vmem>>) dst(%dma_wait3A_273 : memref<80x128xf32, #tpu.memory_space<vmem_shared>>)
      tpu.yield
    }) : () -> ()
    %mul3A_97 = arith.constant 624 : i32
    %mul3A_98 = arith.muli %arg1, %mul3A_97 : i32
    %add3A_99 = arith.constant 80 : i32
    %add3A_100 = arith.addi %mul3A_98, %add3A_99 : i32
    "tpu.region"() ({
      %run_scoped3A = tpu.sem_alloc : memref<!tpu.dma_semaphore, #tpu.memory_space<semaphore_mem>>
      %dma_start3A_266 = arith.constant 0 : i32
      %dma_start3A_267 = tpu.memref_slice %arg8[%add3A_100, %dma_start3A_266] : memref<10000x128xf32, #tpu.memory_space<vmem_shared>> -> memref<80x128xf32, #tpu.memory_space<vmem_shared>>
      %dma_start3A_268 = arith.constant 0 : i32
      %dma_start3A_269 = tpu.memref_slice %arg8[%add3A_100, %dma_start3A_268] : memref<10000x128xf32, #tpu.memory_space<vmem_shared>> -> memref<80x128xf32, #tpu.memory_space<vmem_shared>>
      tpu.enqueue_dma source(%arg12 : memref<80x128xf32, #tpu.memory_space<vmem>>) target(%dma_start3A_269 : memref<80x128xf32, #tpu.memory_space<vmem_shared>>) target_semaphore(%run_scoped3A : memref<!tpu.dma_semaphore, #tpu.memory_space<semaphore_mem>>)
      %dma_wait3A_270 = arith.constant 0 : i32
      %dma_wait3A_271 = tpu.memref_slice %arg8[%add3A_100, %dma_wait3A_270] : memref<10000x128xf32, #tpu.memory_space<vmem_shared>> -> memref<80x128xf32, #tpu.memory_space<vmem_shared>>
      %dma_wait3A_272 = arith.constant 0 : i32
      %dma_wait3A_273 = tpu.memref_slice %arg8[%add3A_100, %dma_wait3A_272] : memref<10000x128xf32, #tpu.memory_space<vmem_shared>> -> memref<80x128xf32, #tpu.memory_space<vmem_shared>>
      tpu.wait_dma2 semaphore(%run_scoped3A : memref<!tpu.dma_semaphore, #tpu.memory_space<semaphore_mem>>) src(%arg12 : memref<80x128xf32, #tpu.memory_space<vmem>>) dst(%dma_wait3A_273 : memref<80x128xf32, #tpu.memory_space<vmem_shared>>)
      tpu.yield
    }) : () -> ()
    %mul3A_101 = arith.constant 624 : i32
    %mul3A_102 = arith.muli %arg1, %mul3A_101 : i32
    %add3A_103 = arith.constant 160 : i32
    %add3A_104 = arith.addi %mul3A_102, %add3A_103 : i32
    "tpu.region"() ({
      %run_scoped3A = tpu.sem_alloc : memref<!tpu.dma_semaphore, #tpu.memory_space<semaphore_mem>>
      %dma_start3A_266 = arith.constant 0 : i32
      %dma_start3A_267 = tpu.memref_slice %arg8[%add3A_104, %dma_start3A_266] : memref<10000x128xf32, #tpu.memory_space<vmem_shared>> -> memref<80x128xf32, #tpu.memory_space<vmem_shared>>
      %dma_start3A_268 = arith.constant 0 : i32
      %dma_start3A_269 = tpu.memref_slice %arg8[%add3A_104, %dma_start3A_268] : memref<10000x128xf32, #tpu.memory_space<vmem_shared>> -> memref<80x128xf32, #tpu.memory_space<vmem_shared>>
      tpu.enqueue_dma source(%arg12 : memref<80x128xf32, #tpu.memory_space<vmem>>) target(%dma_start3A_269 : memref<80x128xf32, #tpu.memory_space<vmem_shared>>) target_semaphore(%run_scoped3A : memref<!tpu.dma_semaphore, #tpu.memory_space<semaphore_mem>>)
      %dma_wait3A_270 = arith.constant 0 : i32
      %dma_wait3A_271 = tpu.memref_slice %arg8[%add3A_104, %dma_wait3A_270] : memref<10000x128xf32, #tpu.memory_space<vmem_shared>> -> memref<80x128xf32, #tpu.memory_space<vmem_shared>>
      %dma_wait3A_272 = arith.constant 0 : i32
      %dma_wait3A_273 = tpu.memref_slice %arg8[%add3A_104, %dma_wait3A_272] : memref<10000x128xf32, #tpu.memory_space<vmem_shared>> -> memref<80x128xf32, #tpu.memory_space<vmem_shared>>
      tpu.wait_dma2 semaphore(%run_scoped3A : memref<!tpu.dma_semaphore, #tpu.memory_space<semaphore_mem>>) src(%arg12 : memref<80x128xf32, #tpu.memory_space<vmem>>) dst(%dma_wait3A_273 : memref<80x128xf32, #tpu.memory_space<vmem_shared>>)
      tpu.yield
    }) : () -> ()
    %mul3A_105 = arith.constant 624 : i32
    %mul3A_106 = arith.muli %arg1, %mul3A_105 : i32
    %add3A_107 = arith.constant 240 : i32
    %add3A_108 = arith.addi %mul3A_106, %add3A_107 : i32
    "tpu.region"() ({
      %run_scoped3A = tpu.sem_alloc : memref<!tpu.dma_semaphore, #tpu.memory_space<semaphore_mem>>
      %dma_start3A_266 = arith.constant 0 : i32
      %dma_start3A_267 = tpu.memref_slice %arg8[%add3A_108, %dma_start3A_266] : memref<10000x128xf32, #tpu.memory_space<vmem_shared>> -> memref<80x128xf32, #tpu.memory_space<vmem_shared>>
      %dma_start3A_268 = arith.constant 0 : i32
      %dma_start3A_269 = tpu.memref_slice %arg8[%add3A_108, %dma_start3A_268] : memref<10000x128xf32, #tpu.memory_space<vmem_shared>> -> memref<80x128xf32, #tpu.memory_space<vmem_shared>>
      tpu.enqueue_dma source(%arg12 : memref<80x128xf32, #tpu.memory_space<vmem>>) target(%dma_start3A_269 : memref<80x128xf32, #tpu.memory_space<vmem_shared>>) target_semaphore(%run_scoped3A : memref<!tpu.dma_semaphore, #tpu.memory_space<semaphore_mem>>)
      %dma_wait3A_270 = arith.constant 0 : i32
      %dma_wait3A_271 = tpu.memref_slice %arg8[%add3A_108, %dma_wait3A_270] : memref<10000x128xf32, #tpu.memory_space<vmem_shared>> -> memref<80x128xf32, #tpu.memory_space<vmem_shared>>
      %dma_wait3A_272 = arith.constant 0 : i32
      %dma_wait3A_273 = tpu.memref_slice %arg8[%add3A_108, %dma_wait3A_272] : memref<10000x128xf32, #tpu.memory_space<vmem_shared>> -> memref<80x128xf32, #tpu.memory_space<vmem_shared>>
      tpu.wait_dma2 semaphore(%run_scoped3A : memref<!tpu.dma_semaphore, #tpu.memory_space<semaphore_mem>>) src(%arg12 : memref<80x128xf32, #tpu.memory_space<vmem>>) dst(%dma_wait3A_273 : memref<80x128xf32, #tpu.memory_space<vmem_shared>>)
      tpu.yield
    }) : () -> ()
    %mul3A_109 = arith.constant 624 : i32
    %mul3A_110 = arith.muli %arg1, %mul3A_109 : i32
    %add3A_111 = arith.constant 320 : i32
    %add3A_112 = arith.addi %mul3A_110, %add3A_111 : i32
    "tpu.region"() ({
      %run_scoped3A = tpu.sem_alloc : memref<!tpu.dma_semaphore, #tpu.memory_space<semaphore_mem>>
      %dma_start3A_266 = arith.constant 0 : i32
      %dma_start3A_267 = tpu.memref_slice %arg8[%add3A_112, %dma_start3A_266] : memref<10000x128xf32, #tpu.memory_space<vmem_shared>> -> memref<80x128xf32, #tpu.memory_space<vmem_shared>>
      %dma_start3A_268 = arith.constant 0 : i32
      %dma_start3A_269 = tpu.memref_slice %arg8[%add3A_112, %dma_start3A_268] : memref<10000x128xf32, #tpu.memory_space<vmem_shared>> -> memref<80x128xf32, #tpu.memory_space<vmem_shared>>
      tpu.enqueue_dma source(%arg12 : memref<80x128xf32, #tpu.memory_space<vmem>>) target(%dma_start3A_269 : memref<80x128xf32, #tpu.memory_space<vmem_shared>>) target_semaphore(%run_scoped3A : memref<!tpu.dma_semaphore, #tpu.memory_space<semaphore_mem>>)
      %dma_wait3A_270 = arith.constant 0 : i32
      %dma_wait3A_271 = tpu.memref_slice %arg8[%add3A_112, %dma_wait3A_270] : memref<10000x128xf32, #tpu.memory_space<vmem_shared>> -> memref<80x128xf32, #tpu.memory_space<vmem_shared>>
      %dma_wait3A_272 = arith.constant 0 : i32
      %dma_wait3A_273 = tpu.memref_slice %arg8[%add3A_112, %dma_wait3A_272] : memref<10000x128xf32, #tpu.memory_space<vmem_shared>> -> memref<80x128xf32, #tpu.memory_space<vmem_shared>>
      tpu.wait_dma2 semaphore(%run_scoped3A : memref<!tpu.dma_semaphore, #tpu.memory_space<semaphore_mem>>) src(%arg12 : memref<80x128xf32, #tpu.memory_space<vmem>>) dst(%dma_wait3A_273 : memref<80x128xf32, #tpu.memory_space<vmem_shared>>)
      tpu.yield
    }) : () -> ()
    %mul3A_113 = arith.constant 624 : i32
    %mul3A_114 = arith.muli %arg1, %mul3A_113 : i32
    %add3A_115 = arith.constant 400 : i32
    %add3A_116 = arith.addi %mul3A_114, %add3A_115 : i32
    "tpu.region"() ({
      %run_scoped3A = tpu.sem_alloc : memref<!tpu.dma_semaphore, #tpu.memory_space<semaphore_mem>>
      %dma_start3A_266 = arith.constant 0 : i32
      %dma_start3A_267 = tpu.memref_slice %arg8[%add3A_116, %dma_start3A_266] : memref<10000x128xf32, #tpu.memory_space<vmem_shared>> -> memref<80x128xf32, #tpu.memory_space<vmem_shared>>
      %dma_start3A_268 = arith.constant 0 : i32
      %dma_start3A_269 = tpu.memref_slice %arg8[%add3A_116, %dma_start3A_268] : memref<10000x128xf32, #tpu.memory_space<vmem_shared>> -> memref<80x128xf32, #tpu.memory_space<vmem_shared>>
      tpu.enqueue_dma source(%arg12 : memref<80x128xf32, #tpu.memory_space<vmem>>) target(%dma_start3A_269 : memref<80x128xf32, #tpu.memory_space<vmem_shared>>) target_semaphore(%run_scoped3A : memref<!tpu.dma_semaphore, #tpu.memory_space<semaphore_mem>>)
      %dma_wait3A_270 = arith.constant 0 : i32
      %dma_wait3A_271 = tpu.memref_slice %arg8[%add3A_116, %dma_wait3A_270] : memref<10000x128xf32, #tpu.memory_space<vmem_shared>> -> memref<80x128xf32, #tpu.memory_space<vmem_shared>>
      %dma_wait3A_272 = arith.constant 0 : i32
      %dma_wait3A_273 = tpu.memref_slice %arg8[%add3A_116, %dma_wait3A_272] : memref<10000x128xf32, #tpu.memory_space<vmem_shared>> -> memref<80x128xf32, #tpu.memory_space<vmem_shared>>
      tpu.wait_dma2 semaphore(%run_scoped3A : memref<!tpu.dma_semaphore, #tpu.memory_space<semaphore_mem>>) src(%arg12 : memref<80x128xf32, #tpu.memory_space<vmem>>) dst(%dma_wait3A_273 : memref<80x128xf32, #tpu.memory_space<vmem_shared>>)
      tpu.yield
    }) : () -> ()
    %mul3A_117 = arith.constant 624 : i32
    %mul3A_118 = arith.muli %arg1, %mul3A_117 : i32
    %add3A_119 = arith.constant 480 : i32
    %add3A_120 = arith.addi %mul3A_118, %add3A_119 : i32
    "tpu.region"() ({
      %run_scoped3A = tpu.sem_alloc : memref<!tpu.dma_semaphore, #tpu.memory_space<semaphore_mem>>
      %dma_start3A_266 = arith.constant 0 : i32
      %dma_start3A_267 = tpu.memref_slice %arg8[%add3A_120, %dma_start3A_266] : memref<10000x128xf32, #tpu.memory_space<vmem_shared>> -> memref<80x128xf32, #tpu.memory_space<vmem_shared>>
      %dma_start3A_268 = arith.constant 0 : i32
      %dma_start3A_269 = tpu.memref_slice %arg8[%add3A_120, %dma_start3A_268] : memref<10000x128xf32, #tpu.memory_space<vmem_shared>> -> memref<80x128xf32, #tpu.memory_space<vmem_shared>>
      tpu.enqueue_dma source(%arg12 : memref<80x128xf32, #tpu.memory_space<vmem>>) target(%dma_start3A_269 : memref<80x128xf32, #tpu.memory_space<vmem_shared>>) target_semaphore(%run_scoped3A : memref<!tpu.dma_semaphore, #tpu.memory_space<semaphore_mem>>)
      %dma_wait3A_270 = arith.constant 0 : i32
      %dma_wait3A_271 = tpu.memref_slice %arg8[%add3A_120, %dma_wait3A_270] : memref<10000x128xf32, #tpu.memory_space<vmem_shared>> -> memref<80x128xf32, #tpu.memory_space<vmem_shared>>
      %dma_wait3A_272 = arith.constant 0 : i32
      %dma_wait3A_273 = tpu.memref_slice %arg8[%add3A_120, %dma_wait3A_272] : memref<10000x128xf32, #tpu.memory_space<vmem_shared>> -> memref<80x128xf32, #tpu.memory_space<vmem_shared>>
      tpu.wait_dma2 semaphore(%run_scoped3A : memref<!tpu.dma_semaphore, #tpu.memory_space<semaphore_mem>>) src(%arg12 : memref<80x128xf32, #tpu.memory_space<vmem>>) dst(%dma_wait3A_273 : memref<80x128xf32, #tpu.memory_space<vmem_shared>>)
      tpu.yield
    }) : () -> ()
    %mul3A_121 = arith.constant 624 : i32
    %mul3A_122 = arith.muli %arg1, %mul3A_121 : i32
    %add3A_123 = arith.constant 560 : i32
    %add3A_124 = arith.addi %mul3A_122, %add3A_123 : i32
    "tpu.region"() ({
      %run_scoped3A = tpu.sem_alloc : memref<!tpu.dma_semaphore, #tpu.memory_space<semaphore_mem>>
      %dma_start3A_266 = arith.constant 0 : i32
      %dma_start3A_267 = arith.constant 0 : i32
      %dma_start3A_268 = tpu.memref_slice %arg12[%dma_start3A_266, %dma_start3A_267] : memref<80x128xf32, #tpu.memory_space<vmem>> -> memref<64x128xf32, #tpu.memory_space<vmem>>
      %dma_start3A_269 = arith.constant 0 : i32
      %dma_start3A_270 = tpu.memref_slice %arg8[%add3A_124, %dma_start3A_269] : memref<10000x128xf32, #tpu.memory_space<vmem_shared>> -> memref<64x128xf32, #tpu.memory_space<vmem_shared>>
      %dma_start3A_271 = arith.constant 0 : i32
      %dma_start3A_272 = tpu.memref_slice %arg8[%add3A_124, %dma_start3A_271] : memref<10000x128xf32, #tpu.memory_space<vmem_shared>> -> memref<64x128xf32, #tpu.memory_space<vmem_shared>>
      %dma_start3A_273 = arith.constant 0 : i32
      %dma_start3A_274 = arith.constant 0 : i32
      %dma_start3A_275 = tpu.memref_slice %arg12[%dma_start3A_273, %dma_start3A_274] : memref<80x128xf32, #tpu.memory_space<vmem>> -> memref<64x128xf32, #tpu.memory_space<vmem>>
      tpu.enqueue_dma source(%dma_start3A_275 : memref<64x128xf32, #tpu.memory_space<vmem>>) target(%dma_start3A_272 : memref<64x128xf32, #tpu.memory_space<vmem_shared>>) target_semaphore(%run_scoped3A : memref<!tpu.dma_semaphore, #tpu.memory_space<semaphore_mem>>)
      %dma_wait3A_276 = arith.constant 0 : i32
      %dma_wait3A_277 = arith.constant 0 : i32
      %dma_wait3A_278 = tpu.memref_slice %arg12[%dma_wait3A_276, %dma_wait3A_277] : memref<80x128xf32, #tpu.memory_space<vmem>> -> memref<64x128xf32, #tpu.memory_space<vmem>>
      %dma_wait3A_279 = arith.constant 0 : i32
      %dma_wait3A_280 = tpu.memref_slice %arg8[%add3A_124, %dma_wait3A_279] : memref<10000x128xf32, #tpu.memory_space<vmem_shared>> -> memref<64x128xf32, #tpu.memory_space<vmem_shared>>
      %dma_wait3A_281 = arith.constant 0 : i32
      %dma_wait3A_282 = tpu.memref_slice %arg8[%add3A_124, %dma_wait3A_281] : memref<10000x128xf32, #tpu.memory_space<vmem_shared>> -> memref<64x128xf32, #tpu.memory_space<vmem_shared>>
      %dma_wait3A_283 = arith.constant 0 : i32
      %dma_wait3A_284 = arith.constant 0 : i32
      %dma_wait3A_285 = tpu.memref_slice %arg12[%dma_wait3A_283, %dma_wait3A_284] : memref<80x128xf32, #tpu.memory_space<vmem>> -> memref<64x128xf32, #tpu.memory_space<vmem>>
      tpu.wait_dma2 semaphore(%run_scoped3A : memref<!tpu.dma_semaphore, #tpu.memory_space<semaphore_mem>>) src(%dma_wait3A_285 : memref<64x128xf32, #tpu.memory_space<vmem>>) dst(%dma_wait3A_282 : memref<64x128xf32, #tpu.memory_space<vmem_shared>>)
      tpu.yield
    }) : () -> ()
    %eq3A_125 = arith.constant 15 : i32
    %eq3A_126 = arith.cmpi eq, %arg1, %eq3A_125 : i32
    %convert_element_type3A_127 = arith.extui %eq3A_126 : i1 to i32
    %cond3A_128 = arith.constant 0 : i32
    %cond3A_129 = arith.cmpi ne, %convert_element_type3A_127, %cond3A_128 : i32
    scf.if %cond3A_129 {
      "tpu.region"() ({
        %run_scoped3A = tpu.sem_alloc : memref<!tpu.dma_semaphore, #tpu.memory_space<semaphore_mem>>
        %dma_start3A_266 = arith.constant 0 : i32
        %dma_start3A_267 = arith.constant 0 : i32
        %dma_start3A_268 = tpu.memref_slice %arg12[%dma_start3A_266, %dma_start3A_267] : memref<80x128xf32, #tpu.memory_space<vmem>> -> memref<16x128xf32, #tpu.memory_space<vmem>>
        %dma_start3A_269 = arith.constant 9984 : i32
        %dma_start3A_270 = arith.constant 0 : i32
        %dma_start3A_271 = tpu.memref_slice %arg8[%dma_start3A_269, %dma_start3A_270] : memref<10000x128xf32, #tpu.memory_space<vmem_shared>> -> memref<16x128xf32, #tpu.memory_space<vmem_shared>>
        %dma_start3A_272 = arith.constant 9984 : i32
        %dma_start3A_273 = arith.constant 0 : i32
        %dma_start3A_274 = tpu.memref_slice %arg8[%dma_start3A_272, %dma_start3A_273] : memref<10000x128xf32, #tpu.memory_space<vmem_shared>> -> memref<16x128xf32, #tpu.memory_space<vmem_shared>>
        %dma_start3A_275 = arith.constant 0 : i32
        %dma_start3A_276 = arith.constant 0 : i32
        %dma_start3A_277 = tpu.memref_slice %arg12[%dma_start3A_275, %dma_start3A_276] : memref<80x128xf32, #tpu.memory_space<vmem>> -> memref<16x128xf32, #tpu.memory_space<vmem>>
        tpu.enqueue_dma source(%dma_start3A_277 : memref<16x128xf32, #tpu.memory_space<vmem>>) target(%dma_start3A_274 : memref<16x128xf32, #tpu.memory_space<vmem_shared>>) target_semaphore(%run_scoped3A : memref<!tpu.dma_semaphore, #tpu.memory_space<semaphore_mem>>)
        %dma_wait3A_278 = arith.constant 0 : i32
        %dma_wait3A_279 = arith.constant 0 : i32
        %dma_wait3A_280 = tpu.memref_slice %arg12[%dma_wait3A_278, %dma_wait3A_279] : memref<80x128xf32, #tpu.memory_space<vmem>> -> memref<16x128xf32, #tpu.memory_space<vmem>>
        %dma_wait3A_281 = arith.constant 9984 : i32
        %dma_wait3A_282 = arith.constant 0 : i32
        %dma_wait3A_283 = tpu.memref_slice %arg8[%dma_wait3A_281, %dma_wait3A_282] : memref<10000x128xf32, #tpu.memory_space<vmem_shared>> -> memref<16x128xf32, #tpu.memory_space<vmem_shared>>
        %dma_wait3A_284 = arith.constant 9984 : i32
        %dma_wait3A_285 = arith.constant 0 : i32
        %dma_wait3A_286 = tpu.memref_slice %arg8[%dma_wait3A_284, %dma_wait3A_285] : memref<10000x128xf32, #tpu.memory_space<vmem_shared>> -> memref<16x128xf32, #tpu.memory_space<vmem_shared>>
        %dma_wait3A_287 = arith.constant 0 : i32
        %dma_wait3A_288 = arith.constant 0 : i32
        %dma_wait3A_289 = tpu.memref_slice %arg12[%dma_wait3A_287, %dma_wait3A_288] : memref<80x128xf32, #tpu.memory_space<vmem>> -> memref<16x128xf32, #tpu.memory_space<vmem>>
        tpu.wait_dma2 semaphore(%run_scoped3A : memref<!tpu.dma_semaphore, #tpu.memory_space<semaphore_mem>>) src(%dma_wait3A_289 : memref<16x128xf32, #tpu.memory_space<vmem>>) dst(%dma_wait3A_286 : memref<16x128xf32, #tpu.memory_space<vmem_shared>>)
        tpu.yield
      }) : () -> ()
    } else {
    }
    %barrier3A_130 = arith.constant 0 : index
    tpu.barrier barrier_id(%barrier3A_130)
    %add3A_131 = arith.addi %mul3A_19, %mul3A_16 : i32
    %add3A_132 = arith.constant 0 : i32
    %add3A_133 = arith.addi %add3A_131, %add3A_132 : i32
    %dma_start3A_134 = tpu.memref_slice %arg3[%add3A_133] : memref<640000xi32, #tpu.memory_space<hbm>> -> memref<80xi32, #tpu.memory_space<hbm>>
    %dma_start3A_135 = tpu.memref_slice %arg3[%add3A_133] : memref<640000xi32, #tpu.memory_space<hbm>> -> memref<80xi32, #tpu.memory_space<hbm>>
    tpu.enqueue_dma source(%dma_start3A_135 : memref<80xi32, #tpu.memory_space<hbm>>) target(%arg13 : memref<80xi32, #tpu.memory_space<vmem>>) target_semaphore(%arg19 : memref<!tpu.dma_semaphore, #tpu.memory_space<semaphore_mem>>)
    %add3A_136 = arith.addi %mul3A_21, %mul3A_16 : i32
    %add3A_137 = arith.constant 0 : i32
    %add3A_138 = arith.addi %add3A_136, %add3A_137 : i32
    %dma_start3A_139 = tpu.memref_slice %arg3[%add3A_138] : memref<640000xi32, #tpu.memory_space<hbm>> -> memref<80xi32, #tpu.memory_space<hbm>>
    %dma_start3A_140 = tpu.memref_slice %arg3[%add3A_138] : memref<640000xi32, #tpu.memory_space<hbm>> -> memref<80xi32, #tpu.memory_space<hbm>>
    tpu.enqueue_dma source(%dma_start3A_140 : memref<80xi32, #tpu.memory_space<hbm>>) target(%arg15 : memref<80xi32, #tpu.memory_space<vmem>>) target_semaphore(%arg21 : memref<!tpu.dma_semaphore, #tpu.memory_space<semaphore_mem>>)
    %add3A_141 = arith.addi %mul3A_21, %mul3A_16 : i32
    %add3A_142 = arith.constant 0 : i32
    %add3A_143 = arith.addi %add3A_141, %add3A_142 : i32
    %dma_wait3A = tpu.memref_slice %arg3[%add3A_143] : memref<640000xi32, #tpu.memory_space<hbm>> -> memref<80xi32, #tpu.memory_space<hbm>>
    %dma_wait3A_144 = tpu.memref_slice %arg3[%add3A_143] : memref<640000xi32, #tpu.memory_space<hbm>> -> memref<80xi32, #tpu.memory_space<hbm>>
    tpu.wait_dma2 semaphore(%arg21 : memref<!tpu.dma_semaphore, #tpu.memory_space<semaphore_mem>>) src(%dma_wait3A_144 : memref<80xi32, #tpu.memory_space<hbm>>) dst(%arg15 : memref<80xi32, #tpu.memory_space<vmem>>)
    %dma_start3A_145 = arith.constant 0 : i32
    %dma_start3A_146 = arith.constant 0 : i32
    %dma_start3A_147 = tpu.memref_slice %arg2[%dma_start3A_145, %dma_start3A_146] : memref<10000x128xf32, #tpu.memory_space<hbm>> -> memref<10000x128xf32, #tpu.memory_space<hbm>>
    tpu.enqueue_indirect_dma source(%dma_start3A_147 : memref<10000x128xf32, #tpu.memory_space<hbm>>) target(%arg9 : memref<80x128xf32, #tpu.memory_space<vmem>>) offsets(%arg15 : memref<80xi32, #tpu.memory_space<vmem>>) semaphore(%arg17 : memref<!tpu.dma_semaphore, #tpu.memory_space<semaphore_mem>>)
    %add3A_148 = arith.addi %mul3A_19, %mul3A_16 : i32
    %add3A_149 = arith.constant 80 : i32
    %add3A_150 = arith.addi %add3A_148, %add3A_149 : i32
    %dma_start3A_151 = tpu.memref_slice %arg3[%add3A_150] : memref<640000xi32, #tpu.memory_space<hbm>> -> memref<80xi32, #tpu.memory_space<hbm>>
    %dma_start3A_152 = tpu.memref_slice %arg3[%add3A_150] : memref<640000xi32, #tpu.memory_space<hbm>> -> memref<80xi32, #tpu.memory_space<hbm>>
    tpu.enqueue_dma source(%dma_start3A_152 : memref<80xi32, #tpu.memory_space<hbm>>) target(%arg14 : memref<80xi32, #tpu.memory_space<vmem>>) target_semaphore(%arg20 : memref<!tpu.dma_semaphore, #tpu.memory_space<semaphore_mem>>)
    %add3A_153 = arith.addi %mul3A_21, %mul3A_16 : i32
    %add3A_154 = arith.constant 80 : i32
    %add3A_155 = arith.addi %add3A_153, %add3A_154 : i32
    %dma_start3A_156 = tpu.memref_slice %arg3[%add3A_155] : memref<640000xi32, #tpu.memory_space<hbm>> -> memref<80xi32, #tpu.memory_space<hbm>>
    %dma_start3A_157 = tpu.memref_slice %arg3[%add3A_155] : memref<640000xi32, #tpu.memory_space<hbm>> -> memref<80xi32, #tpu.memory_space<hbm>>
    tpu.enqueue_dma source(%dma_start3A_157 : memref<80xi32, #tpu.memory_space<hbm>>) target(%arg16 : memref<80xi32, #tpu.memory_space<vmem>>) target_semaphore(%arg22 : memref<!tpu.dma_semaphore, #tpu.memory_space<semaphore_mem>>)
    %scan3A_158 = arith.constant 0 : i32
    %scan3A_159 = arith.constant 0 : i32
    %scan3A_160 = arith.constant 125 : i32
    %scan3A_161 = arith.addi %scan3A_159, %scan3A_160 : i32
    %scan3A_162 = arith.constant 1 : i32
    %scan3A_163 = scf.for %scan3A_266 = %scan3A_159 to %scan3A_161 step %scan3A_162 iter_args(%scan3A_267 = %scan3A_158) -> (i32)  : i32 {
      %mul3A_268 = arith.constant 2 : i32
      %mul3A_269 = arith.muli %scan3A_266, %mul3A_268 : i32
      %add3A_270 = arith.constant 0 : i32
      %add3A_271 = arith.addi %mul3A_269, %add3A_270 : i32
      %dma_wait3A_272 = arith.constant 0 : i32
      %dma_wait3A_273 = arith.constant 0 : i32
      %dma_wait3A_274 = tpu.memref_slice %arg2[%dma_wait3A_272, %dma_wait3A_273] : memref<10000x128xf32, #tpu.memory_space<hbm>> -> memref<10000x128xf32, #tpu.memory_space<hbm>>
      tpu.wait_indirect_dma semaphore(%arg17 : memref<!tpu.dma_semaphore, #tpu.memory_space<semaphore_mem>>) src(%dma_wait3A_274 : memref<10000x128xf32, #tpu.memory_space<hbm>>) dst(%arg9 : memref<80x128xf32, #tpu.memory_space<vmem>>)
      %add3A_275 = arith.constant 1 : i32
      %add3A_276 = arith.addi %add3A_271, %add3A_275 : i32
      %add3A_277 = arith.addi %mul3A_21, %mul3A_16 : i32
      %mul3A_278 = arith.constant 80 : i32
      %mul3A_279 = arith.muli %add3A_276, %mul3A_278 : i32
      %add3A_280 = arith.addi %add3A_277, %mul3A_279 : i32
      %dma_wait3A_281 = tpu.memref_slice %arg3[%add3A_280] : memref<640000xi32, #tpu.memory_space<hbm>> -> memref<80xi32, #tpu.memory_space<hbm>>
      %dma_wait3A_282 = tpu.memref_slice %arg3[%add3A_280] : memref<640000xi32, #tpu.memory_space<hbm>> -> memref<80xi32, #tpu.memory_space<hbm>>
      tpu.wait_dma2 semaphore(%arg22 : memref<!tpu.dma_semaphore, #tpu.memory_space<semaphore_mem>>) src(%dma_wait3A_282 : memref<80xi32, #tpu.memory_space<hbm>>) dst(%arg16 : memref<80xi32, #tpu.memory_space<vmem>>)
      %dma_start3A_283 = arith.constant 0 : i32
      %dma_start3A_284 = arith.constant 0 : i32
      %dma_start3A_285 = tpu.memref_slice %arg2[%dma_start3A_283, %dma_start3A_284] : memref<10000x128xf32, #tpu.memory_space<hbm>> -> memref<10000x128xf32, #tpu.memory_space<hbm>>
      tpu.enqueue_indirect_dma source(%dma_start3A_285 : memref<10000x128xf32, #tpu.memory_space<hbm>>) target(%arg10 : memref<80x128xf32, #tpu.memory_space<vmem>>) offsets(%arg16 : memref<80xi32, #tpu.memory_space<vmem>>) semaphore(%arg18 : memref<!tpu.dma_semaphore, #tpu.memory_space<semaphore_mem>>)
      %add3A_286 = arith.addi %mul3A_19, %mul3A_16 : i32
      %mul3A_287 = arith.constant 80 : i32
      %mul3A_288 = arith.muli %add3A_271, %mul3A_287 : i32
      %add3A_289 = arith.addi %add3A_286, %mul3A_288 : i32
      %dma_wait3A_290 = tpu.memref_slice %arg3[%add3A_289] : memref<640000xi32, #tpu.memory_space<hbm>> -> memref<80xi32, #tpu.memory_space<hbm>>
      %dma_wait3A_291 = tpu.memref_slice %arg3[%add3A_289] : memref<640000xi32, #tpu.memory_space<hbm>> -> memref<80xi32, #tpu.memory_space<hbm>>
      tpu.wait_dma2 semaphore(%arg19 : memref<!tpu.dma_semaphore, #tpu.memory_space<semaphore_mem>>) src(%dma_wait3A_291 : memref<80xi32, #tpu.memory_space<hbm>>) dst(%arg13 : memref<80xi32, #tpu.memory_space<vmem>>)
      "tpu.region"() ({
        %run_scoped3A = tpu.sem_alloc : memref<!tpu.dma_semaphore, #tpu.memory_space<semaphore_mem>>
        %dma_start3A_320 = arith.constant 0 : i32
        %dma_start3A_321 = arith.constant 0 : i32
        %dma_start3A_322 = tpu.memref_slice %arg8[%dma_start3A_320, %dma_start3A_321] : memref<10000x128xf32, #tpu.memory_space<vmem_shared>> -> memref<10000x128xf32, #tpu.memory_space<vmem_shared>>
        tpu.enqueue_indirect_dma source(%arg9 : memref<80x128xf32, #tpu.memory_space<vmem>>) target(%dma_start3A_322 : memref<10000x128xf32, #tpu.memory_space<vmem_shared>>) offsets(%arg13 : memref<80xi32, #tpu.memory_space<vmem>>) semaphore(%run_scoped3A : memref<!tpu.dma_semaphore, #tpu.memory_space<semaphore_mem>>) {add = true}
        %dma_wait3A_323 = arith.constant 0 : i32
        %dma_wait3A_324 = arith.constant 0 : i32
        %dma_wait3A_325 = tpu.memref_slice %arg8[%dma_wait3A_323, %dma_wait3A_324] : memref<10000x128xf32, #tpu.memory_space<vmem_shared>> -> memref<10000x128xf32, #tpu.memory_space<vmem_shared>>
        tpu.wait_indirect_dma semaphore(%run_scoped3A : memref<!tpu.dma_semaphore, #tpu.memory_space<semaphore_mem>>) src(%arg9 : memref<80x128xf32, #tpu.memory_space<vmem>>) dst(%dma_wait3A_325 : memref<10000x128xf32, #tpu.memory_space<vmem_shared>>)
        tpu.yield
      }) : () -> ()
      %lt3A = arith.constant 124 : i32
      %lt3A_292 = arith.cmpi slt, %scan3A_266, %lt3A : i32
      %convert_element_type3A_293 = arith.extui %lt3A_292 : i1 to i32
      %cond3A_294 = arith.constant 0 : i32
      %cond3A_295 = arith.cmpi ne, %convert_element_type3A_293, %cond3A_294 : i32
      scf.if %cond3A_295 {
        %add3A_320 = arith.constant 2 : i32
        %add3A_321 = arith.addi %add3A_271, %add3A_320 : i32
        %add3A_322 = arith.addi %mul3A_19, %mul3A_16 : i32
        %mul3A_323 = arith.constant 80 : i32
        %mul3A_324 = arith.muli %add3A_321, %mul3A_323 : i32
        %add3A_325 = arith.addi %add3A_322, %mul3A_324 : i32
        %dma_start3A_326 = tpu.memref_slice %arg3[%add3A_325] : memref<640000xi32, #tpu.memory_space<hbm>> -> memref<80xi32, #tpu.memory_space<hbm>>
        %dma_start3A_327 = tpu.memref_slice %arg3[%add3A_325] : memref<640000xi32, #tpu.memory_space<hbm>> -> memref<80xi32, #tpu.memory_space<hbm>>
        tpu.enqueue_dma source(%dma_start3A_327 : memref<80xi32, #tpu.memory_space<hbm>>) target(%arg13 : memref<80xi32, #tpu.memory_space<vmem>>) target_semaphore(%arg19 : memref<!tpu.dma_semaphore, #tpu.memory_space<semaphore_mem>>)
        %add3A_328 = arith.constant 2 : i32
        %add3A_329 = arith.addi %add3A_271, %add3A_328 : i32
        %add3A_330 = arith.addi %mul3A_21, %mul3A_16 : i32
        %mul3A_331 = arith.constant 80 : i32
        %mul3A_332 = arith.muli %add3A_329, %mul3A_331 : i32
        %add3A_333 = arith.addi %add3A_330, %mul3A_332 : i32
        %dma_start3A_334 = tpu.memref_slice %arg3[%add3A_333] : memref<640000xi32, #tpu.memory_space<hbm>> -> memref<80xi32, #tpu.memory_space<hbm>>
        %dma_start3A_335 = tpu.memref_slice %arg3[%add3A_333] : memref<640000xi32, #tpu.memory_space<hbm>> -> memref<80xi32, #tpu.memory_space<hbm>>
        tpu.enqueue_dma source(%dma_start3A_335 : memref<80xi32, #tpu.memory_space<hbm>>) target(%arg15 : memref<80xi32, #tpu.memory_space<vmem>>) target_semaphore(%arg21 : memref<!tpu.dma_semaphore, #tpu.memory_space<semaphore_mem>>)
      } else {
      }
      %mul3A_296 = arith.constant 2 : i32
      %mul3A_297 = arith.muli %scan3A_266, %mul3A_296 : i32
      %add3A_298 = arith.constant 1 : i32
      %add3A_299 = arith.addi %mul3A_297, %add3A_298 : i32
      %dma_wait3A_300 = arith.constant 0 : i32
      %dma_wait3A_301 = arith.constant 0 : i32
      %dma_wait3A_302 = tpu.memref_slice %arg2[%dma_wait3A_300, %dma_wait3A_301] : memref<10000x128xf32, #tpu.memory_space<hbm>> -> memref<10000x128xf32, #tpu.memory_space<hbm>>
      tpu.wait_indirect_dma semaphore(%arg18 : memref<!tpu.dma_semaphore, #tpu.memory_space<semaphore_mem>>) src(%dma_wait3A_302 : memref<10000x128xf32, #tpu.memory_space<hbm>>) dst(%arg10 : memref<80x128xf32, #tpu.memory_space<vmem>>)
      %lt3A_303 = arith.constant 124 : i32
      %lt3A_304 = arith.cmpi slt, %scan3A_266, %lt3A_303 : i32
      %convert_element_type3A_305 = arith.extui %lt3A_304 : i1 to i32
      %cond3A_306 = arith.constant 0 : i32
      %cond3A_307 = arith.cmpi ne, %convert_element_type3A_305, %cond3A_306 : i32
      scf.if %cond3A_307 {
        %add3A_320 = arith.constant 1 : i32
        %add3A_321 = arith.addi %add3A_299, %add3A_320 : i32
        %add3A_322 = arith.addi %mul3A_21, %mul3A_16 : i32
        %mul3A_323 = arith.constant 80 : i32
        %mul3A_324 = arith.muli %add3A_321, %mul3A_323 : i32
        %add3A_325 = arith.addi %add3A_322, %mul3A_324 : i32
        %dma_wait3A_326 = tpu.memref_slice %arg3[%add3A_325] : memref<640000xi32, #tpu.memory_space<hbm>> -> memref<80xi32, #tpu.memory_space<hbm>>
        %dma_wait3A_327 = tpu.memref_slice %arg3[%add3A_325] : memref<640000xi32, #tpu.memory_space<hbm>> -> memref<80xi32, #tpu.memory_space<hbm>>
        tpu.wait_dma2 semaphore(%arg21 : memref<!tpu.dma_semaphore, #tpu.memory_space<semaphore_mem>>) src(%dma_wait3A_327 : memref<80xi32, #tpu.memory_space<hbm>>) dst(%arg15 : memref<80xi32, #tpu.memory_space<vmem>>)
        %dma_start3A_328 = arith.constant 0 : i32
        %dma_start3A_329 = arith.constant 0 : i32
        %dma_start3A_330 = tpu.memref_slice %arg2[%dma_start3A_328, %dma_start3A_329] : memref<10000x128xf32, #tpu.memory_space<hbm>> -> memref<10000x128xf32, #tpu.memory_space<hbm>>
        tpu.enqueue_indirect_dma source(%dma_start3A_330 : memref<10000x128xf32, #tpu.memory_space<hbm>>) target(%arg9 : memref<80x128xf32, #tpu.memory_space<vmem>>) offsets(%arg15 : memref<80xi32, #tpu.memory_space<vmem>>) semaphore(%arg17 : memref<!tpu.dma_semaphore, #tpu.memory_space<semaphore_mem>>)
      } else {
      }
      %add3A_308 = arith.addi %mul3A_19, %mul3A_16 : i32
      %mul3A_309 = arith.constant 80 : i32
      %mul3A_310 = arith.muli %add3A_299, %mul3A_309 : i32
      %add3A_311 = arith.addi %add3A_308, %mul3A_310 : i32
      %dma_wait3A_312 = tpu.memref_slice %arg3[%add3A_311] : memref<640000xi32, #tpu.memory_space<hbm>> -> memref<80xi32, #tpu.memory_space<hbm>>
      %dma_wait3A_313 = tpu.memref_slice %arg3[%add3A_311] : memref<640000xi32, #tpu.memory_space<hbm>> -> memref<80xi32, #tpu.memory_space<hbm>>
      tpu.wait_dma2 semaphore(%arg20 : memref<!tpu.dma_semaphore, #tpu.memory_space<semaphore_mem>>) src(%dma_wait3A_313 : memref<80xi32, #tpu.memory_space<hbm>>) dst(%arg14 : memref<80xi32, #tpu.memory_space<vmem>>)
      "tpu.region"() ({
        %run_scoped3A = tpu.sem_alloc : memref<!tpu.dma_semaphore, #tpu.memory_space<semaphore_mem>>
        %dma_start3A_320 = arith.constant 0 : i32
        %dma_start3A_321 = arith.constant 0 : i32
        %dma_start3A_322 = tpu.memref_slice %arg8[%dma_start3A_320, %dma_start3A_321] : memref<10000x128xf32, #tpu.memory_space<vmem_shared>> -> memref<10000x128xf32, #tpu.memory_space<vmem_shared>>
        tpu.enqueue_indirect_dma source(%arg10 : memref<80x128xf32, #tpu.memory_space<vmem>>) target(%dma_start3A_322 : memref<10000x128xf32, #tpu.memory_space<vmem_shared>>) offsets(%arg14 : memref<80xi32, #tpu.memory_space<vmem>>) semaphore(%run_scoped3A : memref<!tpu.dma_semaphore, #tpu.memory_space<semaphore_mem>>) {add = true}
        %dma_wait3A_323 = arith.constant 0 : i32
        %dma_wait3A_324 = arith.constant 0 : i32
        %dma_wait3A_325 = tpu.memref_slice %arg8[%dma_wait3A_323, %dma_wait3A_324] : memref<10000x128xf32, #tpu.memory_space<vmem_shared>> -> memref<10000x128xf32, #tpu.memory_space<vmem_shared>>
        tpu.wait_indirect_dma semaphore(%run_scoped3A : memref<!tpu.dma_semaphore, #tpu.memory_space<semaphore_mem>>) src(%arg10 : memref<80x128xf32, #tpu.memory_space<vmem>>) dst(%dma_wait3A_325 : memref<10000x128xf32, #tpu.memory_space<vmem_shared>>)
        tpu.yield
      }) : () -> ()
      %lt3A_314 = arith.constant 124 : i32
      %lt3A_315 = arith.cmpi slt, %scan3A_266, %lt3A_314 : i32
      %convert_element_type3A_316 = arith.extui %lt3A_315 : i1 to i32
      %cond3A_317 = arith.constant 0 : i32
      %cond3A_318 = arith.cmpi ne, %convert_element_type3A_316, %cond3A_317 : i32
      scf.if %cond3A_318 {
        %add3A_320 = arith.constant 2 : i32
        %add3A_321 = arith.addi %add3A_299, %add3A_320 : i32
        %add3A_322 = arith.addi %mul3A_19, %mul3A_16 : i32
        %mul3A_323 = arith.constant 80 : i32
        %mul3A_324 = arith.muli %add3A_321, %mul3A_323 : i32
        %add3A_325 = arith.addi %add3A_322, %mul3A_324 : i32
        %dma_start3A_326 = tpu.memref_slice %arg3[%add3A_325] : memref<640000xi32, #tpu.memory_space<hbm>> -> memref<80xi32, #tpu.memory_space<hbm>>
        %dma_start3A_327 = tpu.memref_slice %arg3[%add3A_325] : memref<640000xi32, #tpu.memory_space<hbm>> -> memref<80xi32, #tpu.memory_space<hbm>>
        tpu.enqueue_dma source(%dma_start3A_327 : memref<80xi32, #tpu.memory_space<hbm>>) target(%arg14 : memref<80xi32, #tpu.memory_space<vmem>>) target_semaphore(%arg20 : memref<!tpu.dma_semaphore, #tpu.memory_space<semaphore_mem>>)
        %add3A_328 = arith.constant 2 : i32
        %add3A_329 = arith.addi %add3A_299, %add3A_328 : i32
        %add3A_330 = arith.addi %mul3A_21, %mul3A_16 : i32
        %mul3A_331 = arith.constant 80 : i32
        %mul3A_332 = arith.muli %add3A_329, %mul3A_331 : i32
        %add3A_333 = arith.addi %add3A_330, %mul3A_332 : i32
        %dma_start3A_334 = tpu.memref_slice %arg3[%add3A_333] : memref<640000xi32, #tpu.memory_space<hbm>> -> memref<80xi32, #tpu.memory_space<hbm>>
        %dma_start3A_335 = tpu.memref_slice %arg3[%add3A_333] : memref<640000xi32, #tpu.memory_space<hbm>> -> memref<80xi32, #tpu.memory_space<hbm>>
        tpu.enqueue_dma source(%dma_start3A_335 : memref<80xi32, #tpu.memory_space<hbm>>) target(%arg16 : memref<80xi32, #tpu.memory_space<vmem>>) target_semaphore(%arg22 : memref<!tpu.dma_semaphore, #tpu.memory_space<semaphore_mem>>)
      } else {
      }
      %scan3A_319 = arith.constant 0 : i32
      scf.yield %scan3A_319 : i32
    }
    %scan3A_164 = arith.constant 125 : i32
    %barrier3A_165 = arith.constant 0 : index
    tpu.barrier barrier_id(%barrier3A_165)
    %mul3A_166 = arith.constant 624 : i32
    %mul3A_167 = arith.muli %arg1, %mul3A_166 : i32
    %mul3A_168 = arith.constant 624 : i32
    %mul3A_169 = arith.muli %arg1, %mul3A_168 : i32
    "tpu.region"() ({
      %run_scoped3A = tpu.sem_alloc : memref<!tpu.dma_semaphore, #tpu.memory_space<semaphore_mem>>
      %dma_start3A_266 = arith.constant 0 : i32
      %dma_start3A_267 = tpu.memref_slice %arg6[%arg0, %mul3A_169, %dma_start3A_266] : memref<2x10000x128xf32, #tpu.memory_space<hbm>> -> memref<1x624x128xf32, #tpu.memory_space<hbm>>
      %dma_start3A_268 = tpu.memref_squeeze %dma_start3A_267 : memref<1x624x128xf32, #tpu.memory_space<hbm>> -> memref<624x128xf32, #tpu.memory_space<hbm>>
      %dma_start3A_269 = arith.constant 0 : i32
      %dma_start3A_270 = tpu.memref_slice %arg8[%mul3A_167, %dma_start3A_269] : memref<10000x128xf32, #tpu.memory_space<vmem_shared>> -> memref<624x128xf32, #tpu.memory_space<vmem_shared>>
      tpu.enqueue_dma source(%dma_start3A_270 : memref<624x128xf32, #tpu.memory_space<vmem_shared>>) target(%dma_start3A_268 : memref<624x128xf32, #tpu.memory_space<hbm>>) target_semaphore(%run_scoped3A : memref<!tpu.dma_semaphore, #tpu.memory_space<semaphore_mem>>)
      %dma_wait3A_271 = arith.constant 0 : i32
      %dma_wait3A_272 = tpu.memref_slice %arg6[%arg0, %mul3A_169, %dma_wait3A_271] : memref<2x10000x128xf32, #tpu.memory_space<hbm>> -> memref<1x624x128xf32, #tpu.memory_space<hbm>>
      %dma_wait3A_273 = tpu.memref_squeeze %dma_wait3A_272 : memref<1x624x128xf32, #tpu.memory_space<hbm>> -> memref<624x128xf32, #tpu.memory_space<hbm>>
      %dma_wait3A_274 = arith.constant 0 : i32
      %dma_wait3A_275 = tpu.memref_slice %arg8[%mul3A_167, %dma_wait3A_274] : memref<10000x128xf32, #tpu.memory_space<vmem_shared>> -> memref<624x128xf32, #tpu.memory_space<vmem_shared>>
      tpu.wait_dma2 semaphore(%run_scoped3A : memref<!tpu.dma_semaphore, #tpu.memory_space<semaphore_mem>>) src(%dma_wait3A_275 : memref<624x128xf32, #tpu.memory_space<vmem_shared>>) dst(%dma_wait3A_273 : memref<624x128xf32, #tpu.memory_space<hbm>>)
      tpu.yield
    }) : () -> ()
    %eq3A_170 = arith.constant 15 : i32
    %eq3A_171 = arith.cmpi eq, %arg1, %eq3A_170 : i32
    %convert_element_type3A_172 = arith.extui %eq3A_171 : i1 to i32
    %cond3A_173 = arith.constant 0 : i32
    %cond3A_174 = arith.cmpi ne, %convert_element_type3A_172, %cond3A_173 : i32
    scf.if %cond3A_174 {
      "tpu.region"() ({
        %run_scoped3A = tpu.sem_alloc : memref<!tpu.dma_semaphore, #tpu.memory_space<semaphore_mem>>
        %dma_start3A_266 = arith.constant 9984 : i32
        %dma_start3A_267 = arith.constant 0 : i32
        %dma_start3A_268 = tpu.memref_slice %arg6[%arg0, %dma_start3A_266, %dma_start3A_267] : memref<2x10000x128xf32, #tpu.memory_space<hbm>> -> memref<1x16x128xf32, #tpu.memory_space<hbm>>
        %dma_start3A_269 = tpu.memref_squeeze %dma_start3A_268 : memref<1x16x128xf32, #tpu.memory_space<hbm>> -> memref<16x128xf32, #tpu.memory_space<hbm>>
        %dma_start3A_270 = arith.constant 9984 : i32
        %dma_start3A_271 = arith.constant 0 : i32
        %dma_start3A_272 = tpu.memref_slice %arg8[%dma_start3A_270, %dma_start3A_271] : memref<10000x128xf32, #tpu.memory_space<vmem_shared>> -> memref<16x128xf32, #tpu.memory_space<vmem_shared>>
        tpu.enqueue_dma source(%dma_start3A_272 : memref<16x128xf32, #tpu.memory_space<vmem_shared>>) target(%dma_start3A_269 : memref<16x128xf32, #tpu.memory_space<hbm>>) target_semaphore(%run_scoped3A : memref<!tpu.dma_semaphore, #tpu.memory_space<semaphore_mem>>)
        %dma_wait3A_273 = arith.constant 9984 : i32
        %dma_wait3A_274 = arith.constant 0 : i32
        %dma_wait3A_275 = tpu.memref_slice %arg6[%arg0, %dma_wait3A_273, %dma_wait3A_274] : memref<2x10000x128xf32, #tpu.memory_space<hbm>> -> memref<1x16x128xf32, #tpu.memory_space<hbm>>
        %dma_wait3A_276 = tpu.memref_squeeze %dma_wait3A_275 : memref<1x16x128xf32, #tpu.memory_space<hbm>> -> memref<16x128xf32, #tpu.memory_space<hbm>>
        %dma_wait3A_277 = arith.constant 9984 : i32
        %dma_wait3A_278 = arith.constant 0 : i32
        %dma_wait3A_279 = tpu.memref_slice %arg8[%dma_wait3A_277, %dma_wait3A_278] : memref<10000x128xf32, #tpu.memory_space<vmem_shared>> -> memref<16x128xf32, #tpu.memory_space<vmem_shared>>
        tpu.wait_dma2 semaphore(%run_scoped3A : memref<!tpu.dma_semaphore, #tpu.memory_space<semaphore_mem>>) src(%dma_wait3A_279 : memref<16x128xf32, #tpu.memory_space<vmem_shared>>) dst(%dma_wait3A_276 : memref<16x128xf32, #tpu.memory_space<hbm>>)
        tpu.yield
      }) : () -> ()
    } else {
    }
    %mul3A_175 = arith.constant 624 : i32
    %mul3A_176 = arith.muli %arg1, %mul3A_175 : i32
    %add3A_177 = arith.constant 0 : i32
    %add3A_178 = arith.addi %mul3A_176, %add3A_177 : i32
    "tpu.region"() ({
      %run_scoped3A = tpu.sem_alloc : memref<!tpu.dma_semaphore, #tpu.memory_space<semaphore_mem>>
      %dma_start3A_266 = arith.constant 0 : i32
      %dma_start3A_267 = tpu.memref_slice %arg8[%add3A_178, %dma_start3A_266] : memref<10000x128xf32, #tpu.memory_space<vmem_shared>> -> memref<80x128xf32, #tpu.memory_space<vmem_shared>>
      %dma_start3A_268 = arith.constant 0 : i32
      %dma_start3A_269 = tpu.memref_slice %arg8[%add3A_178, %dma_start3A_268] : memref<10000x128xf32, #tpu.memory_space<vmem_shared>> -> memref<80x128xf32, #tpu.memory_space<vmem_shared>>
      tpu.enqueue_dma source(%arg12 : memref<80x128xf32, #tpu.memory_space<vmem>>) target(%dma_start3A_269 : memref<80x128xf32, #tpu.memory_space<vmem_shared>>) target_semaphore(%run_scoped3A : memref<!tpu.dma_semaphore, #tpu.memory_space<semaphore_mem>>)
      %dma_wait3A_270 = arith.constant 0 : i32
      %dma_wait3A_271 = tpu.memref_slice %arg8[%add3A_178, %dma_wait3A_270] : memref<10000x128xf32, #tpu.memory_space<vmem_shared>> -> memref<80x128xf32, #tpu.memory_space<vmem_shared>>
      %dma_wait3A_272 = arith.constant 0 : i32
      %dma_wait3A_273 = tpu.memref_slice %arg8[%add3A_178, %dma_wait3A_272] : memref<10000x128xf32, #tpu.memory_space<vmem_shared>> -> memref<80x128xf32, #tpu.memory_space<vmem_shared>>
      tpu.wait_dma2 semaphore(%run_scoped3A : memref<!tpu.dma_semaphore, #tpu.memory_space<semaphore_mem>>) src(%arg12 : memref<80x128xf32, #tpu.memory_space<vmem>>) dst(%dma_wait3A_273 : memref<80x128xf32, #tpu.memory_space<vmem_shared>>)
      tpu.yield
    }) : () -> ()
    %mul3A_179 = arith.constant 624 : i32
    %mul3A_180 = arith.muli %arg1, %mul3A_179 : i32
    %add3A_181 = arith.constant 80 : i32
    %add3A_182 = arith.addi %mul3A_180, %add3A_181 : i32
    "tpu.region"() ({
      %run_scoped3A = tpu.sem_alloc : memref<!tpu.dma_semaphore, #tpu.memory_space<semaphore_mem>>
      %dma_start3A_266 = arith.constant 0 : i32
      %dma_start3A_267 = tpu.memref_slice %arg8[%add3A_182, %dma_start3A_266] : memref<10000x128xf32, #tpu.memory_space<vmem_shared>> -> memref<80x128xf32, #tpu.memory_space<vmem_shared>>
      %dma_start3A_268 = arith.constant 0 : i32
      %dma_start3A_269 = tpu.memref_slice %arg8[%add3A_182, %dma_start3A_268] : memref<10000x128xf32, #tpu.memory_space<vmem_shared>> -> memref<80x128xf32, #tpu.memory_space<vmem_shared>>
      tpu.enqueue_dma source(%arg12 : memref<80x128xf32, #tpu.memory_space<vmem>>) target(%dma_start3A_269 : memref<80x128xf32, #tpu.memory_space<vmem_shared>>) target_semaphore(%run_scoped3A : memref<!tpu.dma_semaphore, #tpu.memory_space<semaphore_mem>>)
      %dma_wait3A_270 = arith.constant 0 : i32
      %dma_wait3A_271 = tpu.memref_slice %arg8[%add3A_182, %dma_wait3A_270] : memref<10000x128xf32, #tpu.memory_space<vmem_shared>> -> memref<80x128xf32, #tpu.memory_space<vmem_shared>>
      %dma_wait3A_272 = arith.constant 0 : i32
      %dma_wait3A_273 = tpu.memref_slice %arg8[%add3A_182, %dma_wait3A_272] : memref<10000x128xf32, #tpu.memory_space<vmem_shared>> -> memref<80x128xf32, #tpu.memory_space<vmem_shared>>
      tpu.wait_dma2 semaphore(%run_scoped3A : memref<!tpu.dma_semaphore, #tpu.memory_space<semaphore_mem>>) src(%arg12 : memref<80x128xf32, #tpu.memory_space<vmem>>) dst(%dma_wait3A_273 : memref<80x128xf32, #tpu.memory_space<vmem_shared>>)
      tpu.yield
    }) : () -> ()
    %mul3A_183 = arith.constant 624 : i32
    %mul3A_184 = arith.muli %arg1, %mul3A_183 : i32
    %add3A_185 = arith.constant 160 : i32
    %add3A_186 = arith.addi %mul3A_184, %add3A_185 : i32
    "tpu.region"() ({
      %run_scoped3A = tpu.sem_alloc : memref<!tpu.dma_semaphore, #tpu.memory_space<semaphore_mem>>
      %dma_start3A_266 = arith.constant 0 : i32
      %dma_start3A_267 = tpu.memref_slice %arg8[%add3A_186, %dma_start3A_266] : memref<10000x128xf32, #tpu.memory_space<vmem_shared>> -> memref<80x128xf32, #tpu.memory_space<vmem_shared>>
      %dma_start3A_268 = arith.constant 0 : i32
      %dma_start3A_269 = tpu.memref_slice %arg8[%add3A_186, %dma_start3A_268] : memref<10000x128xf32, #tpu.memory_space<vmem_shared>> -> memref<80x128xf32, #tpu.memory_space<vmem_shared>>
      tpu.enqueue_dma source(%arg12 : memref<80x128xf32, #tpu.memory_space<vmem>>) target(%dma_start3A_269 : memref<80x128xf32, #tpu.memory_space<vmem_shared>>) target_semaphore(%run_scoped3A : memref<!tpu.dma_semaphore, #tpu.memory_space<semaphore_mem>>)
      %dma_wait3A_270 = arith.constant 0 : i32
      %dma_wait3A_271 = tpu.memref_slice %arg8[%add3A_186, %dma_wait3A_270] : memref<10000x128xf32, #tpu.memory_space<vmem_shared>> -> memref<80x128xf32, #tpu.memory_space<vmem_shared>>
      %dma_wait3A_272 = arith.constant 0 : i32
      %dma_wait3A_273 = tpu.memref_slice %arg8[%add3A_186, %dma_wait3A_272] : memref<10000x128xf32, #tpu.memory_space<vmem_shared>> -> memref<80x128xf32, #tpu.memory_space<vmem_shared>>
      tpu.wait_dma2 semaphore(%run_scoped3A : memref<!tpu.dma_semaphore, #tpu.memory_space<semaphore_mem>>) src(%arg12 : memref<80x128xf32, #tpu.memory_space<vmem>>) dst(%dma_wait3A_273 : memref<80x128xf32, #tpu.memory_space<vmem_shared>>)
      tpu.yield
    }) : () -> ()
    %mul3A_187 = arith.constant 624 : i32
    %mul3A_188 = arith.muli %arg1, %mul3A_187 : i32
    %add3A_189 = arith.constant 240 : i32
    %add3A_190 = arith.addi %mul3A_188, %add3A_189 : i32
    "tpu.region"() ({
      %run_scoped3A = tpu.sem_alloc : memref<!tpu.dma_semaphore, #tpu.memory_space<semaphore_mem>>
      %dma_start3A_266 = arith.constant 0 : i32
      %dma_start3A_267 = tpu.memref_slice %arg8[%add3A_190, %dma_start3A_266] : memref<10000x128xf32, #tpu.memory_space<vmem_shared>> -> memref<80x128xf32, #tpu.memory_space<vmem_shared>>
      %dma_start3A_268 = arith.constant 0 : i32
      %dma_start3A_269 = tpu.memref_slice %arg8[%add3A_190, %dma_start3A_268] : memref<10000x128xf32, #tpu.memory_space<vmem_shared>> -> memref<80x128xf32, #tpu.memory_space<vmem_shared>>
      tpu.enqueue_dma source(%arg12 : memref<80x128xf32, #tpu.memory_space<vmem>>) target(%dma_start3A_269 : memref<80x128xf32, #tpu.memory_space<vmem_shared>>) target_semaphore(%run_scoped3A : memref<!tpu.dma_semaphore, #tpu.memory_space<semaphore_mem>>)
      %dma_wait3A_270 = arith.constant 0 : i32
      %dma_wait3A_271 = tpu.memref_slice %arg8[%add3A_190, %dma_wait3A_270] : memref<10000x128xf32, #tpu.memory_space<vmem_shared>> -> memref<80x128xf32, #tpu.memory_space<vmem_shared>>
      %dma_wait3A_272 = arith.constant 0 : i32
      %dma_wait3A_273 = tpu.memref_slice %arg8[%add3A_190, %dma_wait3A_272] : memref<10000x128xf32, #tpu.memory_space<vmem_shared>> -> memref<80x128xf32, #tpu.memory_space<vmem_shared>>
      tpu.wait_dma2 semaphore(%run_scoped3A : memref<!tpu.dma_semaphore, #tpu.memory_space<semaphore_mem>>) src(%arg12 : memref<80x128xf32, #tpu.memory_space<vmem>>) dst(%dma_wait3A_273 : memref<80x128xf32, #tpu.memory_space<vmem_shared>>)
      tpu.yield
    }) : () -> ()
    %mul3A_191 = arith.constant 624 : i32
    %mul3A_192 = arith.muli %arg1, %mul3A_191 : i32
    %add3A_193 = arith.constant 320 : i32
    %add3A_194 = arith.addi %mul3A_192, %add3A_193 : i32
    "tpu.region"() ({
      %run_scoped3A = tpu.sem_alloc : memref<!tpu.dma_semaphore, #tpu.memory_space<semaphore_mem>>
      %dma_start3A_266 = arith.constant 0 : i32
      %dma_start3A_267 = tpu.memref_slice %arg8[%add3A_194, %dma_start3A_266] : memref<10000x128xf32, #tpu.memory_space<vmem_shared>> -> memref<80x128xf32, #tpu.memory_space<vmem_shared>>
      %dma_start3A_268 = arith.constant 0 : i32
      %dma_start3A_269 = tpu.memref_slice %arg8[%add3A_194, %dma_start3A_268] : memref<10000x128xf32, #tpu.memory_space<vmem_shared>> -> memref<80x128xf32, #tpu.memory_space<vmem_shared>>
      tpu.enqueue_dma source(%arg12 : memref<80x128xf32, #tpu.memory_space<vmem>>) target(%dma_start3A_269 : memref<80x128xf32, #tpu.memory_space<vmem_shared>>) target_semaphore(%run_scoped3A : memref<!tpu.dma_semaphore, #tpu.memory_space<semaphore_mem>>)
      %dma_wait3A_270 = arith.constant 0 : i32
      %dma_wait3A_271 = tpu.memref_slice %arg8[%add3A_194, %dma_wait3A_270] : memref<10000x128xf32, #tpu.memory_space<vmem_shared>> -> memref<80x128xf32, #tpu.memory_space<vmem_shared>>
      %dma_wait3A_272 = arith.constant 0 : i32
      %dma_wait3A_273 = tpu.memref_slice %arg8[%add3A_194, %dma_wait3A_272] : memref<10000x128xf32, #tpu.memory_space<vmem_shared>> -> memref<80x128xf32, #tpu.memory_space<vmem_shared>>
      tpu.wait_dma2 semaphore(%run_scoped3A : memref<!tpu.dma_semaphore, #tpu.memory_space<semaphore_mem>>) src(%arg12 : memref<80x128xf32, #tpu.memory_space<vmem>>) dst(%dma_wait3A_273 : memref<80x128xf32, #tpu.memory_space<vmem_shared>>)
      tpu.yield
    }) : () -> ()
    %mul3A_195 = arith.constant 624 : i32
    %mul3A_196 = arith.muli %arg1, %mul3A_195 : i32
    %add3A_197 = arith.constant 400 : i32
    %add3A_198 = arith.addi %mul3A_196, %add3A_197 : i32
    "tpu.region"() ({
      %run_scoped3A = tpu.sem_alloc : memref<!tpu.dma_semaphore, #tpu.memory_space<semaphore_mem>>
      %dma_start3A_266 = arith.constant 0 : i32
      %dma_start3A_267 = tpu.memref_slice %arg8[%add3A_198, %dma_start3A_266] : memref<10000x128xf32, #tpu.memory_space<vmem_shared>> -> memref<80x128xf32, #tpu.memory_space<vmem_shared>>
      %dma_start3A_268 = arith.constant 0 : i32
      %dma_start3A_269 = tpu.memref_slice %arg8[%add3A_198, %dma_start3A_268] : memref<10000x128xf32, #tpu.memory_space<vmem_shared>> -> memref<80x128xf32, #tpu.memory_space<vmem_shared>>
      tpu.enqueue_dma source(%arg12 : memref<80x128xf32, #tpu.memory_space<vmem>>) target(%dma_start3A_269 : memref<80x128xf32, #tpu.memory_space<vmem_shared>>) target_semaphore(%run_scoped3A : memref<!tpu.dma_semaphore, #tpu.memory_space<semaphore_mem>>)
      %dma_wait3A_270 = arith.constant 0 : i32
      %dma_wait3A_271 = tpu.memref_slice %arg8[%add3A_198, %dma_wait3A_270] : memref<10000x128xf32, #tpu.memory_space<vmem_shared>> -> memref<80x128xf32, #tpu.memory_space<vmem_shared>>
      %dma_wait3A_272 = arith.constant 0 : i32
      %dma_wait3A_273 = tpu.memref_slice %arg8[%add3A_198, %dma_wait3A_272] : memref<10000x128xf32, #tpu.memory_space<vmem_shared>> -> memref<80x128xf32, #tpu.memory_space<vmem_shared>>
      tpu.wait_dma2 semaphore(%run_scoped3A : memref<!tpu.dma_semaphore, #tpu.memory_space<semaphore_mem>>) src(%arg12 : memref<80x128xf32, #tpu.memory_space<vmem>>) dst(%dma_wait3A_273 : memref<80x128xf32, #tpu.memory_space<vmem_shared>>)
      tpu.yield
    }) : () -> ()
    %mul3A_199 = arith.constant 624 : i32
    %mul3A_200 = arith.muli %arg1, %mul3A_199 : i32
    %add3A_201 = arith.constant 480 : i32
    %add3A_202 = arith.addi %mul3A_200, %add3A_201 : i32
    "tpu.region"() ({
      %run_scoped3A = tpu.sem_alloc : memref<!tpu.dma_semaphore, #tpu.memory_space<semaphore_mem>>
      %dma_start3A_266 = arith.constant 0 : i32
      %dma_start3A_267 = tpu.memref_slice %arg8[%add3A_202, %dma_start3A_266] : memref<10000x128xf32, #tpu.memory_space<vmem_shared>> -> memref<80x128xf32, #tpu.memory_space<vmem_shared>>
      %dma_start3A_268 = arith.constant 0 : i32
      %dma_start3A_269 = tpu.memref_slice %arg8[%add3A_202, %dma_start3A_268] : memref<10000x128xf32, #tpu.memory_space<vmem_shared>> -> memref<80x128xf32, #tpu.memory_space<vmem_shared>>
      tpu.enqueue_dma source(%arg12 : memref<80x128xf32, #tpu.memory_space<vmem>>) target(%dma_start3A_269 : memref<80x128xf32, #tpu.memory_space<vmem_shared>>) target_semaphore(%run_scoped3A : memref<!tpu.dma_semaphore, #tpu.memory_space<semaphore_mem>>)
      %dma_wait3A_270 = arith.constant 0 : i32
      %dma_wait3A_271 = tpu.memref_slice %arg8[%add3A_202, %dma_wait3A_270] : memref<10000x128xf32, #tpu.memory_space<vmem_shared>> -> memref<80x128xf32, #tpu.memory_space<vmem_shared>>
      %dma_wait3A_272 = arith.constant 0 : i32
      %dma_wait3A_273 = tpu.memref_slice %arg8[%add3A_202, %dma_wait3A_272] : memref<10000x128xf32, #tpu.memory_space<vmem_shared>> -> memref<80x128xf32, #tpu.memory_space<vmem_shared>>
      tpu.wait_dma2 semaphore(%run_scoped3A : memref<!tpu.dma_semaphore, #tpu.memory_space<semaphore_mem>>) src(%arg12 : memref<80x128xf32, #tpu.memory_space<vmem>>) dst(%dma_wait3A_273 : memref<80x128xf32, #tpu.memory_space<vmem_shared>>)
      tpu.yield
    }) : () -> ()
    %mul3A_203 = arith.constant 624 : i32
    %mul3A_204 = arith.muli %arg1, %mul3A_203 : i32
    %add3A_205 = arith.constant 560 : i32
    %add3A_206 = arith.addi %mul3A_204, %add3A_205 : i32
    "tpu.region"() ({
      %run_scoped3A = tpu.sem_alloc : memref<!tpu.dma_semaphore, #tpu.memory_space<semaphore_mem>>
      %dma_start3A_266 = arith.constant 0 : i32
      %dma_start3A_267 = arith.constant 0 : i32
      %dma_start3A_268 = tpu.memref_slice %arg12[%dma_start3A_266, %dma_start3A_267] : memref<80x128xf32, #tpu.memory_space<vmem>> -> memref<64x128xf32, #tpu.memory_space<vmem>>
      %dma_start3A_269 = arith.constant 0 : i32
      %dma_start3A_270 = tpu.memref_slice %arg8[%add3A_206, %dma_start3A_269] : memref<10000x128xf32, #tpu.memory_space<vmem_shared>> -> memref<64x128xf32, #tpu.memory_space<vmem_shared>>
      %dma_start3A_271 = arith.constant 0 : i32
      %dma_start3A_272 = tpu.memref_slice %arg8[%add3A_206, %dma_start3A_271] : memref<10000x128xf32, #tpu.memory_space<vmem_shared>> -> memref<64x128xf32, #tpu.memory_space<vmem_shared>>
      %dma_start3A_273 = arith.constant 0 : i32
      %dma_start3A_274 = arith.constant 0 : i32
      %dma_start3A_275 = tpu.memref_slice %arg12[%dma_start3A_273, %dma_start3A_274] : memref<80x128xf32, #tpu.memory_space<vmem>> -> memref<64x128xf32, #tpu.memory_space<vmem>>
      tpu.enqueue_dma source(%dma_start3A_275 : memref<64x128xf32, #tpu.memory_space<vmem>>) target(%dma_start3A_272 : memref<64x128xf32, #tpu.memory_space<vmem_shared>>) target_semaphore(%run_scoped3A : memref<!tpu.dma_semaphore, #tpu.memory_space<semaphore_mem>>)
      %dma_wait3A_276 = arith.constant 0 : i32
      %dma_wait3A_277 = arith.constant 0 : i32
      %dma_wait3A_278 = tpu.memref_slice %arg12[%dma_wait3A_276, %dma_wait3A_277] : memref<80x128xf32, #tpu.memory_space<vmem>> -> memref<64x128xf32, #tpu.memory_space<vmem>>
      %dma_wait3A_279 = arith.constant 0 : i32
      %dma_wait3A_280 = tpu.memref_slice %arg8[%add3A_206, %dma_wait3A_279] : memref<10000x128xf32, #tpu.memory_space<vmem_shared>> -> memref<64x128xf32, #tpu.memory_space<vmem_shared>>
      %dma_wait3A_281 = arith.constant 0 : i32
      %dma_wait3A_282 = tpu.memref_slice %arg8[%add3A_206, %dma_wait3A_281] : memref<10000x128xf32, #tpu.memory_space<vmem_shared>> -> memref<64x128xf32, #tpu.memory_space<vmem_shared>>
      %dma_wait3A_283 = arith.constant 0 : i32
      %dma_wait3A_284 = arith.constant 0 : i32
      %dma_wait3A_285 = tpu.memref_slice %arg12[%dma_wait3A_283, %dma_wait3A_284] : memref<80x128xf32, #tpu.memory_space<vmem>> -> memref<64x128xf32, #tpu.memory_space<vmem>>
      tpu.wait_dma2 semaphore(%run_scoped3A : memref<!tpu.dma_semaphore, #tpu.memory_space<semaphore_mem>>) src(%dma_wait3A_285 : memref<64x128xf32, #tpu.memory_space<vmem>>) dst(%dma_wait3A_282 : memref<64x128xf32, #tpu.memory_space<vmem_shared>>)
      tpu.yield
    }) : () -> ()
    %eq3A_207 = arith.constant 15 : i32
    %eq3A_208 = arith.cmpi eq, %arg1, %eq3A_207 : i32
    %convert_element_type3A_209 = arith.extui %eq3A_208 : i1 to i32
    %cond3A_210 = arith.constant 0 : i32
    %cond3A_211 = arith.cmpi ne, %convert_element_type3A_209, %cond3A_210 : i32
    scf.if %cond3A_211 {
      "tpu.region"() ({
        %run_scoped3A = tpu.sem_alloc : memref<!tpu.dma_semaphore, #tpu.memory_space<semaphore_mem>>
        %dma_start3A_266 = arith.constant 0 : i32
        %dma_start3A_267 = arith.constant 0 : i32
        %dma_start3A_268 = tpu.memref_slice %arg12[%dma_start3A_266, %dma_start3A_267] : memref<80x128xf32, #tpu.memory_space<vmem>> -> memref<16x128xf32, #tpu.memory_space<vmem>>
        %dma_start3A_269 = arith.constant 9984 : i32
        %dma_start3A_270 = arith.constant 0 : i32
        %dma_start3A_271 = tpu.memref_slice %arg8[%dma_start3A_269, %dma_start3A_270] : memref<10000x128xf32, #tpu.memory_space<vmem_shared>> -> memref<16x128xf32, #tpu.memory_space<vmem_shared>>
        %dma_start3A_272 = arith.constant 9984 : i32
        %dma_start3A_273 = arith.constant 0 : i32
        %dma_start3A_274 = tpu.memref_slice %arg8[%dma_start3A_272, %dma_start3A_273] : memref<10000x128xf32, #tpu.memory_space<vmem_shared>> -> memref<16x128xf32, #tpu.memory_space<vmem_shared>>
        %dma_start3A_275 = arith.constant 0 : i32
        %dma_start3A_276 = arith.constant 0 : i32
        %dma_start3A_277 = tpu.memref_slice %arg12[%dma_start3A_275, %dma_start3A_276] : memref<80x128xf32, #tpu.memory_space<vmem>> -> memref<16x128xf32, #tpu.memory_space<vmem>>
        tpu.enqueue_dma source(%dma_start3A_277 : memref<16x128xf32, #tpu.memory_space<vmem>>) target(%dma_start3A_274 : memref<16x128xf32, #tpu.memory_space<vmem_shared>>) target_semaphore(%run_scoped3A : memref<!tpu.dma_semaphore, #tpu.memory_space<semaphore_mem>>)
        %dma_wait3A_278 = arith.constant 0 : i32
        %dma_wait3A_279 = arith.constant 0 : i32
        %dma_wait3A_280 = tpu.memref_slice %arg12[%dma_wait3A_278, %dma_wait3A_279] : memref<80x128xf32, #tpu.memory_space<vmem>> -> memref<16x128xf32, #tpu.memory_space<vmem>>
        %dma_wait3A_281 = arith.constant 9984 : i32
        %dma_wait3A_282 = arith.constant 0 : i32
        %dma_wait3A_283 = tpu.memref_slice %arg8[%dma_wait3A_281, %dma_wait3A_282] : memref<10000x128xf32, #tpu.memory_space<vmem_shared>> -> memref<16x128xf32, #tpu.memory_space<vmem_shared>>
        %dma_wait3A_284 = arith.constant 9984 : i32
        %dma_wait3A_285 = arith.constant 0 : i32
        %dma_wait3A_286 = tpu.memref_slice %arg8[%dma_wait3A_284, %dma_wait3A_285] : memref<10000x128xf32, #tpu.memory_space<vmem_shared>> -> memref<16x128xf32, #tpu.memory_space<vmem_shared>>
        %dma_wait3A_287 = arith.constant 0 : i32
        %dma_wait3A_288 = arith.constant 0 : i32
        %dma_wait3A_289 = tpu.memref_slice %arg12[%dma_wait3A_287, %dma_wait3A_288] : memref<80x128xf32, #tpu.memory_space<vmem>> -> memref<16x128xf32, #tpu.memory_space<vmem>>
        tpu.wait_dma2 semaphore(%run_scoped3A : memref<!tpu.dma_semaphore, #tpu.memory_space<semaphore_mem>>) src(%dma_wait3A_289 : memref<16x128xf32, #tpu.memory_space<vmem>>) dst(%dma_wait3A_286 : memref<16x128xf32, #tpu.memory_space<vmem_shared>>)
        tpu.yield
      }) : () -> ()
    } else {
    }
    %barrier3A_212 = arith.constant 0 : index
    tpu.barrier barrier_id(%barrier3A_212)
    %add3A_213 = arith.addi %mul3A_19, %mul3A_16 : i32
    %add3A_214 = arith.constant 19840 : i32
    %add3A_215 = arith.addi %add3A_213, %add3A_214 : i32
    %dma_start3A_216 = tpu.memref_slice %arg3[%add3A_215] : memref<640000xi32, #tpu.memory_space<hbm>> -> memref<80xi32, #tpu.memory_space<hbm>>
    %dma_start3A_217 = tpu.memref_slice %arg3[%add3A_215] : memref<640000xi32, #tpu.memory_space<hbm>> -> memref<80xi32, #tpu.memory_space<hbm>>
    tpu.enqueue_dma source(%dma_start3A_217 : memref<80xi32, #tpu.memory_space<hbm>>) target(%arg13 : memref<80xi32, #tpu.memory_space<vmem>>) target_semaphore(%arg19 : memref<!tpu.dma_semaphore, #tpu.memory_space<semaphore_mem>>)
    %add3A_218 = arith.addi %mul3A_19, %mul3A_16 : i32
    %add3A_219 = arith.constant 19840 : i32
    %add3A_220 = arith.addi %add3A_218, %add3A_219 : i32
    %dma_wait3A_221 = tpu.memref_slice %arg3[%add3A_220] : memref<640000xi32, #tpu.memory_space<hbm>> -> memref<80xi32, #tpu.memory_space<hbm>>
    %dma_wait3A_222 = tpu.memref_slice %arg3[%add3A_220] : memref<640000xi32, #tpu.memory_space<hbm>> -> memref<80xi32, #tpu.memory_space<hbm>>
    tpu.wait_dma2 semaphore(%arg19 : memref<!tpu.dma_semaphore, #tpu.memory_space<semaphore_mem>>) src(%dma_wait3A_222 : memref<80xi32, #tpu.memory_space<hbm>>) dst(%arg13 : memref<80xi32, #tpu.memory_space<vmem>>)
    "tpu.region"() ({
      %run_scoped3A = tpu.sem_alloc : memref<!tpu.dma_semaphore, #tpu.memory_space<semaphore_mem>>
      %dma_start3A_266 = arith.constant 0 : i32
      %dma_start3A_267 = arith.constant 0 : i32
      %dma_start3A_268 = tpu.memref_slice %arg8[%dma_start3A_266, %dma_start3A_267] : memref<10000x128xf32, #tpu.memory_space<vmem_shared>> -> memref<10000x128xf32, #tpu.memory_space<vmem_shared>>
      tpu.enqueue_indirect_dma source(%arg11 : memref<80x128xf32, #tpu.memory_space<vmem>>) target(%dma_start3A_268 : memref<10000x128xf32, #tpu.memory_space<vmem_shared>>) offsets(%arg13 : memref<80xi32, #tpu.memory_space<vmem>>) semaphore(%run_scoped3A : memref<!tpu.dma_semaphore, #tpu.memory_space<semaphore_mem>>) {add = true}
      %dma_wait3A_269 = arith.constant 0 : i32
      %dma_wait3A_270 = arith.constant 0 : i32
      %dma_wait3A_271 = tpu.memref_slice %arg8[%dma_wait3A_269, %dma_wait3A_270] : memref<10000x128xf32, #tpu.memory_space<vmem_shared>> -> memref<10000x128xf32, #tpu.memory_space<vmem_shared>>
      tpu.wait_indirect_dma semaphore(%run_scoped3A : memref<!tpu.dma_semaphore, #tpu.memory_space<semaphore_mem>>) src(%arg11 : memref<80x128xf32, #tpu.memory_space<vmem>>) dst(%dma_wait3A_271 : memref<10000x128xf32, #tpu.memory_space<vmem_shared>>)
      tpu.yield
    }) : () -> ()
    %add3A_223 = arith.addi %mul3A_19, %mul3A_16 : i32
    %add3A_224 = arith.constant 19920 : i32
    %add3A_225 = arith.addi %add3A_223, %add3A_224 : i32
    %dma_start3A_226 = tpu.memref_slice %arg3[%add3A_225] : memref<640000xi32, #tpu.memory_space<hbm>> -> memref<80xi32, #tpu.memory_space<hbm>>
    %dma_start3A_227 = tpu.memref_slice %arg3[%add3A_225] : memref<640000xi32, #tpu.memory_space<hbm>> -> memref<80xi32, #tpu.memory_space<hbm>>
    tpu.enqueue_dma source(%dma_start3A_227 : memref<80xi32, #tpu.memory_space<hbm>>) target(%arg13 : memref<80xi32, #tpu.memory_space<vmem>>) target_semaphore(%arg19 : memref<!tpu.dma_semaphore, #tpu.memory_space<semaphore_mem>>)
    %add3A_228 = arith.addi %mul3A_19, %mul3A_16 : i32
    %add3A_229 = arith.constant 19920 : i32
    %add3A_230 = arith.addi %add3A_228, %add3A_229 : i32
    %dma_wait3A_231 = tpu.memref_slice %arg3[%add3A_230] : memref<640000xi32, #tpu.memory_space<hbm>> -> memref<80xi32, #tpu.memory_space<hbm>>
    %dma_wait3A_232 = tpu.memref_slice %arg3[%add3A_230] : memref<640000xi32, #tpu.memory_space<hbm>> -> memref<80xi32, #tpu.memory_space<hbm>>
    tpu.wait_dma2 semaphore(%arg19 : memref<!tpu.dma_semaphore, #tpu.memory_space<semaphore_mem>>) src(%dma_wait3A_232 : memref<80xi32, #tpu.memory_space<hbm>>) dst(%arg13 : memref<80xi32, #tpu.memory_space<vmem>>)
    "tpu.region"() ({
      %run_scoped3A = tpu.sem_alloc : memref<!tpu.dma_semaphore, #tpu.memory_space<semaphore_mem>>
      %dma_start3A_266 = arith.constant 0 : i32
      %dma_start3A_267 = arith.constant 0 : i32
      %dma_start3A_268 = tpu.memref_slice %arg8[%dma_start3A_266, %dma_start3A_267] : memref<10000x128xf32, #tpu.memory_space<vmem_shared>> -> memref<10000x128xf32, #tpu.memory_space<vmem_shared>>
      tpu.enqueue_indirect_dma source(%arg11 : memref<80x128xf32, #tpu.memory_space<vmem>>) target(%dma_start3A_268 : memref<10000x128xf32, #tpu.memory_space<vmem_shared>>) offsets(%arg13 : memref<80xi32, #tpu.memory_space<vmem>>) semaphore(%run_scoped3A : memref<!tpu.dma_semaphore, #tpu.memory_space<semaphore_mem>>) {add = true}
      %dma_wait3A_269 = arith.constant 0 : i32
      %dma_wait3A_270 = arith.constant 0 : i32
      %dma_wait3A_271 = tpu.memref_slice %arg8[%dma_wait3A_269, %dma_wait3A_270] : memref<10000x128xf32, #tpu.memory_space<vmem_shared>> -> memref<10000x128xf32, #tpu.memory_space<vmem_shared>>
      tpu.wait_indirect_dma semaphore(%run_scoped3A : memref<!tpu.dma_semaphore, #tpu.memory_space<semaphore_mem>>) src(%arg11 : memref<80x128xf32, #tpu.memory_space<vmem>>) dst(%dma_wait3A_271 : memref<10000x128xf32, #tpu.memory_space<vmem_shared>>)
      tpu.yield
    }) : () -> ()
    %add3A_233 = arith.addi %mul3A_19, %mul3A_16 : i32
    %add3A_234 = arith.constant 0 : i32
    %add3A_235 = arith.addi %add3A_233, %add3A_234 : i32
    %dma_start3A_236 = tpu.memref_slice %arg3[%add3A_235] : memref<640000xi32, #tpu.memory_space<hbm>> -> memref<80xi32, #tpu.memory_space<hbm>>
    %dma_start3A_237 = tpu.memref_slice %arg3[%add3A_235] : memref<640000xi32, #tpu.memory_space<hbm>> -> memref<80xi32, #tpu.memory_space<hbm>>
    tpu.enqueue_dma source(%dma_start3A_237 : memref<80xi32, #tpu.memory_space<hbm>>) target(%arg13 : memref<80xi32, #tpu.memory_space<vmem>>) target_semaphore(%arg19 : memref<!tpu.dma_semaphore, #tpu.memory_space<semaphore_mem>>)
    %add3A_238 = arith.addi %mul3A_19, %mul3A_16 : i32
    %add3A_239 = arith.constant 80 : i32
    %add3A_240 = arith.addi %add3A_238, %add3A_239 : i32
    %dma_start3A_241 = tpu.memref_slice %arg3[%add3A_240] : memref<640000xi32, #tpu.memory_space<hbm>> -> memref<80xi32, #tpu.memory_space<hbm>>
    %dma_start3A_242 = tpu.memref_slice %arg3[%add3A_240] : memref<640000xi32, #tpu.memory_space<hbm>> -> memref<80xi32, #tpu.memory_space<hbm>>
    tpu.enqueue_dma source(%dma_start3A_242 : memref<80xi32, #tpu.memory_space<hbm>>) target(%arg14 : memref<80xi32, #tpu.memory_space<vmem>>) target_semaphore(%arg20 : memref<!tpu.dma_semaphore, #tpu.memory_space<semaphore_mem>>)
    %scan3A_243 = arith.constant 0 : i32
    %scan3A_244 = arith.constant 0 : i32
    %scan3A_245 = arith.constant 62 : i32
    %scan3A_246 = arith.addi %scan3A_244, %scan3A_245 : i32
    %scan3A_247 = arith.constant 1 : i32
    %scan3A_248 = scf.for %scan3A_266 = %scan3A_244 to %scan3A_246 step %scan3A_247 iter_args(%scan3A_267 = %scan3A_243) -> (i32)  : i32 {
      %mul3A_268 = arith.constant 4 : i32
      %mul3A_269 = arith.muli %scan3A_266, %mul3A_268 : i32
      %add3A_270 = arith.constant 0 : i32
      %add3A_271 = arith.addi %mul3A_269, %add3A_270 : i32
      %add3A_272 = arith.addi %mul3A_19, %mul3A_16 : i32
      %mul3A_273 = arith.constant 80 : i32
      %mul3A_274 = arith.muli %add3A_271, %mul3A_273 : i32
      %add3A_275 = arith.addi %add3A_272, %mul3A_274 : i32
      %dma_wait3A_276 = tpu.memref_slice %arg3[%add3A_275] : memref<640000xi32, #tpu.memory_space<hbm>> -> memref<80xi32, #tpu.memory_space<hbm>>
      %dma_wait3A_277 = tpu.memref_slice %arg3[%add3A_275] : memref<640000xi32, #tpu.memory_space<hbm>> -> memref<80xi32, #tpu.memory_space<hbm>>
      tpu.wait_dma2 semaphore(%arg19 : memref<!tpu.dma_semaphore, #tpu.memory_space<semaphore_mem>>) src(%dma_wait3A_277 : memref<80xi32, #tpu.memory_space<hbm>>) dst(%arg13 : memref<80xi32, #tpu.memory_space<vmem>>)
      %dma_start3A_278 = arith.constant 0 : i32
      %dma_start3A_279 = arith.constant 0 : i32
      %dma_start3A_280 = tpu.memref_slice %arg8[%dma_start3A_278, %dma_start3A_279] : memref<10000x128xf32, #tpu.memory_space<vmem_shared>> -> memref<10000x128xf32, #tpu.memory_space<vmem_shared>>
      tpu.enqueue_indirect_dma source(%arg11 : memref<80x128xf32, #tpu.memory_space<vmem>>) target(%dma_start3A_280 : memref<10000x128xf32, #tpu.memory_space<vmem_shared>>) offsets(%arg13 : memref<80xi32, #tpu.memory_space<vmem>>) semaphore(%arg17 : memref<!tpu.dma_semaphore, #tpu.memory_space<semaphore_mem>>) {add = true}
      %gt3A = arith.constant 0 : i32
      %gt3A_281 = arith.cmpi sgt, %scan3A_266, %gt3A : i32
      %convert_element_type3A_282 = arith.extui %gt3A_281 : i1 to i32
      %cond3A_283 = arith.constant 0 : i32
      %cond3A_284 = arith.cmpi ne, %convert_element_type3A_282, %cond3A_283 : i32
      scf.if %cond3A_284 {
        %dma_wait3A_361 = arith.constant 0 : i32
        %dma_wait3A_362 = arith.constant 0 : i32
        %dma_wait3A_363 = tpu.memref_slice %arg8[%dma_wait3A_361, %dma_wait3A_362] : memref<10000x128xf32, #tpu.memory_space<vmem_shared>> -> memref<10000x128xf32, #tpu.memory_space<vmem_shared>>
        tpu.wait_indirect_dma semaphore(%arg23 : memref<!tpu.dma_semaphore, #tpu.memory_space<semaphore_mem>>) src(%arg11 : memref<80x128xf32, #tpu.memory_space<vmem>>) dst(%dma_wait3A_363 : memref<10000x128xf32, #tpu.memory_space<vmem_shared>>)
      } else {
      }
      %add3A_285 = arith.constant 2 : i32
      %add3A_286 = arith.addi %add3A_271, %add3A_285 : i32
      %add3A_287 = arith.addi %mul3A_19, %mul3A_16 : i32
      %mul3A_288 = arith.constant 80 : i32
      %mul3A_289 = arith.muli %add3A_286, %mul3A_288 : i32
      %add3A_290 = arith.addi %add3A_287, %mul3A_289 : i32
      %dma_start3A_291 = tpu.memref_slice %arg3[%add3A_290] : memref<640000xi32, #tpu.memory_space<hbm>> -> memref<80xi32, #tpu.memory_space<hbm>>
      %dma_start3A_292 = tpu.memref_slice %arg3[%add3A_290] : memref<640000xi32, #tpu.memory_space<hbm>> -> memref<80xi32, #tpu.memory_space<hbm>>
      tpu.enqueue_dma source(%dma_start3A_292 : memref<80xi32, #tpu.memory_space<hbm>>) target(%arg15 : memref<80xi32, #tpu.memory_space<vmem>>) target_semaphore(%arg21 : memref<!tpu.dma_semaphore, #tpu.memory_space<semaphore_mem>>)
      %mul3A_293 = arith.constant 4 : i32
      %mul3A_294 = arith.muli %scan3A_266, %mul3A_293 : i32
      %add3A_295 = arith.constant 1 : i32
      %add3A_296 = arith.addi %mul3A_294, %add3A_295 : i32
      %add3A_297 = arith.addi %mul3A_19, %mul3A_16 : i32
      %mul3A_298 = arith.constant 80 : i32
      %mul3A_299 = arith.muli %add3A_296, %mul3A_298 : i32
      %add3A_300 = arith.addi %add3A_297, %mul3A_299 : i32
      %dma_wait3A_301 = tpu.memref_slice %arg3[%add3A_300] : memref<640000xi32, #tpu.memory_space<hbm>> -> memref<80xi32, #tpu.memory_space<hbm>>
      %dma_wait3A_302 = tpu.memref_slice %arg3[%add3A_300] : memref<640000xi32, #tpu.memory_space<hbm>> -> memref<80xi32, #tpu.memory_space<hbm>>
      tpu.wait_dma2 semaphore(%arg20 : memref<!tpu.dma_semaphore, #tpu.memory_space<semaphore_mem>>) src(%dma_wait3A_302 : memref<80xi32, #tpu.memory_space<hbm>>) dst(%arg14 : memref<80xi32, #tpu.memory_space<vmem>>)
      %dma_start3A_303 = arith.constant 0 : i32
      %dma_start3A_304 = arith.constant 0 : i32
      %dma_start3A_305 = tpu.memref_slice %arg8[%dma_start3A_303, %dma_start3A_304] : memref<10000x128xf32, #tpu.memory_space<vmem_shared>> -> memref<10000x128xf32, #tpu.memory_space<vmem_shared>>
      tpu.enqueue_indirect_dma source(%arg11 : memref<80x128xf32, #tpu.memory_space<vmem>>) target(%dma_start3A_305 : memref<10000x128xf32, #tpu.memory_space<vmem_shared>>) offsets(%arg14 : memref<80xi32, #tpu.memory_space<vmem>>) semaphore(%arg18 : memref<!tpu.dma_semaphore, #tpu.memory_space<semaphore_mem>>) {add = true}
      %gt3A_306 = arith.constant 0 : i32
      %gt3A_307 = arith.cmpi sgt, %scan3A_266, %gt3A_306 : i32
      %convert_element_type3A_308 = arith.extui %gt3A_307 : i1 to i32
      %cond3A_309 = arith.constant 0 : i32
      %cond3A_310 = arith.cmpi ne, %convert_element_type3A_308, %cond3A_309 : i32
      scf.if %cond3A_310 {
        %dma_wait3A_361 = arith.constant 0 : i32
        %dma_wait3A_362 = arith.constant 0 : i32
        %dma_wait3A_363 = tpu.memref_slice %arg8[%dma_wait3A_361, %dma_wait3A_362] : memref<10000x128xf32, #tpu.memory_space<vmem_shared>> -> memref<10000x128xf32, #tpu.memory_space<vmem_shared>>
        tpu.wait_indirect_dma semaphore(%arg24 : memref<!tpu.dma_semaphore, #tpu.memory_space<semaphore_mem>>) src(%arg11 : memref<80x128xf32, #tpu.memory_space<vmem>>) dst(%dma_wait3A_363 : memref<10000x128xf32, #tpu.memory_space<vmem_shared>>)
      } else {
      }
      %add3A_311 = arith.constant 2 : i32
      %add3A_312 = arith.addi %add3A_296, %add3A_311 : i32
      %add3A_313 = arith.addi %mul3A_19, %mul3A_16 : i32
      %mul3A_314 = arith.constant 80 : i32
      %mul3A_315 = arith.muli %add3A_312, %mul3A_314 : i32
      %add3A_316 = arith.addi %add3A_313, %mul3A_315 : i32
      %dma_start3A_317 = tpu.memref_slice %arg3[%add3A_316] : memref<640000xi32, #tpu.memory_space<hbm>> -> memref<80xi32, #tpu.memory_space<hbm>>
      %dma_start3A_318 = tpu.memref_slice %arg3[%add3A_316] : memref<640000xi32, #tpu.memory_space<hbm>> -> memref<80xi32, #tpu.memory_space<hbm>>
      tpu.enqueue_dma source(%dma_start3A_318 : memref<80xi32, #tpu.memory_space<hbm>>) target(%arg16 : memref<80xi32, #tpu.memory_space<vmem>>) target_semaphore(%arg22 : memref<!tpu.dma_semaphore, #tpu.memory_space<semaphore_mem>>)
      %mul3A_319 = arith.constant 4 : i32
      %mul3A_320 = arith.muli %scan3A_266, %mul3A_319 : i32
      %add3A_321 = arith.constant 2 : i32
      %add3A_322 = arith.addi %mul3A_320, %add3A_321 : i32
      %add3A_323 = arith.addi %mul3A_19, %mul3A_16 : i32
      %mul3A_324 = arith.constant 80 : i32
      %mul3A_325 = arith.muli %add3A_322, %mul3A_324 : i32
      %add3A_326 = arith.addi %add3A_323, %mul3A_325 : i32
      %dma_wait3A_327 = tpu.memref_slice %arg3[%add3A_326] : memref<640000xi32, #tpu.memory_space<hbm>> -> memref<80xi32, #tpu.memory_space<hbm>>
      %dma_wait3A_328 = tpu.memref_slice %arg3[%add3A_326] : memref<640000xi32, #tpu.memory_space<hbm>> -> memref<80xi32, #tpu.memory_space<hbm>>
      tpu.wait_dma2 semaphore(%arg21 : memref<!tpu.dma_semaphore, #tpu.memory_space<semaphore_mem>>) src(%dma_wait3A_328 : memref<80xi32, #tpu.memory_space<hbm>>) dst(%arg15 : memref<80xi32, #tpu.memory_space<vmem>>)
      %dma_start3A_329 = arith.constant 0 : i32
      %dma_start3A_330 = arith.constant 0 : i32
      %dma_start3A_331 = tpu.memref_slice %arg8[%dma_start3A_329, %dma_start3A_330] : memref<10000x128xf32, #tpu.memory_space<vmem_shared>> -> memref<10000x128xf32, #tpu.memory_space<vmem_shared>>
      tpu.enqueue_indirect_dma source(%arg11 : memref<80x128xf32, #tpu.memory_space<vmem>>) target(%dma_start3A_331 : memref<10000x128xf32, #tpu.memory_space<vmem_shared>>) offsets(%arg15 : memref<80xi32, #tpu.memory_space<vmem>>) semaphore(%arg23 : memref<!tpu.dma_semaphore, #tpu.memory_space<semaphore_mem>>) {add = true}
      %dma_wait3A_332 = arith.constant 0 : i32
      %dma_wait3A_333 = arith.constant 0 : i32
      %dma_wait3A_334 = tpu.memref_slice %arg8[%dma_wait3A_332, %dma_wait3A_333] : memref<10000x128xf32, #tpu.memory_space<vmem_shared>> -> memref<10000x128xf32, #tpu.memory_space<vmem_shared>>
      tpu.wait_indirect_dma semaphore(%arg17 : memref<!tpu.dma_semaphore, #tpu.memory_space<semaphore_mem>>) src(%arg11 : memref<80x128xf32, #tpu.memory_space<vmem>>) dst(%dma_wait3A_334 : memref<10000x128xf32, #tpu.memory_space<vmem_shared>>)
      %lt3A = arith.constant 61 : i32
      %lt3A_335 = arith.cmpi slt, %scan3A_266, %lt3A : i32
      %convert_element_type3A_336 = arith.extui %lt3A_335 : i1 to i32
      %cond3A_337 = arith.constant 0 : i32
      %cond3A_338 = arith.cmpi ne, %convert_element_type3A_336, %cond3A_337 : i32
      scf.if %cond3A_338 {
        %add3A_361 = arith.constant 2 : i32
        %add3A_362 = arith.addi %add3A_322, %add3A_361 : i32
        %add3A_363 = arith.addi %mul3A_19, %mul3A_16 : i32
        %mul3A_364 = arith.constant 80 : i32
        %mul3A_365 = arith.muli %add3A_362, %mul3A_364 : i32
        %add3A_366 = arith.addi %add3A_363, %mul3A_365 : i32
        %dma_start3A_367 = tpu.memref_slice %arg3[%add3A_366] : memref<640000xi32, #tpu.memory_space<hbm>> -> memref<80xi32, #tpu.memory_space<hbm>>
        %dma_start3A_368 = tpu.memref_slice %arg3[%add3A_366] : memref<640000xi32, #tpu.memory_space<hbm>> -> memref<80xi32, #tpu.memory_space<hbm>>
        tpu.enqueue_dma source(%dma_start3A_368 : memref<80xi32, #tpu.memory_space<hbm>>) target(%arg13 : memref<80xi32, #tpu.memory_space<vmem>>) target_semaphore(%arg19 : memref<!tpu.dma_semaphore, #tpu.memory_space<semaphore_mem>>)
      } else {
      }
      %mul3A_339 = arith.constant 4 : i32
      %mul3A_340 = arith.muli %scan3A_266, %mul3A_339 : i32
      %add3A_341 = arith.constant 3 : i32
      %add3A_342 = arith.addi %mul3A_340, %add3A_341 : i32
      %add3A_343 = arith.addi %mul3A_19, %mul3A_16 : i32
      %mul3A_344 = arith.constant 80 : i32
      %mul3A_345 = arith.muli %add3A_342, %mul3A_344 : i32
      %add3A_346 = arith.addi %add3A_343, %mul3A_345 : i32
      %dma_wait3A_347 = tpu.memref_slice %arg3[%add3A_346] : memref<640000xi32, #tpu.memory_space<hbm>> -> memref<80xi32, #tpu.memory_space<hbm>>
      %dma_wait3A_348 = tpu.memref_slice %arg3[%add3A_346] : memref<640000xi32, #tpu.memory_space<hbm>> -> memref<80xi32, #tpu.memory_space<hbm>>
      tpu.wait_dma2 semaphore(%arg22 : memref<!tpu.dma_semaphore, #tpu.memory_space<semaphore_mem>>) src(%dma_wait3A_348 : memref<80xi32, #tpu.memory_space<hbm>>) dst(%arg16 : memref<80xi32, #tpu.memory_space<vmem>>)
      %dma_start3A_349 = arith.constant 0 : i32
      %dma_start3A_350 = arith.constant 0 : i32
      %dma_start3A_351 = tpu.memref_slice %arg8[%dma_start3A_349, %dma_start3A_350] : memref<10000x128xf32, #tpu.memory_space<vmem_shared>> -> memref<10000x128xf32, #tpu.memory_space<vmem_shared>>
      tpu.enqueue_indirect_dma source(%arg11 : memref<80x128xf32, #tpu.memory_space<vmem>>) target(%dma_start3A_351 : memref<10000x128xf32, #tpu.memory_space<vmem_shared>>) offsets(%arg16 : memref<80xi32, #tpu.memory_space<vmem>>) semaphore(%arg24 : memref<!tpu.dma_semaphore, #tpu.memory_space<semaphore_mem>>) {add = true}
      %dma_wait3A_352 = arith.constant 0 : i32
      %dma_wait3A_353 = arith.constant 0 : i32
      %dma_wait3A_354 = tpu.memref_slice %arg8[%dma_wait3A_352, %dma_wait3A_353] : memref<10000x128xf32, #tpu.memory_space<vmem_shared>> -> memref<10000x128xf32, #tpu.memory_space<vmem_shared>>
      tpu.wait_indirect_dma semaphore(%arg18 : memref<!tpu.dma_semaphore, #tpu.memory_space<semaphore_mem>>) src(%arg11 : memref<80x128xf32, #tpu.memory_space<vmem>>) dst(%dma_wait3A_354 : memref<10000x128xf32, #tpu.memory_space<vmem_shared>>)
      %lt3A_355 = arith.constant 61 : i32
      %lt3A_356 = arith.cmpi slt, %scan3A_266, %lt3A_355 : i32
      %convert_element_type3A_357 = arith.extui %lt3A_356 : i1 to i32
      %cond3A_358 = arith.constant 0 : i32
      %cond3A_359 = arith.cmpi ne, %convert_element_type3A_357, %cond3A_358 : i32
      scf.if %cond3A_359 {
        %add3A_361 = arith.constant 2 : i32
        %add3A_362 = arith.addi %add3A_342, %add3A_361 : i32
        %add3A_363 = arith.addi %mul3A_19, %mul3A_16 : i32
        %mul3A_364 = arith.constant 80 : i32
        %mul3A_365 = arith.muli %add3A_362, %mul3A_364 : i32
        %add3A_366 = arith.addi %add3A_363, %mul3A_365 : i32
        %dma_start3A_367 = tpu.memref_slice %arg3[%add3A_366] : memref<640000xi32, #tpu.memory_space<hbm>> -> memref<80xi32, #tpu.memory_space<hbm>>
        %dma_start3A_368 = tpu.memref_slice %arg3[%add3A_366] : memref<640000xi32, #tpu.memory_space<hbm>> -> memref<80xi32, #tpu.memory_space<hbm>>
        tpu.enqueue_dma source(%dma_start3A_368 : memref<80xi32, #tpu.memory_space<hbm>>) target(%arg14 : memref<80xi32, #tpu.memory_space<vmem>>) target_semaphore(%arg20 : memref<!tpu.dma_semaphore, #tpu.memory_space<semaphore_mem>>)
      } else {
      }
      %scan3A_360 = arith.constant 0 : i32
      scf.yield %scan3A_360 : i32
    }
    %scan3A_249 = arith.constant 62 : i32
    %dma_wait3A_250 = arith.constant 0 : i32
    %dma_wait3A_251 = arith.constant 0 : i32
    %dma_wait3A_252 = tpu.memref_slice %arg8[%dma_wait3A_250, %dma_wait3A_251] : memref<10000x128xf32, #tpu.memory_space<vmem_shared>> -> memref<10000x128xf32, #tpu.memory_space<vmem_shared>>
    tpu.wait_indirect_dma semaphore(%arg23 : memref<!tpu.dma_semaphore, #tpu.memory_space<semaphore_mem>>) src(%arg11 : memref<80x128xf32, #tpu.memory_space<vmem>>) dst(%dma_wait3A_252 : memref<10000x128xf32, #tpu.memory_space<vmem_shared>>)
    %dma_wait3A_253 = arith.constant 0 : i32
    %dma_wait3A_254 = arith.constant 0 : i32
    %dma_wait3A_255 = tpu.memref_slice %arg8[%dma_wait3A_253, %dma_wait3A_254] : memref<10000x128xf32, #tpu.memory_space<vmem_shared>> -> memref<10000x128xf32, #tpu.memory_space<vmem_shared>>
    tpu.wait_indirect_dma semaphore(%arg24 : memref<!tpu.dma_semaphore, #tpu.memory_space<semaphore_mem>>) src(%arg11 : memref<80x128xf32, #tpu.memory_space<vmem>>) dst(%dma_wait3A_255 : memref<10000x128xf32, #tpu.memory_space<vmem_shared>>)
    %barrier3A_256 = arith.constant 0 : index
    tpu.barrier barrier_id(%barrier3A_256)
    %mul3A_257 = arith.constant 624 : i32
    %mul3A_258 = arith.muli %arg1, %mul3A_257 : i32
    %mul3A_259 = arith.constant 624 : i32
    %mul3A_260 = arith.muli %arg1, %mul3A_259 : i32
    "tpu.region"() ({
      %run_scoped3A = tpu.sem_alloc : memref<!tpu.dma_semaphore, #tpu.memory_space<semaphore_mem>>
      %dma_start3A_266 = arith.constant 0 : i32
      %dma_start3A_267 = tpu.memref_slice %arg7[%arg0, %mul3A_260, %dma_start3A_266] : memref<2x10000x128xf32, #tpu.memory_space<hbm>> -> memref<1x624x128xf32, #tpu.memory_space<hbm>>
      %dma_start3A_268 = tpu.memref_squeeze %dma_start3A_267 : memref<1x624x128xf32, #tpu.memory_space<hbm>> -> memref<624x128xf32, #tpu.memory_space<hbm>>
      %dma_start3A_269 = arith.constant 0 : i32
      %dma_start3A_270 = tpu.memref_slice %arg8[%mul3A_258, %dma_start3A_269] : memref<10000x128xf32, #tpu.memory_space<vmem_shared>> -> memref<624x128xf32, #tpu.memory_space<vmem_shared>>
      tpu.enqueue_dma source(%dma_start3A_270 : memref<624x128xf32, #tpu.memory_space<vmem_shared>>) target(%dma_start3A_268 : memref<624x128xf32, #tpu.memory_space<hbm>>) target_semaphore(%run_scoped3A : memref<!tpu.dma_semaphore, #tpu.memory_space<semaphore_mem>>)
      %dma_wait3A_271 = arith.constant 0 : i32
      %dma_wait3A_272 = tpu.memref_slice %arg7[%arg0, %mul3A_260, %dma_wait3A_271] : memref<2x10000x128xf32, #tpu.memory_space<hbm>> -> memref<1x624x128xf32, #tpu.memory_space<hbm>>
      %dma_wait3A_273 = tpu.memref_squeeze %dma_wait3A_272 : memref<1x624x128xf32, #tpu.memory_space<hbm>> -> memref<624x128xf32, #tpu.memory_space<hbm>>
      %dma_wait3A_274 = arith.constant 0 : i32
      %dma_wait3A_275 = tpu.memref_slice %arg8[%mul3A_258, %dma_wait3A_274] : memref<10000x128xf32, #tpu.memory_space<vmem_shared>> -> memref<624x128xf32, #tpu.memory_space<vmem_shared>>
      tpu.wait_dma2 semaphore(%run_scoped3A : memref<!tpu.dma_semaphore, #tpu.memory_space<semaphore_mem>>) src(%dma_wait3A_275 : memref<624x128xf32, #tpu.memory_space<vmem_shared>>) dst(%dma_wait3A_273 : memref<624x128xf32, #tpu.memory_space<hbm>>)
      tpu.yield
    }) : () -> ()
    %eq3A_261 = arith.constant 15 : i32
    %eq3A_262 = arith.cmpi eq, %arg1, %eq3A_261 : i32
    %convert_element_type3A_263 = arith.extui %eq3A_262 : i1 to i32
    %cond3A_264 = arith.constant 0 : i32
    %cond3A_265 = arith.cmpi ne, %convert_element_type3A_263, %cond3A_264 : i32
    scf.if %cond3A_265 {
      "tpu.region"() ({
        %run_scoped3A = tpu.sem_alloc : memref<!tpu.dma_semaphore, #tpu.memory_space<semaphore_mem>>
        %dma_start3A_266 = arith.constant 9984 : i32
        %dma_start3A_267 = arith.constant 0 : i32
        %dma_start3A_268 = tpu.memref_slice %arg7[%arg0, %dma_start3A_266, %dma_start3A_267] : memref<2x10000x128xf32, #tpu.memory_space<hbm>> -> memref<1x16x128xf32, #tpu.memory_space<hbm>>
        %dma_start3A_269 = tpu.memref_squeeze %dma_start3A_268 : memref<1x16x128xf32, #tpu.memory_space<hbm>> -> memref<16x128xf32, #tpu.memory_space<hbm>>
        %dma_start3A_270 = arith.constant 9984 : i32
        %dma_start3A_271 = arith.constant 0 : i32
        %dma_start3A_272 = tpu.memref_slice %arg8[%dma_start3A_270, %dma_start3A_271] : memref<10000x128xf32, #tpu.memory_space<vmem_shared>> -> memref<16x128xf32, #tpu.memory_space<vmem_shared>>
        tpu.enqueue_dma source(%dma_start3A_272 : memref<16x128xf32, #tpu.memory_space<vmem_shared>>) target(%dma_start3A_269 : memref<16x128xf32, #tpu.memory_space<hbm>>) target_semaphore(%run_scoped3A : memref<!tpu.dma_semaphore, #tpu.memory_space<semaphore_mem>>)
        %dma_wait3A_273 = arith.constant 9984 : i32
        %dma_wait3A_274 = arith.constant 0 : i32
        %dma_wait3A_275 = tpu.memref_slice %arg7[%arg0, %dma_wait3A_273, %dma_wait3A_274] : memref<2x10000x128xf32, #tpu.memory_space<hbm>> -> memref<1x16x128xf32, #tpu.memory_space<hbm>>
        %dma_wait3A_276 = tpu.memref_squeeze %dma_wait3A_275 : memref<1x16x128xf32, #tpu.memory_space<hbm>> -> memref<16x128xf32, #tpu.memory_space<hbm>>
        %dma_wait3A_277 = arith.constant 9984 : i32
        %dma_wait3A_278 = arith.constant 0 : i32
        %dma_wait3A_279 = tpu.memref_slice %arg8[%dma_wait3A_277, %dma_wait3A_278] : memref<10000x128xf32, #tpu.memory_space<vmem_shared>> -> memref<16x128xf32, #tpu.memory_space<vmem_shared>>
        tpu.wait_dma2 semaphore(%run_scoped3A : memref<!tpu.dma_semaphore, #tpu.memory_space<semaphore_mem>>) src(%dma_wait3A_279 : memref<16x128xf32, #tpu.memory_space<vmem_shared>>) dst(%dma_wait3A_276 : memref<16x128xf32, #tpu.memory_space<hbm>>)
        tpu.yield
      }) : () -> ()
    } else {
    }
    return
  }
}

module attributes {stable_mosaic.version = 14 : i64} {
  func.func @_tc_combine_kernel(%arg0: i32, %arg1: memref<1000x128xf32, #tpu.memory_space<vmem>>, %arg2: memref<1000x128xf32, #tpu.memory_space<vmem>>, %arg3: memref<1000x128xf32, #tpu.memory_space<vmem>>, %arg4: memref<1000x128xf32, #tpu.memory_space<vmem>>, %arg5: memref<1000x128xf32, #tpu.memory_space<vmem>>, %arg6: memref<1000x128xf32, #tpu.memory_space<vmem>>, %arg7: memref<1000x128xf32, #tpu.memory_space<vmem>>, %arg8: memref<384x128xf32, #tpu.memory_space<vmem>>, %arg9: memref<1x128xf32, #tpu.memory_space<vmem>>, %arg10: memref<1000x128xf32, #tpu.memory_space<vmem>>, %arg11: memref<8x128xf32, #tpu.memory_space<vmem>>) attributes {dimension_semantics = [#tpu.dimension_semantics<arbitrary>], iteration_bounds = array<i64: 10>, scalar_prefetch = 0 : i64, scratch_operands = 0 : i64, tpu.core_type = #tpu.core_type<tc>, window_params = [{transform_indices = @transform_0, window_bounds = array<i64: 1000, 128>}, {transform_indices = @transform_1, window_bounds = array<i64: 1000, 128>}, {transform_indices = @transform_2, window_bounds = array<i64: 1000, 128>}, {transform_indices = @transform_3, window_bounds = array<i64: 1000, 128>}, {transform_indices = @transform_4, window_bounds = array<i64: 1000, 128>}, {transform_indices = @transform_5, window_bounds = array<i64: 1000, 128>}, {transform_indices = @transform_6, window_bounds = array<i64: 1000, 128>}, {pipeline_mode = #tpu.pipeline_mode<synchronous>, transform_indices = @transform_7, window_bounds = array<i64: 384, 128>}, {pipeline_mode = #tpu.pipeline_mode<synchronous>, transform_indices = @transform_8, window_bounds = array<i64: 1, 128>}, {transform_indices = @transform_9, window_bounds = array<i64: 1000, 128>}, {pipeline_mode = #tpu.pipeline_mode<synchronous>, transform_indices = @transform_10, window_bounds = array<i64: 8, 128>}]} {
    %eq3A = arith.constant 0 : i32
    %eq3A_0 = arith.cmpi eq, %arg0, %eq3A : i32
    %convert_element_type3A = arith.extui %eq3A_0 : i1 to i32
    %cond3A = arith.constant 0 : i32
    %cond3A_1 = arith.cmpi ne, %convert_element_type3A, %cond3A : i32
    scf.if %cond3A_1 {
      %broadcast_in_dim3A_63 = arith.constant 0.000000e+00 : f32
      %broadcast_in_dim3A_64 = vector.broadcast %broadcast_in_dim3A_63 : f32 to vector<8x128xf32>
      %swap3A_65 = arith.constant 0 : index
      %swap3A_66 = arith.constant 0 : index
      %swap3A_67 = vector.load %arg11[%swap3A_65, %swap3A_66] : memref<8x128xf32, #tpu.memory_space<vmem>>, vector<8x128xf32>
      tpu.vector_store %arg11[%swap3A_65, %swap3A_66], %broadcast_in_dim3A_64 {strides = array<i32>} : memref<8x128xf32, #tpu.memory_space<vmem>>, vector<8x128xf32>,
    } else {
    }
    %get3A = arith.constant 0 : index
    %get3A_2 = arith.constant 0 : index
    %get3A_3 = vector.load %arg6[%get3A, %get3A_2] : memref<1000x128xf32, #tpu.memory_space<vmem>>, vector<1000x128xf32>
    %slice3A = vector.extract_strided_slice %get3A_3 {offsets = [0, 0], sizes = [1000, 1], strides = [1, 1]} : vector<1000x128xf32> to vector<1000x1xf32>
    %max3A = arith.constant 1.000000e+00 : f32
    %max3A_4 = vector.broadcast %max3A : f32 to vector<1000x1xf32>
    %max3A_5 = arith.maximumf %slice3A, %max3A_4 : vector<1000x1xf32>
    %get3A_6 = arith.constant 0 : index
    %get3A_7 = arith.constant 0 : index
    %get3A_8 = vector.load %arg7[%get3A_6, %get3A_7] : memref<1000x128xf32, #tpu.memory_space<vmem>>, vector<1000x128xf32>
    %slice3A_9 = vector.extract_strided_slice %get3A_8 {offsets = [0, 0], sizes = [1000, 1], strides = [1, 1]} : vector<1000x128xf32> to vector<1000x1xf32>
    %max3A_10 = arith.constant 1.000000e+00 : f32
    %max3A_11 = vector.broadcast %max3A_10 : f32 to vector<1000x1xf32>
    %max3A_12 = arith.maximumf %slice3A_9, %max3A_11 : vector<1000x1xf32>
    %get3A_13 = arith.constant 0 : index
    %get3A_14 = arith.constant 0 : index
    %get3A_15 = vector.load %arg4[%get3A_13, %get3A_14] : memref<1000x128xf32, #tpu.memory_space<vmem>>, vector<1000x128xf32>
    %get3A_16 = arith.constant 0 : index
    %get3A_17 = arith.constant 0 : index
    %get3A_18 = vector.load %arg2[%get3A_16, %get3A_17] : memref<1000x128xf32, #tpu.memory_space<vmem>>, vector<1000x128xf32>
    %sub3A = arith.subf %get3A_15, %get3A_18 : vector<1000x128xf32>
    %div3A = vector.broadcast %max3A_5 : vector<1000x1xf32> to vector<1000x128xf32>
    %div3A_19 = arith.divf %sub3A, %div3A : vector<1000x128xf32>
    %get3A_20 = arith.constant 0 : index
    %get3A_21 = arith.constant 0 : index
    %get3A_22 = vector.load %arg5[%get3A_20, %get3A_21] : memref<1000x128xf32, #tpu.memory_space<vmem>>, vector<1000x128xf32>
    %get3A_23 = arith.constant 0 : index
    %get3A_24 = arith.constant 0 : index
    %get3A_25 = vector.load %arg3[%get3A_23, %get3A_24] : memref<1000x128xf32, #tpu.memory_space<vmem>>, vector<1000x128xf32>
    %sub3A_26 = arith.subf %get3A_22, %get3A_25 : vector<1000x128xf32>
    %div3A_27 = vector.broadcast %max3A_12 : vector<1000x1xf32> to vector<1000x128xf32>
    %div3A_28 = arith.divf %sub3A_26, %div3A_27 : vector<1000x128xf32>
    %get3A_29 = arith.constant 0 : index
    %get3A_30 = arith.constant 0 : index
    %get3A_31 = vector.load %arg1[%get3A_29, %get3A_30] : memref<1000x128xf32, #tpu.memory_space<vmem>>, vector<1000x128xf32>
    %concatenate3A = tpu.concatenate %div3A_19, %div3A_28, %get3A_31 in 1 : vector<1000x128xf32>, vector<1000x128xf32>, vector<1000x128xf32> -> vector<1000x384xf32>
    %get3A_32 = arith.constant 0 : index
    %get3A_33 = arith.constant 0 : index
    %get3A_34 = vector.load %arg8[%get3A_32, %get3A_33] : memref<384x128xf32, #tpu.memory_space<vmem>>, vector<384x128xf32>
    %dot_general3A = arith.constant dense<0.000000e+00> : vector<1000x128xf32>
    %dot_general3A_35 = tpu.matmul %concatenate3A, %get3A_34, %dot_general3A {dimension_numbers = #tpu.dot_dimension_numbers<[1], [0], [0], [1], [0, 0, 1, 1], [], []>, transpose_lhs_hint = false} : vector<1000x384xf32>, vector<384x128xf32>, vector<1000x128xf32> -> vector<1000x128xf32>
    %mul3A = arith.constant 0.333333343 : f32
    %mul3A_36 = vector.broadcast %mul3A : f32 to vector<1000x128xf32>
    %mul3A_37 = arith.mulf %dot_general3A_35, %mul3A_36 : vector<1000x128xf32>
    %get3A_38 = arith.constant 0 : index
    %get3A_39 = arith.constant 0 : index
    %get3A_40 = vector.load %arg9[%get3A_38, %get3A_39] : memref<1x128xf32, #tpu.memory_space<vmem>>, vector<1x128xf32>
    %add3A = vector.broadcast %get3A_40 : vector<1x128xf32> to vector<1000x128xf32>
    %add3A_41 = arith.addf %mul3A_37, %add3A : vector<1000x128xf32>
    %swap3A = arith.constant 0 : index
    %swap3A_42 = arith.constant 0 : index
    %swap3A_43 = vector.load %arg10[%swap3A, %swap3A_42] : memref<1000x128xf32, #tpu.memory_space<vmem>>, vector<1000x128xf32>
    tpu.vector_store %arg10[%swap3A, %swap3A_42], %add3A_41 {strides = array<i32>} : memref<1000x128xf32, #tpu.memory_space<vmem>>, vector<1000x128xf32>,
    %get3A_44 = arith.constant 0 : index
    %get3A_45 = arith.constant 0 : index
    %get3A_46 = vector.load %arg11[%get3A_44, %get3A_45] : memref<8x128xf32, #tpu.memory_space<vmem>>, vector<1x128xf32>
    %reduce_sum3A = arith.constant dense<0.000000e+00> : vector<128xf32>
    %reduce_sum3A_47 = vector.multi_reduction <add>, %add3A_41, %reduce_sum3A [0] : vector<1000x128xf32> to vector<128xf32>
    %broadcast_in_dim3A = vector.shape_cast %reduce_sum3A_47 : vector<128xf32> to vector<1x128xf32>
    %add3A_48 = arith.addf %get3A_46, %broadcast_in_dim3A : vector<1x128xf32>
    %swap3A_49 = arith.constant 0 : index
    %swap3A_50 = arith.constant 0 : index
    %swap3A_51 = vector.load %arg11[%swap3A_49, %swap3A_50] : memref<8x128xf32, #tpu.memory_space<vmem>>, vector<1x128xf32>
    tpu.vector_store %arg11[%swap3A_49, %swap3A_50], %add3A_48 {strides = array<i32>} : memref<8x128xf32, #tpu.memory_space<vmem>>, vector<1x128xf32>,
    %get3A_52 = arith.constant 1 : index
    %get3A_53 = arith.constant 0 : index
    %get3A_54 = vector.load %arg11[%get3A_52, %get3A_53] : memref<8x128xf32, #tpu.memory_space<vmem>>, vector<1x128xf32>
    %mul3A_55 = arith.mulf %add3A_41, %add3A_41 : vector<1000x128xf32>
    %reduce_sum3A_56 = arith.constant dense<0.000000e+00> : vector<128xf32>
    %reduce_sum3A_57 = vector.multi_reduction <add>, %mul3A_55, %reduce_sum3A_56 [0] : vector<1000x128xf32> to vector<128xf32>
    %broadcast_in_dim3A_58 = vector.shape_cast %reduce_sum3A_57 : vector<128xf32> to vector<1x128xf32>
    %add3A_59 = arith.addf %get3A_54, %broadcast_in_dim3A_58 : vector<1x128xf32>
    %swap3A_60 = arith.constant 1 : index
    %swap3A_61 = arith.constant 0 : index
    %swap3A_62 = vector.load %arg11[%swap3A_60, %swap3A_61] : memref<8x128xf32, #tpu.memory_space<vmem>>, vector<1x128xf32>
    tpu.vector_store %arg11[%swap3A_60, %swap3A_61], %add3A_59 {strides = array<i32>} : memref<8x128xf32, #tpu.memory_space<vmem>>, vector<1x128xf32>,
    return
  }
  func.func @transform_0(%arg0: i32) -> (i32, i32) {
    %c0_i32 = arith.constant 0 : i32
    %c0_i32_0 = arith.constant 0 : i32
    return %arg0, %c0_i32 : i32, i32
  }
  func.func @transform_1(%arg0: i32) -> (i32, i32) {
    %c0_i32 = arith.constant 0 : i32
    %c0_i32_0 = arith.constant 0 : i32
    return %arg0, %c0_i32 : i32, i32
  }
  func.func @transform_2(%arg0: i32) -> (i32, i32) {
    %c0_i32 = arith.constant 0 : i32
    %c0_i32_0 = arith.constant 0 : i32
    return %arg0, %c0_i32 : i32, i32
  }
  func.func @transform_3(%arg0: i32) -> (i32, i32) {
    %c0_i32 = arith.constant 0 : i32
    %c0_i32_0 = arith.constant 0 : i32
    return %arg0, %c0_i32 : i32, i32
  }
  func.func @transform_4(%arg0: i32) -> (i32, i32) {
    %c0_i32 = arith.constant 0 : i32
    %c0_i32_0 = arith.constant 0 : i32
    return %arg0, %c0_i32 : i32, i32
  }
  func.func @transform_5(%arg0: i32) -> (i32, i32) {
    %c0_i32 = arith.constant 0 : i32
    %c0_i32_0 = arith.constant 0 : i32
    return %arg0, %c0_i32 : i32, i32
  }
  func.func @transform_6(%arg0: i32) -> (i32, i32) {
    %c0_i32 = arith.constant 0 : i32
    %c0_i32_0 = arith.constant 0 : i32
    return %arg0, %c0_i32 : i32, i32
  }
  func.func @transform_7(%arg0: i32) -> (i32, i32) {
    %c0_i32 = arith.constant 0 : i32
    %c0_i32_0 = arith.constant 0 : i32
    %c0_i32_1 = arith.constant 0 : i32
    return %c0_i32, %c0_i32_0 : i32, i32
  }
  func.func @transform_8(%arg0: i32) -> (i32, i32) {
    %c0_i32 = arith.constant 0 : i32
    %c0_i32_0 = arith.constant 0 : i32
    %c0_i32_1 = arith.constant 0 : i32
    return %c0_i32, %c0_i32_0 : i32, i32
  }
  func.func @transform_9(%arg0: i32) -> (i32, i32) {
    %c0_i32 = arith.constant 0 : i32
    %c0_i32_0 = arith.constant 0 : i32
    return %arg0, %c0_i32 : i32, i32
  }
  func.func @transform_10(%arg0: i32) -> (i32, i32) {
    %c0_i32 = arith.constant 0 : i32
    %c0_i32_0 = arith.constant 0 : i32
    %c0_i32_1 = arith.constant 0 : i32
    return %c0_i32, %c0_i32_0 : i32, i32
  }
}

module attributes {stable_mosaic.version = 14 : i64} {
  func.func @_tc_norm_kernel(%arg0: i32, %arg1: memref<1000x128xf32, #tpu.memory_space<vmem>>, %arg2: memref<8x128xf32, #tpu.memory_space<vmem>>, %arg3: memref<1x128xf32, #tpu.memory_space<vmem>>, %arg4: memref<1x128xf32, #tpu.memory_space<vmem>>, %arg5: memref<1000x128xf32, #tpu.memory_space<vmem>>) attributes {dimension_semantics = [#tpu.dimension_semantics<arbitrary>], iteration_bounds = array<i64: 10>, scalar_prefetch = 0 : i64, scratch_operands = 0 : i64, tpu.core_type = #tpu.core_type<tc>, window_params = [{transform_indices = @transform_0, window_bounds = array<i64: 1000, 128>}, {pipeline_mode = #tpu.pipeline_mode<synchronous>, transform_indices = @transform_1, window_bounds = array<i64: 8, 128>}, {pipeline_mode = #tpu.pipeline_mode<synchronous>, transform_indices = @transform_2, window_bounds = array<i64: 1, 128>}, {pipeline_mode = #tpu.pipeline_mode<synchronous>, transform_indices = @transform_3, window_bounds = array<i64: 1, 128>}, {transform_indices = @transform_4, window_bounds = array<i64: 1000, 128>}]} {
    %get3A = arith.constant 0 : index
    %get3A_0 = arith.constant 0 : index
    %get3A_1 = vector.load %arg2[%get3A, %get3A_0] : memref<8x128xf32, #tpu.memory_space<vmem>>, vector<1x128xf32>
    %mul3A = arith.constant 9.99999974E-5 : f32
    %mul3A_2 = vector.broadcast %mul3A : f32 to vector<1x128xf32>
    %mul3A_3 = arith.mulf %get3A_1, %mul3A_2 : vector<1x128xf32>
    %get3A_4 = arith.constant 1 : index
    %get3A_5 = arith.constant 0 : index
    %get3A_6 = vector.load %arg2[%get3A_4, %get3A_5] : memref<8x128xf32, #tpu.memory_space<vmem>>, vector<1x128xf32>
    %mul3A_7 = arith.constant 9.99999974E-5 : f32
    %mul3A_8 = vector.broadcast %mul3A_7 : f32 to vector<1x128xf32>
    %mul3A_9 = arith.mulf %get3A_6, %mul3A_8 : vector<1x128xf32>
    %mul3A_10 = arith.mulf %mul3A_3, %mul3A_3 : vector<1x128xf32>
    %sub3A = arith.subf %mul3A_9, %mul3A_10 : vector<1x128xf32>
    %get3A_11 = arith.constant 0 : index
    %get3A_12 = arith.constant 0 : index
    %get3A_13 = vector.load %arg3[%get3A_11, %get3A_12] : memref<1x128xf32, #tpu.memory_space<vmem>>, vector<1x128xf32>
    %add3A = arith.constant 9.99999974E-6 : f32
    %add3A_14 = vector.broadcast %add3A : f32 to vector<1x128xf32>
    %add3A_15 = arith.addf %sub3A, %add3A_14 : vector<1x128xf32>
    %rsqrt3A = math.rsqrt %add3A_15 : vector<1x128xf32>
    %mul3A_16 = arith.mulf %get3A_13, %rsqrt3A : vector<1x128xf32>
    %get3A_17 = arith.constant 0 : index
    %get3A_18 = arith.constant 0 : index
    %get3A_19 = vector.load %arg1[%get3A_17, %get3A_18] : memref<1000x128xf32, #tpu.memory_space<vmem>>, vector<1000x128xf32>
    %sub3A_20 = vector.broadcast %mul3A_3 : vector<1x128xf32> to vector<1000x128xf32>
    %sub3A_21 = arith.subf %get3A_19, %sub3A_20 : vector<1000x128xf32>
    %mul3A_22 = vector.broadcast %mul3A_16 : vector<1x128xf32> to vector<1000x128xf32>
    %mul3A_23 = arith.mulf %sub3A_21, %mul3A_22 : vector<1000x128xf32>
    %get3A_24 = arith.constant 0 : index
    %get3A_25 = arith.constant 0 : index
    %get3A_26 = vector.load %arg4[%get3A_24, %get3A_25] : memref<1x128xf32, #tpu.memory_space<vmem>>, vector<1x128xf32>
    %add3A_27 = vector.broadcast %get3A_26 : vector<1x128xf32> to vector<1000x128xf32>
    %add3A_28 = arith.addf %mul3A_23, %add3A_27 : vector<1000x128xf32>
    %swap3A = arith.constant 0 : index
    %swap3A_29 = arith.constant 0 : index
    %swap3A_30 = vector.load %arg5[%swap3A, %swap3A_29] : memref<1000x128xf32, #tpu.memory_space<vmem>>, vector<1000x128xf32>
    tpu.vector_store %arg5[%swap3A, %swap3A_29], %add3A_28 {strides = array<i32>} : memref<1000x128xf32, #tpu.memory_space<vmem>>, vector<1000x128xf32>,
    return
  }
  func.func @transform_0(%arg0: i32) -> (i32, i32) {
    %c0_i32 = arith.constant 0 : i32
    %c0_i32_0 = arith.constant 0 : i32
    return %arg0, %c0_i32 : i32, i32
  }
  func.func @transform_1(%arg0: i32) -> (i32, i32) {
    %c0_i32 = arith.constant 0 : i32
    %c0_i32_0 = arith.constant 0 : i32
    %c0_i32_1 = arith.constant 0 : i32
    return %c0_i32, %c0_i32_0 : i32, i32
  }
  func.func @transform_2(%arg0: i32) -> (i32, i32) {
    %c0_i32 = arith.constant 0 : i32
    %c0_i32_0 = arith.constant 0 : i32
    %c0_i32_1 = arith.constant 0 : i32
    return %c0_i32, %c0_i32_0 : i32, i32
  }
  func.func @transform_3(%arg0: i32) -> (i32, i32) {
    %c0_i32 = arith.constant 0 : i32
    %c0_i32_0 = arith.constant 0 : i32
    %c0_i32_1 = arith.constant 0 : i32
    return %c0_i32, %c0_i32_0 : i32, i32
  }
  func.func @transform_4(%arg0: i32) -> (i32, i32) {
    %c0_i32 = arith.constant 0 : i32
    %c0_i32_0 = arith.constant 0 : i32
    return %arg0, %c0_i32 : i32, i32
  }
}

</mosaic_0001>

<sc_bundles>
// kernel: kernel.5.cloned.1.call-start
scs
__scs_entry_jumppad:
0x0: {  	(pc) =	sbr.rel $0x88, $3  }
0x1: {  	(tag) =	ssettag $0x0;
	lr =	simm.s32 $0x1  }
0x2: {  	[smem:$0x3F96] =	sst lr;
	_ =	strace $0xD0000000  }
0x3: {  	_ = 	snop  }
0x4: {  	_ = 	snop  }
0x5: {  	_ = 	snop  }
0x6: {  	_ = 	snop  }
0x7: {  	_ = 	snop  }
__scs_overlays_trampoline_lowered:
0x8: {  	[smem:$0x3FA5] =	sst s0  }
0x9: {  	[smem:$0x3FA6] =	sst s1  }
0xa: {  	[smem:$0x3FA7] =	sst s2  }
0xb: {  	[smem:$0x3FA8] =	sst s3  }
0xc: {  	[smem:$0x3FA9] =	sst s4  }
0xd: {  	[smem:$0x3FAA] =	sst s5  }
0xe: {  	[smem:$0x3FAB] =	sst s6  }
0xf: {  	[smem:$0x3FAC] =	sst s7  }
0x10: {  	[smem:$0x3FAD] =	sst s8  }
0x11: {  	[smem:$0x3FAE] =	sst s9;
	s0 =	simm.s32 @!p0 $0x0  }
0x12: {  	s1 =	sld [smem:$0x3F94];
	s0 =	simm.s32 @p0 $0x1  }
0x13: {  	[smem:$0x3FAF] =	sst s0;
	s0 =	simm.s32 @!p1 $0x0  }
0x14: {  	s2 =	sld [smem:$0x3F93];
	s0 =	simm.s32 @p1 $0x1  }
0x15: {  	[smem:$0x3FB0] =	sst s0;
	s0 =	simm.s32 @!p2 $0x0  }
0x16: {  	s3 =	sld [smem:$0x3FDB];
	s0 =	simm.s32 @p2 $0x1  }
0x17: {  	s4 =	simm.s32 $0x1BF5;
	[smem:$0x3FB2] =	sst s0  }
0x18: {  	s0 =	sld [smem:$0x3F95];
	_ =	swait.ge [sflag:s4], $0x0  }
0x19: {  	s7 =	sld [smem:$0x3F96]  }
0x1a: {  	s8 =	sadd.s32 $0xFFFFE003, lr  }
0x1b: {  	s9 =	sadd.s32 $0xFFFFFEF7, lr;
	s5 =	simm.s32 $0xFFFFFFFF;
	p2 =	slt.u32 s8, $0xFFFFF086  }
0x1c: {  	p1 =	slt.u32 s9, $0xF7A;
	s5 =	simm.s32 @!p2 $0x0  }
0x1d: {  	s5 =	simm.s32 @p1 $0x1;
	p0 =	seq.s32 s7, s2  }
0x1e: {  	s7 =	smul.u32 @!p0 $0xF7A, s2;
	p2 =	seq.s32 @!p0 s5, $0x0  }
0x1f: {  	s9 =	smul.u32 $0xF7A, s1;
	s8 =	simm.s32 @!p0 $0x1BF5;
	p2 =	por !p2, p0  }
0x20: {  	[sflag:s8] =	ssyncset.s32 @!p0 $0xFFFFF086;
	s6 =	sadd.s32 @!p0 s3, s7;
	s7 =	simm.s32 @!p0 $0x108  }
0x21: {  	s3 =	sadd.s32 s3, s9;
	s6 =	sadd.s32 @!p0 $0x88, s6;
	s7 =	simm.s32 @p2 $0x1082  }
0x22: {  	[simem:s7], [sflag:s8] =	dma.local @!p0 [hbm:s6], $0xF7A  }
0x23: {  	s9 =	sor.u32 $0xD0000000, s2;
	s6 =	simm.s32 $0x108;
	_ =	swait.ge @!p0 [sflag:s8], $0x0  }
0x24: {  	s3 =	sadd.s32 $0x88, s3;
	s6 =	simm.s32 @!p1 $0x1082;
	[sflag:s4] =	ssyncset.s32 $0xFFFFF086  }
0x25: {  	[simem:s6], [sflag:s4] =	dma.local [hbm:s3], $0xF7A  }
0x26: {  	[smem:$0x3F96] =	sst s1;
	(tag) =	ssettag s2;
	_ =	strace s9  }
0x27: {  	s1 =	sld [smem:$0x3FA6]  }
0x28: {  	s2 =	sld [smem:$0x3FA7]  }
0x29: {  	s4 =	sld [smem:$0x3FA9]  }
0x2a: {  	p0 =	seq.s32 s5, $0x0;
	s5 =	sld [smem:$0x3FAA]  }
0x2b: {  	s6 =	sld [smem:$0x3FAB]  }
0x2c: {  	s7 =	sld [smem:$0x3FAC]  }
0x2d: {  	s3 =	simm.s32 $0x108;
	s8 =	sld [smem:$0x3FAD]  }
0x2e: {  	s3 =	simm.s32 @!p0 $0x1082;
	s9 =	sld [smem:$0x3FAE]  }
0x2f: {  	lr =	sadd.s32 s0, s3;
	s0 =	sld [smem:$0x3FA5]  }
0x30: {  	s3 =	sld [smem:$0x3FA8]  }
0x31: {  	[smem:$0x3FB1] =	sst s10  }
0x32: {  	s10 =	sld [smem:$0x3FAF];
	_ =	sdelay $0x3  }
0x33: {  	p0 =	seq.s32 s10, $0x1;
	s10 =	sld [smem:$0x3FB1];
	_ =	sdelay $0x3  }
0x34: {  	[smem:$0x3FB1] =	sst s10  }
0x35: {  	s10 =	sld [smem:$0x3FB0];
	_ =	sdelay $0x3  }
0x36: {  	p1 =	seq.s32 s10, $0x1;
	s10 =	sld [smem:$0x3FB1];
	_ =	sdelay $0x3  }
0x37: {  	[smem:$0x3FB1] =	sst s10  }
0x38: {  	s10 =	sld [smem:$0x3FB2]  }
0x39: {  	_ = 	snop;
	(pc) =	sbr.ind lr, $3  }
0x3a: {  	_ = 	snop  }
0x3b: {  	_ = 	snop  }
0x3c: {  	p2 =	seq.s32 s10, $0x1;
	s10 =	sld [smem:$0x3FB1]  }
0x3d: {  	_ =	shalt  }
0x3e: {  	_ =	shalt  }
0x3f: {  	_ =	shalt  }
0x40: {  	_ =	shalt  }
0x41: {  	_ =	shalt  }
0x42: {  	_ =	shalt  }
0x43: {  	_ =	shalt  }
0x44: {  	_ =	shalt  }
0x45: {  	_ =	shalt  }
0x46: {  	_ =	shalt  }
0x47: {  	_ =	shalt  }
0x48: {  	_ =	shalt  }
0x49: {  	_ =	shalt  }
0x4a: {  	_ =	shalt  }
0x4b: {  	_ =	shalt  }
0x4c: {  	_ =	shalt  }
0x4d: {  	_ =	shalt  }
0x4e: {  	_ =	shalt  }
0x4f: {  	_ =	shalt  }
0x50: {  	_ =	shalt  }
0x51: {  	_ =	shalt  }
0x52: {  	_ =	shalt  }
0x53: {  	_ =	shalt  }
0x54: {  	_ =	shalt  }
0x55: {  	_ =	shalt  }
0x56: {  	_ =	shalt  }
0x57: {  	_ =	shalt  }
0x58: {  	_ =	shalt  }
0x59: {  	_ =	shalt  }
0x5a: {  	_ =	shalt  }
0x5b: {  	_ =	shalt  }
0x5c: {  	_ =	shalt  }
0x5d: {  	_ =	shalt  }
0x5e: {  	_ =	shalt  }
0x5f: {  	_ =	shalt  }
0x60: {  	_ =	shalt  }
0x61: {  	_ =	shalt  }
0x62: {  	_ =	shalt  }
0x63: {  	_ =	shalt  }
0x64: {  	_ =	shalt  }
0x65: {  	_ =	shalt  }
0x66: {  	_ =	shalt  }
0x67: {  	_ =	shalt  }
0x68: {  	_ =	shalt  }
0x69: {  	_ =	shalt  }
0x6a: {  	_ =	shalt  }
0x6b: {  	_ =	shalt  }
0x6c: {  	_ =	shalt  }
0x6d: {  	_ =	shalt  }
0x6e: {  	_ =	shalt  }
0x6f: {  	_ =	shalt  }
0x70: {  	_ =	shalt  }
0x71: {  	_ =	shalt  }
0x72: {  	_ =	shalt  }
0x73: {  	_ =	shalt  }
0x74: {  	_ =	shalt  }
0x75: {  	_ =	shalt  }
0x76: {  	_ =	shalt  }
0x77: {  	_ =	shalt  }
0x78: {  	_ =	shalt  }
0x79: {  	_ =	shalt  }
0x7a: {  	_ =	shalt  }
0x7b: {  	_ =	shalt  }
0x7c: {  	_ =	shalt  }
0x7d: {  	_ =	shalt  }
0x7e: {  	_ =	shalt  }
0x7f: {  	_ =	shalt  }
0x80: {  	_ =	shalt  }
0x81: {  	_ =	shalt  }
0x82: {  	_ =	shalt  }
0x83: {  	_ =	shalt  }
0x84: {  	_ =	shalt  }
0x85: {  	_ =	shalt  }
0x86: {  	_ =	shalt  }
0x87: {  	_ =	shalt  }
.Lfunc_end0:
.L_simem_size_0:
called_computation_lowered:
.L_overlay_start_0:
0x88: {  	s2 =	sld [smem:$0x3FD9]  }
0x89: {  	s3 =	sld [smem:$0x3FFE];
	_ =	sdelay $0x1  }
0x8a: {  	s1 =	srdreg.scid  }
0x8b: {  	s0 =	sand.u32 $0x1, s1  }
0x8c: {  	s17 =	sshll.u32 s0, $0xA;
	s2 =	sadd.s32 s3, s2  }
0x8d: {  	s2 =	sadd.s32 s2, s17  }
0x8e: {  	[smem:$0x3FBD] =	sst s2  }
0x8f: {  	_ = 	snop  }
0x90: {  	s2 =	sld [smem:$0x3FC9]  }
0x91: {  	s18 =	sld [smem:$0x3FC8]  }
0x92: {  	s4 =	sld [smem:$0x3FD0];
	(tm) =	ssettm $0x1  }
0x93: {  	s5 =	sld [smem:$0x3FFB];
	_ =	sdelay $0x3  }
0x94: {  	_ =	strace s5  }
0x95: {  	s5 =	sld [smem:$0x3FFC];
	_ =	sdelay $0x3  }
0x96: {  	_ =	strace s5  }
0x97: {  	s5 =	sld [smem:$0x3FFD];
	_ =	sdelay $0x3  }
0x98: {  	_ =	strace s5  }
0x99: {  	_ =	strace $0x8FFFFFFF  }
0x9a: {  	s19 =	sld [smem:$0x3FDB];
	_ =	sdelay $0x1  }
0x9b: {  	s6 =	simm.s32 $_scs_section_size  }
0x9c: {  	s7 =	simm.s32 $_size__tile_overlayer_lowered;
	s8 =	simm.s32 $_tile_overlayer_lowered  }
0x9d: {  	s22 =	simm.s32 $0x1BFF;
	s21 =	sshll.u32 s8, $0x1;
	s5 =	sadd.s32 s6, s19  }
0x9e: {  	s9 =	simm.s32 $0x0;
	s20 =	sshll.u32 s7, $0x1;
	s7 =	sadd.s32 s21, s5  }
0x9f: {  	[timem:s9], [sflag:s22] =	dma.local [hbm:s7], s20  }
0xa0: {  	_ =	swait.ge [sflag:s22], s20  }
0xa1: {  	s6 =	ssub.s32 $0x0, s20;
	[sflag:s22] =	ssyncset.done $0x0  }
0xa2: {  	[sflag:s22] =	ssyncadd.s32 s6;
	_ =	sdelay $0x1  }
0xa3: {  	s23 =	simm.s32 $0x1B8B  }
0xa4: {  	_ =	swait.ge [sflag:s23], $0x1  }
0xa5: {  	[sflag:s23] =	ssyncset.done $0x0  }
0xa6: {  	s25 =	simm.s32 $0x1B8E;
	s24 =	sld [smem:$0x3FFE];
	[sflag:s23] =	ssyncadd.s32 $0xFFFFFFFF  }
0xa7: {  	s26 =	simm.s32 $execute0_lowered;
	[smem:$0x3FD2] =	sst s25  }
0xa8: {  	s7 =	sshll.u32 s26, $0x1;
	_ =	strace $0x80000046;
	[dreg:$0x1] =	wrdreg $0xFFFFFFFF  }
0xa9: {  	s28 =	simm.s32 $_size_execute0_lowered;
	s5 =	sadd.s32 s5, s7;
	[dreg:$0x0] =	wrdreg $0x0  }
0xaa: {  	s7 =	sshll.u32 s28, $0x1;
	[dreg:$0x2] =	wrdreg s5  }
0xab: {  	[dreg:$0x3] =	wrdreg s7  }
0xac: {  	[dreg:$0x4] =	wrdreg $0xC0  }
0xad: {  	_ =	task [dreg:s9], $0x5FFFF  }
0xae: {  	[dreg:$0x1] =	wrdreg $0xFFFFFFFF  }
0xaf: {  	[dreg:$0x0] =	wrdreg $0x60  }
0xb0: {  	[dreg:$0x2] =	wrdreg s2  }
0xb1: {  	[dreg:$0x3] =	wrdreg s4  }
0xb2: {  	[dreg:$0x4] =	wrdreg s18  }
0xb3: {  	[dreg:$0x5] =	wrdreg s24  }
0xb4: {  	[dreg:$0x6] =	wrdreg $0x0  }
0xb5: {  	[dreg:$0x7] =	wrdreg $0x9  }
0xb6: {  	_ =	task.clear_ibuf [dreg:s9], $0x8FFFF;
	_ =	strace $0x90000046  }
0xb7: {  	s29 =	simm.s32 $0x9;
	_ =	strace $0x80000048  }
0xb8: {  	_ =	swait.ge [sflag:s29], $0x1  }
0xb9: {  	[sflag:s29] =	ssyncadd.s32 $0xFFFFFFFF  }
0xba: {  	_ =	strace $0x90000048  }
0xbb: {  	_ =	sfence  }
0xbc: {  	s30 =	sld [smem:$0x0];
	_ =	sdelay $0x2  }
0xbd: {  	s31 =	sshll.u32 s1, $0xD;
	s1 =	sshrl.u32 s1, $0x2  }
0xbe: {  	s3 =	sand.u32 $0x4000, s31;
	s1 =	sadd.s32 s1, s30  }
0xbf: {  	s0 =	sor.u32 s3, s0;
	s1 =	sshll.u32 s1, $0x11  }
0xc0: {  	s0 =	sor.u32 s1, s0  }
0xc1: {  	s0 =	sadd.s32 $0x8F2B, s0  }
0xc2: {  	[sflag:s0] =	ssyncadd.remote.s32 $0x1  }
0xc3: {  	_ =	sfence.sel $0xFFFF  }
0xc4: {  	[dreg:$0x0] =	wrdreg $0xFFFFFFFF;
	(pc) =	sbr.abs _section_cstart, $3  }
0xc5: {  	[dreg:$0x1] =	wrdreg $0xFFFFFFFF  }
0xc6: {  	_ =	task.clear_ibuf [dreg:s9], $0x2FFFF;
	_ =	strace $0x9FFFFFFF  }
0xc7: {  	(tm) =	ssettm $0x7FFFFFFF  }
tec
execute0_lowered:
.L_overlay_start_1:
0x0: {  	(tag) =	ssettag $0x1  }
0x1: {  	s1 =	rddreg [dreg:$0x0]  }
0x2: {  	s2 =	rddreg [dreg:$0x1]  }
0x3: {  	s0 =	rddreg [dreg:$0x2]  }
0x4: {  	s3 =	rddreg [dreg:$0x3]  }
0x5: {  	s4 =	rddreg [dreg:$0x4];
	s17 =	stileid.u32  }
0x6: {  	s6 =	srdreg.scid;
	s5 =	simm.s32 $0x0;
	s7 =	smul.u32 $0x4E20, s17  }
0x7: {  	s28 =	simm.s32 $0x5;
	s29 =	simm.s32 $0x1DA00;
	s11 =	smul.u32 $0x4E000, s17  }
0x8: {  	s30 =	simm.s32 $0x6;
	s31 =	simm.s32 $0x18880;
	s15 =	smul.u32 $0x271000, s17  }
0x9: {  	s6 =	sand.u32 $0x1, s6;
	[smem:$0x7FF] =	sst s5;
	s24 =	smul.u32 $0x4E200, s17  }
0xa: {  	s9 =	sadd.s32 $0x2800, s3;
	s10 =	sadd.s32 $0x50A00, s3;
	s16 =	smul.u32 $0x13800, s17  }
0xb: {  	s3 =	sadd.s32 $0x9EC00, s3;
	p0 =	sne.s32 s17, $0xF;
	s13 =	smul.u32 $0x4E200, s6  }
0xc: {  	s8 =	sxor.u32 $0x1, s6;
	s12 =	ssub.s32 $0x2, s6;
	s6 =	smul.u32 $0x138800, s6  }
0xd: {  	_ =	strace $0x80000047;
	s8 =	smul.u32 $0x4E200, s8;
	s14 =	sshrl.u32 s12, $0x1  }
0xe: {  	s11 =	sshrl.u32 s11, $0x2;
	s25 =	sshrl.u32 s15, $0x3;
	s19 =	sadd.s32 s0, s24  }
0xf: {  	s12 =	ssub.s32 s12, s14;
	s18 =	sadd.s32 s11, s4;
	s14 =	sadd.s32 s0, s25  }
0x10: {  	[dreg:$0x9] =	wrdreg s19;
	s8 =	sadd.s32 s7, s8;
	s11 =	sadd.s32 $0x500, s14  }
0x11: {  	s14 =	sadd.s32 s16, s6;
	s6 =	sshrl.u32 s6, $0x3;
	[dreg:$0x7] =	wrdreg s18  }
0x12: {  	s7 =	sadd.s32 s7, s13;
	s26 =	sshrl.u32 s8, $0x3;
	[dreg:$0xa] =	wrdreg s11  }
0x13: {  	s0 =	sshrl.u32 s14, $0x3;
	s6 =	sadd.s32 $0x27000, s6;
	s23 =	sadd.s32 $0xA0, s8  }
0x14: {  	s16 =	sshrl.u32 s7, $0x3;
	s13 =	sadd.s32 $0xA0, s7;
	[dreg:$0x10] =	wrdreg s23  }
0x15: {  	s24 =	sadd.s32 $0xF0, s8;
	s20 =	sadd.s32 s9, s0;
	[dreg:$0x15] =	wrdreg s13  }
0x16: {  	s15 =	sadd.s32 s2, s26;
	s9 =	sadd.s32 s9, s6;
	[dreg:$0xb] =	wrdreg s20  }
0x17: {  	s11 =	sadd.s32 s2, s16;
	s21 =	sadd.s32 s10, s0;
	[dreg:$0xc] =	wrdreg s9  }
0x18: {  	s22 =	sadd.s32 s10, s6;
	s0 =	sadd.s32 s3, s0;
	[dreg:$0xe] =	wrdreg s21  }
0x19: {  	s25 =	sadd.s32 s3, s6;
	s26 =	smax.u32 s12, $0x1;
	[dreg:$0xf] =	wrdreg s22  }
0x1a: {  	s3 =	sshrl.u32 s23, $0x3;
	s6 =	sadd.s32 $0xF0, s7;
	[dreg:$0x11] =	wrdreg s0  }
0x1b: {  	s12 =	sadd.s32 $0x2D0, s8;
	s16 =	sadd.s32 $0x280, s8;
	[dreg:$0x12] =	wrdreg s25  }
0x1c: {  	s7 =	sadd.s32 $0xA000, s18;
	s13 =	sadd.s32 $0x138000, s4;
	[dreg:$0x13] =	wrdreg s26  }
0x1d: {  	s0 =	sadd.s32 s2, s3;
	s9 =	sshrl.u32 s24, $0x3;
	s3 =	sshrl.u32 s6, $0x3  }
0x1e: {  	s14 =	sshrl.u32 s12, $0x3;
	s21 =	sadd.s32 $0x230, s8;
	[dreg:$0x1a] =	wrdreg s7  }
0x1f: {  	s22 =	sadd.s32 $0x1E0, s8;
	s26 =	sadd.s32 $0x2800, s18;
	[dreg:$0x1e] =	wrdreg s13  }
0x20: {  	s6 =	sadd.s32 $0x7800, s18;
	s8 =	sadd.s32 $0xC800, s18;
	[dreg:$0xd] =	wrdreg s11  }
0x21: {  	s12 =	sadd.s32 $0x11800, s18;
	s17 =	sadd.s32 $0x9B0, s15;
	[dreg:$0x8] =	wrdreg s15  }
0x22: {  	s13 =	simm.s32 $0x13880;
	s7 =	simm.s32 $0x4;
	[dreg:$0x14] =	wrdreg s0  }
0x23: {  	s20 =	sadd.s32 s2, s9;
	s10 =	sadd.s32 s3, s2;
	[dreg:$0x17] =	wrdreg s26  }
0x24: {  	s9 =	sadd.s32 s14, s2;
	s0 =	sshrl.u32 s16, $0x3;
	[dreg:$0x19] =	wrdreg s6  }
0x25: {  	s3 =	sshrl.u32 s21, $0x3;
	s25 =	sshrl.u32 s22, $0x3;
	[dreg:$0x1b] =	wrdreg s8  }
0x26: {  	[dreg:$0x1d] =	wrdreg s12;
	s14 =	sadd.s32 $0xA, s15;
	s16 =	sadd.s32 $0xA, s11  }
0x27: {  	[smem:$0x7F9] =	sst s17;
	s21 =	sadd.s32 $0x28, s15;
	s22 =	sadd.s32 $0x32, s15  }
0x28: {  	s26 =	sadd.s32 $0xF00, s19;
	s12 =	simm.s32 $0x9;
	[dreg:$0x6] =	wrdreg s10  }
0x29: {  	s11 =	simm.s32 $0x1D880;
	s17 =	simm.s32 $0x1;
	[dreg:$0x1f] =	wrdreg s14  }
0x2a: {  	s19 =	simm.s32 $0x2;
	s23 =	sadd.s32 s0, s2;
	[smem:$0x7F8] =	sst s16  }
0x2b: {  	s24 =	sadd.s32 s3, s2;
	s25 =	sadd.s32 s25, s2;
	[smem:$0x7FB] =	sst s21  }
0x2c: {  	s3 =	sadd.s32 $0x5000, s18;
	s10 =	sadd.s32 $0xF000, s18;
	[smem:$0x7FC] =	sst s22  }
.Ltmp0:
0x2d: {  	s18 =	sadd.s32 $0x9BA, s15;
	[smem:$0x7FD] =	sst s26;
	(pc) =	sbr.rel .LBB2_1-.Ltmp0, $4  }
0x2e: {  	s14 =	simm.s32 $0x1D900;
	s16 =	simm.s32 $0x16080;
	[dreg:$0x16] =	wrdreg s9  }
0x2f: {  	s15 =	simm.s32 $0x3;
	s21 =	simm.s32 $0x50;
	[dreg:$0x18] =	wrdreg s3  }
0x30: {  	s26 =	simm.s32 $0x1D980;
	s0 =	simm.s32 $0x7;
	[dreg:$0x1c] =	wrdreg s10  }
0x31: {  	v0 =	vimm.f32 $0.0e+00;
	v1 =	vimm.f32 $1.000000000e+00;
	[smem:$0x7FA] =	sst s18;
	s3 =	simm.s32 $0x8;
	s10 =	simm.s32 $0x0  }
.LBB2_12:
0x32: {  	_ =	swait.ge [sflag:s30], $0x50  }
0x33: {  	[sflag:s30] =	ssyncset.done $0x0  }
0x34: {  	[sflag:s30] =	ssyncadd.s32 $0xFFFFFFB0  }
0x35: {  	[spmem:s4] =	stream.indirect.scatter.add.f32 [tilespmem:s31], [sflag:$0x8], $0x80, s29, s21, $0xb8;
	[tilespmem:$0x1DA80] =	vst v63  }
0x36: {  	_ =	swait.ge [sflag:s19], $0x2800  }
0x37: {  	[sflag:s19] =	ssyncset.done $0x0  }
0x38: {  	[sflag:s19] =	ssyncadd.s32 $0xFFFFD800  }
0x39: {  	_ =	swait.ge [sflag:s0], $0x2800  }
0x3a: {  	[sflag:s0] =	ssyncset.done $0x0  }
0x3b: {  	[sflag:s0] =	ssyncadd.s32 $0xFFFFD800  }
0x3c: {  	_ =	swait.ge [sflag:s3], $0x2800  }
0x3d: {  	[sflag:s3] =	ssyncset.done $0x0  }
0x3e: {  	[sflag:s3] =	ssyncadd.s32 $0xFFFFD800  }
0x3f: {  	[bflag:$0x0] =	sbarrier.arrive $0xFFFF  }
0x40: {  	s6 =	rddreg [dreg:$0x11]  }
0x41: {  	[hbm:s6], [sflag:s18] =	dma.local [spmem:s22], $0x2700  }
0x42: {  	_ =	swait.ge [sflag:s12], $0x2700  }
0x43: {  	s8 =	sld [smem:$0x7F6]  }
0x44: {  	[sflag:s12] =	ssyncset.done $0x0  }
0x45: {  	s6 =	rddreg [dreg:$0x12];
	[sflag:s12] =	ssyncadd.s32 $0xFFFFD900  }
0x46: {  	[hbm:s6], [sflag:s18] =	dma.local @!p0 [spmem:s8], $0x100  }
0x47: {  	s6 =	simm.s32 @!p0 $0x9  }
0x48: {  	_ =	swait.ge @!p0 [sflag:s6], $0x100  }
0x49: {  	s10 =	sadd.s32 $0x1, s10;
	s22 =	rddreg [dreg:$0x13]  }
0x4a: {  	p1 =	sne.s32 s10, s22  }
.Ltmp1:
0x4b: {  	_ = 	snop;
	(pc) =	sbr.rel @!p1 .LBB2_13-.Ltmp1, $3  }
0x4c: {  	_ =	sdelay $0x1  }
0x4d: {  	[sflag:s6] =	ssyncset.done @!p0 $0x0  }
0x4e: {  	[sflag:s6] =	ssyncadd.s32 @!p0 $0xFFFFFF00  }
.LBB2_1:
0x4f: {  	s6 =	simm.s32 $0x0;
	s9 =	simm.s32 $0x200  }
.LBB2_2:
0x50: {  	p1 =	sne.s32 s9, $0x9E00;
	[tilespmem:s6+$0x1B0F0] =	vst v0  }
0x51: {  	[tilespmem:s6+$0x1B080] =	vst v0  }
0x52: {  	[tilespmem:s6+$0x1B090] =	vst v0  }
.Ltmp2:
0x53: {  	[tilespmem:s6+$0x1B0A0] =	vst v0;
	(pc) =	sbr.rel @p1 .LBB2_2-.Ltmp2, $4  }
0x54: {  	[tilespmem:s6+$0x1B0B0] =	vst v0  }
0x55: {  	[tilespmem:s6+$0x1B0C0] =	vst v0  }
0x56: {  	[tilespmem:s6+$0x1B0D0] =	vst v0  }
0x57: {  	[tilespmem:s6+$0x1B0E0] =	vst v0;
	s6 =	sshra.s32 s9, $0x2;
	s9 =	sadd.s32 $0x200, s9  }
0x58: {  	[tilespmem:s6+$0x1B0F0] =	vst v0  }
0x59: {  	[tilespmem:s6+$0x1B080] =	vst v0  }
0x5a: {  	[tilespmem:s6+$0x1B090] =	vst v0  }
0x5b: {  	[tilespmem:s6+$0x1B0A0] =	vst v0  }
0x5c: {  	[tilespmem:s6+$0x1B0B0] =	vst v0  }
0x5d: {  	[tilespmem:s6+$0x1B0C0] =	vst v0  }
0x5e: {  	[tilespmem:s6+$0x1B0D0] =	vst v0  }
0x5f: {  	[smem:$0x7F7] =	sst s10;
	[tilespmem:s6+$0x1B0E0] =	vst v0;
	s6 =	simm.s32 $0x0;
	s9 =	simm.s32 $0x200  }
.LBB2_4:
0x60: {  	p1 =	sne.s32 s9, $0x9E00;
	[tilespmem:s6+$0x188F0] =	vst v1  }
0x61: {  	[tilespmem:s6+$0x18880] =	vst v1  }
0x62: {  	[tilespmem:s6+$0x18890] =	vst v1  }
.Ltmp3:
0x63: {  	[tilespmem:s6+$0x188A0] =	vst v1;
	(pc) =	sbr.rel @p1 .LBB2_4-.Ltmp3, $4  }
0x64: {  	[tilespmem:s6+$0x188B0] =	vst v1  }
0x65: {  	[tilespmem:s6+$0x188C0] =	vst v1  }
0x66: {  	[tilespmem:s6+$0x188D0] =	vst v1  }
0x67: {  	[tilespmem:s6+$0x188E0] =	vst v1;
	s6 =	sshra.s32 s9, $0x2;
	s9 =	sadd.s32 $0x200, s9  }
0x68: {  	[tilespmem:s6+$0x188F0] =	vst v1  }
0x69: {  	[tilespmem:s6+$0x18880] =	vst v1  }
0x6a: {  	[tilespmem:s6+$0x18890] =	vst v1  }
0x6b: {  	[tilespmem:s6+$0x188A0] =	vst v1  }
0x6c: {  	[tilespmem:s6+$0x188B0] =	vst v1  }
0x6d: {  	[tilespmem:s6+$0x188C0] =	vst v1  }
0x6e: {  	[tilespmem:s6+$0x188D0] =	vst v1  }
0x6f: {  	[tilespmem:s6+$0x188E0] =	vst v1;
	s9 =	rddreg [dreg:$0x7];
	s8 =	simm.s32 $0x1B080  }
0x70: {  	[spmem:s9] =	stream.linear.scatter [tilespmem:s8], [sflag:$0x9], $0x2800, $0x38;
	[tilespmem:$0x1DA80] =	vst v63  }
0x71: {  	_ =	swait.ge [sflag:s12], $0x2800  }
0x72: {  	[sflag:s12] =	ssyncset.done $0x0  }
0x73: {  	s10 =	rddreg [dreg:$0x17];
	[sflag:s12] =	ssyncadd.s32 $0xFFFFD800  }
0x74: {  	[spmem:s10] =	stream.linear.scatter [tilespmem:s8], [sflag:$0x9], $0x2800, $0x38;
	[tilespmem:$0x1DA80] =	vst v63  }
0x75: {  	_ =	swait.ge [sflag:s12], $0x2800  }
0x76: {  	[sflag:s12] =	ssyncset.done $0x0  }
0x77: {  	s18 =	rddreg [dreg:$0x18];
	[sflag:s12] =	ssyncadd.s32 $0xFFFFD800  }
0x78: {  	[spmem:s18] =	stream.linear.scatter [tilespmem:s8], [sflag:$0x9], $0x2800, $0x38;
	[tilespmem:$0x1DA80] =	vst v63  }
0x79: {  	_ =	swait.ge [sflag:s12], $0x2800  }
0x7a: {  	[sflag:s12] =	ssyncset.done $0x0  }
0x7b: {  	s22 =	rddreg [dreg:$0x19];
	[sflag:s12] =	ssyncadd.s32 $0xFFFFD800  }
0x7c: {  	[spmem:s22] =	stream.linear.scatter [tilespmem:s8], [sflag:$0x9], $0x2800, $0x38;
	[tilespmem:$0x1DA80] =	vst v63  }
0x7d: {  	_ =	swait.ge [sflag:s12], $0x2800  }
0x7e: {  	[sflag:s12] =	ssyncset.done $0x0  }
0x7f: {  	s9 =	rddreg [dreg:$0x1a];
	[sflag:s12] =	ssyncadd.s32 $0xFFFFD800  }
0x80: {  	[spmem:s9] =	stream.linear.scatter [tilespmem:s8], [sflag:$0x9], $0x2800, $0x38;
	[tilespmem:$0x1DA80] =	vst v63  }
0x81: {  	_ =	swait.ge [sflag:s12], $0x2800  }
0x82: {  	[sflag:s12] =	ssyncset.done $0x0  }
0x83: {  	s10 =	rddreg [dreg:$0x1b];
	[sflag:s12] =	ssyncadd.s32 $0xFFFFD800  }
0x84: {  	[spmem:s10] =	stream.linear.scatter [tilespmem:s8], [sflag:$0x9], $0x2800, $0x38;
	[tilespmem:$0x1DA80] =	vst v63  }
0x85: {  	_ =	swait.ge [sflag:s12], $0x2800  }
0x86: {  	[sflag:s12] =	ssyncset.done $0x0  }
0x87: {  	s18 =	rddreg [dreg:$0x1c];
	[sflag:s12] =	ssyncadd.s32 $0xFFFFD800  }
0x88: {  	[spmem:s18] =	stream.linear.scatter [tilespmem:s8], [sflag:$0x9], $0x2800, $0x38;
	[tilespmem:$0x1DA80] =	vst v63  }
0x89: {  	_ =	swait.ge [sflag:s12], $0x2800  }
0x8a: {  	[sflag:s12] =	ssyncset.done $0x0  }
0x8b: {  	s22 =	rddreg [dreg:$0x1d];
	[sflag:s12] =	ssyncadd.s32 $0xFFFFD800  }
0x8c: {  	[spmem:s22] =	stream.linear.scatter [tilespmem:s8], [sflag:$0x9], $0x2000, $0x38;
	[tilespmem:$0x1DA80] =	vst v63  }
0x8d: {  	_ =	swait.ge [sflag:s12], $0x2000  }
0x8e: {  	[sflag:s12] =	ssyncset.done $0x0  }
0x8f: {  	s6 =	simm.s32 @!p0 $0x1B080;
	s8 =	rddreg [dreg:$0x1e];
	[sflag:s12] =	ssyncadd.s32 $0xFFFFE000  }
0x90: {  	[spmem:s8] =	stream.linear.scatter @!p0 [tilespmem:s6], [sflag:$0x9], $0x800, $0x38;
	[tilespmem:$0x1DA80] =	vst v63  }
0x91: {  	s6 =	simm.s32 @!p0 $0x9  }
0x92: {  	_ =	swait.ge @!p0 [sflag:s6], $0x800  }
0x93: {  	[sflag:s6] =	ssyncset.done @!p0 $0x0  }
0x94: {  	[sflag:s6] =	ssyncadd.s32 @!p0 $0xFFFFF800  }
0x95: {  	[bflag:$0x0] =	sbarrier.arrive $0xFFFF  }
0x96: {  	s6 =	simm.s32 $0x0;
	s9 =	rddreg [dreg:$0x8]  }
0x97: {  	[tilespmem:s11], [sflag:$0x3] =	stream.linear.gather [hbm4b:s9+s6], $0x50, $0x38;
	[tilespmem:$0x1DA80] =	vst v63  }
0x98: {  	s10 =	rddreg [dreg:$0x9]  }
0x99: {  	[tilespmem:s13], [sflag:$0x1] =	stream.linear.gather [hbm4b:s10+s6], $0x2800, $0x38;
	[tilespmem:$0x1DA80] =	vst v63  }
0x9a: {  	s18 =	rddreg [dreg:$0x1f]  }
0x9b: {  	[tilespmem:s14], [sflag:$0x4] =	stream.linear.gather [hbm4b:s18+s6], $0x50, $0x38;
	[tilespmem:$0x1DA80] =	vst v63  }
0x9c: {  	s22 =	rddreg [dreg:$0xa]  }
0x9d: {  	[tilespmem:s16], [sflag:$0x2] =	stream.linear.gather [hbm4b:s22+s6], $0x2800, $0x38;
	[tilespmem:$0x1DA80] =	vst v63  }
0x9e: {  	_ =	swait.ge [sflag:s17], $0x2800  }
0x9f: {  	[sflag:s17] =	ssyncset.done $0x0  }
0xa0: {  	[sflag:s17] =	ssyncadd.s32 $0xFFFFD800  }
0xa1: {  	_ =	swait.ge [sflag:s15], $0x50  }
0xa2: {  	[sflag:s15] =	ssyncset.done $0x0  }
0xa3: {  	[sflag:s15] =	ssyncadd.s32 $0xFFFFFFB0  }
0xa4: {  	[spmem:s4] =	stream.indirect.scatter.add.f32 [tilespmem:s13], [sflag:$0x9], $0x80, s11, s21, $0xb8;
	[tilespmem:$0x1DA80] =	vst v63  }
0xa5: {  	_ =	swait.ge [sflag:s12], $0x2800  }
0xa6: {  	[sflag:s12] =	ssyncset.done $0x0;
	s18 =	sld [smem:$0x7FD]  }
0xa7: {  	s8 =	rddreg [dreg:$0x14];
	[sflag:s12] =	ssyncadd.s32 $0xFFFFD800  }
0xa8: {  	[tilespmem:s11], [sflag:$0x3] =	stream.linear.gather [hbm4b:s8+s5], $0x50, $0x38;
	[tilespmem:$0x1DA80] =	vst v63  }
0xa9: {  	s9 =	sadd.s32 $0xFFFFFB00, s18  }
0xaa: {  	[tilespmem:s13], [sflag:$0x1] =	stream.linear.gather [hbm4b:s9+s5], $0x2800, $0x38;
	[tilespmem:$0x1DA80] =	vst v63  }
0xab: {  	_ =	swait.ge [sflag:s19], $0x2800  }
0xac: {  	[sflag:s19] =	ssyncset.done $0x0  }
0xad: {  	[sflag:s19] =	ssyncadd.s32 $0xFFFFD800  }
0xae: {  	_ =	swait.ge [sflag:s7], $0x50  }
0xaf: {  	[sflag:s7] =	ssyncset.done $0x0  }
0xb0: {  	[sflag:s7] =	ssyncadd.s32 $0xFFFFFFB0  }
0xb1: {  	[spmem:s4] =	stream.indirect.scatter.add.f32 [tilespmem:s16], [sflag:$0x9], $0x80, s14, s21, $0xb8;
	[tilespmem:$0x1DA80] =	vst v63  }
0xb2: {  	_ =	swait.ge [sflag:s12], $0x2800  }
0xb3: {  	[sflag:s12] =	ssyncset.done $0x0  }
0xb4: {  	s10 =	sadd.s32 $0x0, s20;
	s22 =	rddreg [dreg:$0x10];
	[sflag:s12] =	ssyncadd.s32 $0xFFFFD800  }
0xb5: {  	[tilespmem:s14], [sflag:$0x4] =	stream.linear.gather [hbm4b:s10+s5], $0x50, $0x38;
	[tilespmem:$0x1DA80] =	vst v63  }
0xb6: {  	s6 =	simm.s32 $0x14;
	s9 =	sadd.s32 $0xA00, s18;
	s10 =	sadd.s32 $0xA0, s22  }
.LBB2_6:
0xb7: {  	[tilespmem:s16], [sflag:$0x2] =	stream.linear.gather [hbm4b:s18+s5], $0x2800, $0x38;
	[tilespmem:$0x1DA80] =	vst v63  }
0xb8: {  	s8 =	smov.u32 s6;
	s18 =	smov.u32 s9  }
0xb9: {  	p1 =	sne.s32 s6, $0x99C;
	s6 =	sadd.s32 $0x14, s6;
	_ =	swait.ge [sflag:s17], $0x2800  }
0xba: {  	[sflag:s17] =	ssyncset.done $0x0  }
0xbb: {  	[sflag:s17] =	ssyncadd.s32 $0xFFFFD800  }
0xbc: {  	_ =	swait.ge [sflag:s15], $0x50  }
0xbd: {  	[sflag:s15] =	ssyncset.done $0x0  }
0xbe: {  	[sflag:s15] =	ssyncadd.s32 $0xFFFFFFB0  }
0xbf: {  	[spmem:s4] =	stream.indirect.scatter.add.f32 [tilespmem:s13], [sflag:$0x9], $0x80, s11, s21, $0xb8;
	[tilespmem:$0x1DA80] =	vst v63  }
0xc0: {  	_ =	swait.ge [sflag:s12], $0x2800  }
0xc1: {  	s22 =	sshrl.u32 s10, $0x3;
	[sflag:s12] =	ssyncset.done $0x0  }
0xc2: {  	s22 =	sadd.s32 s2, s22;
	[sflag:s12] =	ssyncadd.s32 $0xFFFFD800  }
0xc3: {  	[tilespmem:s11], [sflag:$0x3] =	stream.linear.gather [hbm4b:s22+s5], $0x50, $0x38;
	[tilespmem:$0x1DA80] =	vst v63  }
0xc4: {  	s22 =	sadd.s32 $0xFFFFFB00, s9  }
0xc5: {  	[tilespmem:s13], [sflag:$0x1] =	stream.linear.gather [hbm4b:s22+s5], $0x2800, $0x38;
	[tilespmem:$0x1DA80] =	vst v63  }
0xc6: {  	_ =	swait.ge [sflag:s19], $0x2800  }
0xc7: {  	[sflag:s19] =	ssyncset.done $0x0  }
0xc8: {  	[sflag:s19] =	ssyncadd.s32 $0xFFFFD800  }
0xc9: {  	_ =	swait.ge [sflag:s7], $0x50  }
0xca: {  	[sflag:s7] =	ssyncset.done $0x0  }
0xcb: {  	[sflag:s7] =	ssyncadd.s32 $0xFFFFFFB0  }
0xcc: {  	[spmem:s4] =	stream.indirect.scatter.add.f32 [tilespmem:s16], [sflag:$0x9], $0x80, s14, s21, $0xb8;
	[tilespmem:$0x1DA80] =	vst v63  }
.Ltmp4:
0xcd: {  	_ =	swait.ge [sflag:s12], $0x2800;
	(pc) =	sbr.rel @p1 .LBB2_6-.Ltmp4, $4  }
0xce: {  	[sflag:s12] =	ssyncset.done $0x0  }
0xcf: {  	s8 =	sadd.s32 s8, s20;
	[sflag:s12] =	ssyncadd.s32 $0xFFFFD800  }
0xd0: {  	[tilespmem:s14], [sflag:$0x4] =	stream.linear.gather [hbm4b:s8+s5], $0x50, $0x38;
	[tilespmem:$0x1DA80] =	vst v63  }
0xd1: {  	s10 =	sadd.s32 $0xA0, s10;
	s9 =	sadd.s32 $0xA00, s9  }
0xd2: {  	[tilespmem:s16], [sflag:$0x2] =	stream.linear.gather [hbm4b:s18+s5], $0x2800, $0x38;
	[tilespmem:$0x1DA80] =	vst v63  }
0xd3: {  	_ =	swait.ge [sflag:s17], $0x2800  }
0xd4: {  	[sflag:s17] =	ssyncset.done $0x0  }
0xd5: {  	[sflag:s17] =	ssyncadd.s32 $0xFFFFD800  }
0xd6: {  	_ =	swait.ge [sflag:s15], $0x50  }
0xd7: {  	[sflag:s15] =	ssyncset.done $0x0  }
0xd8: {  	[sflag:s15] =	ssyncadd.s32 $0xFFFFFFB0  }
0xd9: {  	[spmem:s4] =	stream.indirect.scatter.add.f32 [tilespmem:s13], [sflag:$0x9], $0x80, s11, s21, $0xb8;
	[tilespmem:$0x1DA80] =	vst v63  }
0xda: {  	_ =	swait.ge [sflag:s12], $0x2800  }
0xdb: {  	[sflag:s12] =	ssyncset.done $0x0  }
0xdc: {  	[sflag:s12] =	ssyncadd.s32 $0xFFFFD800  }
0xdd: {  	_ =	swait.ge [sflag:s19], $0x2800  }
0xde: {  	[sflag:s19] =	ssyncset.done $0x0  }
0xdf: {  	[sflag:s19] =	ssyncadd.s32 $0xFFFFD800  }
0xe0: {  	_ =	swait.ge [sflag:s7], $0x50  }
0xe1: {  	[sflag:s7] =	ssyncset.done $0x0  }
0xe2: {  	[sflag:s7] =	ssyncadd.s32 $0xFFFFFFB0  }
0xe3: {  	[spmem:s4] =	stream.indirect.scatter.add.f32 [tilespmem:s16], [sflag:$0x9], $0x80, s14, s21, $0xb8;
	[tilespmem:$0x1DA80] =	vst v63  }
0xe4: {  	_ =	swait.ge [sflag:s12], $0x2800  }
0xe5: {  	[sflag:s12] =	ssyncset.done $0x0  }
0xe6: {  	[sflag:s12] =	ssyncadd.s32 $0xFFFFD800  }
0xe7: {  	[bflag:$0x0] =	sbarrier.arrive $0xFFFF  }
0xe8: {  	s6 =	stileid.u32;
	s8 =	rddreg [dreg:$0x7]  }
0xe9: {  	s6 =	sshll.u32 s6, $0x6;
	s18 =	rddreg [dreg:$0xb];
	s9 =	sshrl.u32 s8, $0x3  }
0xea: {  	s10 =	sor.u32 $0x1C09, s6;
	[smem:$0x7F4] =	sst s9  }
0xeb: {  	[hbm:s18], [sflag:s10] =	dma.local [spmem:s9], $0x2700  }
0xec: {  	_ =	swait.ge [sflag:s12], $0x2700  }
0xed: {  	s9 =	rddreg [dreg:$0x1e]  }
0xee: {  	s6 =	rddreg [dreg:$0xc]  }
0xef: {  	[sflag:s12] =	ssyncset.done $0x0;
	[smem:$0x7F5] =	sst s10;
	s18 =	sshrl.u32 @!p0 s9, $0x3  }
0xf0: {  	[sflag:s12] =	ssyncadd.s32 $0xFFFFD900;
	[smem:$0x7F6] =	sst s18  }
0xf1: {  	[hbm:s6], [sflag:s10] =	dma.local @!p0 [spmem:s18], $0x100  }
0xf2: {  	s6 =	simm.s32 @!p0 $0x9  }
0xf3: {  	_ =	swait.ge @!p0 [sflag:s6], $0x100  }
0xf4: {  	[sflag:s6] =	ssyncset.done @!p0 $0x0  }
0xf5: {  	s10 =	simm.s32 $0x1B080;
	[sflag:s6] =	ssyncadd.s32 @!p0 $0xFFFFFF00  }
0xf6: {  	[spmem:s8] =	stream.linear.scatter [tilespmem:s10], [sflag:$0x9], $0x2800, $0x38;
	[tilespmem:$0x1DA80] =	vst v63  }
0xf7: {  	_ =	swait.ge [sflag:s12], $0x2800  }
0xf8: {  	[sflag:s12] =	ssyncset.done $0x0  }
0xf9: {  	s22 =	rddreg [dreg:$0x17];
	[sflag:s12] =	ssyncadd.s32 $0xFFFFD800  }
0xfa: {  	[spmem:s22] =	stream.linear.scatter [tilespmem:s10], [sflag:$0x9], $0x2800, $0x38;
	[tilespmem:$0x1DA80] =	vst v63  }
0xfb: {  	_ =	swait.ge [sflag:s12], $0x2800  }
0xfc: {  	[sflag:s12] =	ssyncset.done $0x0  }
0xfd: {  	s18 =	rddreg [dreg:$0x18];
	[sflag:s12] =	ssyncadd.s32 $0xFFFFD800  }
0xfe: {  	[spmem:s18] =	stream.linear.scatter [tilespmem:s10], [sflag:$0x9], $0x2800, $0x38;
	[tilespmem:$0x1DA80] =	vst v63  }
0xff: {  	_ =	swait.ge [sflag:s12], $0x2800  }
0x100: {  	[sflag:s12] =	ssyncset.done $0x0  }
0x101: {  	s22 =	rddreg [dreg:$0x19];
	[sflag:s12] =	ssyncadd.s32 $0xFFFFD800  }
0x102: {  	[spmem:s22] =	stream.linear.scatter [tilespmem:s10], [sflag:$0x9], $0x2800, $0x38;
	[tilespmem:$0x1DA80] =	vst v63  }
0x103: {  	_ =	swait.ge [sflag:s12], $0x2800  }
0x104: {  	[sflag:s12] =	ssyncset.done $0x0  }
0x105: {  	s18 =	rddreg [dreg:$0x1a];
	[sflag:s12] =	ssyncadd.s32 $0xFFFFD800  }
0x106: {  	[spmem:s18] =	stream.linear.scatter [tilespmem:s10], [sflag:$0x9], $0x2800, $0x38;
	[tilespmem:$0x1DA80] =	vst v63  }
0x107: {  	_ =	swait.ge [sflag:s12], $0x2800  }
0x108: {  	[sflag:s12] =	ssyncset.done $0x0  }
0x109: {  	s22 =	rddreg [dreg:$0x1b];
	[sflag:s12] =	ssyncadd.s32 $0xFFFFD800  }
0x10a: {  	[spmem:s22] =	stream.linear.scatter [tilespmem:s10], [sflag:$0x9], $0x2800, $0x38;
	[tilespmem:$0x1DA80] =	vst v63  }
0x10b: {  	_ =	swait.ge [sflag:s12], $0x2800  }
0x10c: {  	[sflag:s12] =	ssyncset.done $0x0  }
0x10d: {  	s18 =	rddreg [dreg:$0x1c];
	[sflag:s12] =	ssyncadd.s32 $0xFFFFD800  }
0x10e: {  	[spmem:s18] =	stream.linear.scatter [tilespmem:s10], [sflag:$0x9], $0x2800, $0x38;
	[tilespmem:$0x1DA80] =	vst v63  }
0x10f: {  	_ =	swait.ge [sflag:s12], $0x2800  }
0x110: {  	[sflag:s12] =	ssyncset.done $0x0  }
0x111: {  	s22 =	rddreg [dreg:$0x1d];
	[sflag:s12] =	ssyncadd.s32 $0xFFFFD800  }
0x112: {  	[spmem:s22] =	stream.linear.scatter [tilespmem:s10], [sflag:$0x9], $0x2000, $0x38;
	[tilespmem:$0x1DA80] =	vst v63  }
0x113: {  	_ =	swait.ge [sflag:s12], $0x2000  }
0x114: {  	[sflag:s12] =	ssyncset.done $0x0  }
0x115: {  	s8 =	simm.s32 @!p0 $0x1B080;
	[sflag:s12] =	ssyncadd.s32 $0xFFFFE000  }
0x116: {  	[spmem:s9] =	stream.linear.scatter @!p0 [tilespmem:s8], [sflag:$0x9], $0x800, $0x38;
	[tilespmem:$0x1DA80] =	vst v63  }
0x117: {  	_ =	swait.ge @!p0 [sflag:s6], $0x800  }
0x118: {  	[sflag:s6] =	ssyncset.done @!p0 $0x0  }
0x119: {  	[sflag:s6] =	ssyncadd.s32 @!p0 $0xFFFFF800  }
0x11a: {  	[bflag:$0x0] =	sbarrier.arrive $0xFFFF  }
0x11b: {  	s6 =	simm.s32 $0x0;
	s18 =	rddreg [dreg:$0x8]  }
0x11c: {  	[tilespmem:s11], [sflag:$0x3] =	stream.linear.gather [hbm4b:s18+s6], $0x50, $0x38;
	[tilespmem:$0x1DA80] =	vst v63  }
0x11d: {  	s22 =	rddreg [dreg:$0xd]  }
0x11e: {  	[tilespmem:s26], [sflag:$0x5] =	stream.linear.gather [hbm4b:s22+s6], $0x50, $0x38;
	[tilespmem:$0x1DA80] =	vst v63  }
0x11f: {  	_ =	swait.ge [sflag:s28], $0x50  }
0x120: {  	[sflag:s28] =	ssyncset.done $0x0  }
0x121: {  	s9 =	rddreg [dreg:$0x1f];
	[sflag:s28] =	ssyncadd.s32 $0xFFFFFFB0  }
0x122: {  	[tilespmem:s13], [sflag:$0x1] =	stream.indirect.gather [hbm4b:s1+s21], $0x80, s26, s21, $0xb8;
	[tilespmem:$0x1DA80] =	vst v63  }
0x123: {  	s10 =	sld [smem:$0x7F8]  }
0x124: {  	[tilespmem:s14], [sflag:$0x4] =	stream.linear.gather [hbm4b:s9+s6], $0x50, $0x38;
	[tilespmem:$0x1DA80] =	vst v63  }
0x125: {  	_ = 	snop  }
0x126: {  	[tilespmem:s29], [sflag:$0x6] =	stream.linear.gather [hbm4b:s10+s6], $0x50, $0x38;
	[tilespmem:$0x1DA80] =	vst v63  }
0x127: {  	_ =	swait.ge [sflag:s17], $0x2800  }
0x128: {  	[sflag:s17] =	ssyncset.done $0x0  }
0x129: {  	[sflag:s17] =	ssyncadd.s32 $0xFFFFD800  }
0x12a: {  	_ =	swait.ge [sflag:s30], $0x50  }
0x12b: {  	[sflag:s30] =	ssyncset.done $0x0  }
0x12c: {  	[sflag:s30] =	ssyncadd.s32 $0xFFFFFFB0  }
0x12d: {  	[tilespmem:s16], [sflag:$0x2] =	stream.indirect.gather [hbm4b:s1+s21], $0x80, s29, s21, $0xb8;
	[tilespmem:$0x1DA80] =	vst v63  }
0x12e: {  	_ =	swait.ge [sflag:s15], $0x50  }
0x12f: {  	[sflag:s15] =	ssyncset.done $0x0  }
0x130: {  	[sflag:s15] =	ssyncadd.s32 $0xFFFFFFB0  }
0x131: {  	[spmem:s4] =	stream.indirect.scatter.add.f32 [tilespmem:s13], [sflag:$0x9], $0x80, s11, s21, $0xb8;
	[tilespmem:$0x1DA80] =	vst v63  }
0x132: {  	_ =	swait.ge [sflag:s12], $0x2800  }
0x133: {  	[sflag:s12] =	ssyncset.done $0x0;
	s10 =	rddreg [dreg:$0x15]  }
0x134: {  	s22 =	rddreg [dreg:$0x14];
	[sflag:s12] =	ssyncadd.s32 $0xFFFFD800;
	s18 =	sshrl.u32 s10, $0x3  }
0x135: {  	[tilespmem:s11], [sflag:$0x3] =	stream.linear.gather [hbm4b:s22+s5], $0x50, $0x38;
	[tilespmem:$0x1DA80] =	vst v63  }
0x136: {  	s6 =	sadd.s32 s2, s18  }
0x137: {  	[tilespmem:s26], [sflag:$0x5] =	stream.linear.gather [hbm4b:s6+s5], $0x50, $0x38;
	[tilespmem:$0x1DA80] =	vst v63  }
0x138: {  	_ =	swait.ge [sflag:s19], $0x2800  }
0x139: {  	[sflag:s19] =	ssyncset.done $0x0  }
0x13a: {  	[sflag:s19] =	ssyncadd.s32 $0xFFFFD800  }
0x13b: {  	_ =	swait.ge [sflag:s28], $0x50  }
0x13c: {  	[sflag:s28] =	ssyncset.done $0x0  }
0x13d: {  	[sflag:s28] =	ssyncadd.s32 $0xFFFFFFB0  }
0x13e: {  	[tilespmem:s13], [sflag:$0x1] =	stream.indirect.gather [hbm4b:s1+s21], $0x80, s26, s21, $0xb8;
	[tilespmem:$0x1DA80] =	vst v63  }
0x13f: {  	_ =	swait.ge [sflag:s7], $0x50  }
0x140: {  	[sflag:s7] =	ssyncset.done $0x0  }
0x141: {  	[sflag:s7] =	ssyncadd.s32 $0xFFFFFFB0  }
0x142: {  	[spmem:s4] =	stream.indirect.scatter.add.f32 [tilespmem:s16], [sflag:$0x9], $0x80, s14, s21, $0xb8;
	[tilespmem:$0x1DA80] =	vst v63  }
0x143: {  	_ =	swait.ge [sflag:s12], $0x2800  }
0x144: {  	s10 =	sadd.s32 $0xA0, s10;
	[sflag:s12] =	ssyncset.done $0x0;
	s9 =	rddreg [dreg:$0x6]  }
0x145: {  	s18 =	sadd.s32 $0x0, s20;
	s22 =	rddreg [dreg:$0x10];
	[sflag:s12] =	ssyncadd.s32 $0xFFFFD800  }
0x146: {  	[tilespmem:s14], [sflag:$0x4] =	stream.linear.gather [hbm4b:s18+s5], $0x50, $0x38;
	[tilespmem:$0x1DA80] =	vst v63  }
0x147: {  	s6 =	simm.s32 $0x14;
	s18 =	sadd.s32 $0x0, s9;
	s9 =	sadd.s32 $0xA0, s22  }
.LBB2_8:
0x148: {  	[tilespmem:s29], [sflag:$0x6] =	stream.linear.gather [hbm4b:s18+s5], $0x50, $0x38;
	[tilespmem:$0x1DA80] =	vst v63  }
0x149: {  	_ =	swait.ge [sflag:s17], $0x2800  }
0x14a: {  	[sflag:s17] =	ssyncset.done $0x0  }
0x14b: {  	[sflag:s17] =	ssyncadd.s32 $0xFFFFD800  }
0x14c: {  	_ =	swait.ge [sflag:s30], $0x50  }
0x14d: {  	[sflag:s30] =	ssyncset.done $0x0  }
0x14e: {  	[sflag:s30] =	ssyncadd.s32 $0xFFFFFFB0  }
0x14f: {  	[tilespmem:s16], [sflag:$0x2] =	stream.indirect.gather [hbm4b:s1+s21], $0x80, s29, s21, $0xb8;
	[tilespmem:$0x1DA80] =	vst v63  }
0x150: {  	_ =	swait.ge [sflag:s15], $0x50  }
0x151: {  	[sflag:s15] =	ssyncset.done $0x0  }
0x152: {  	[sflag:s15] =	ssyncadd.s32 $0xFFFFFFB0  }
0x153: {  	[spmem:s4] =	stream.indirect.scatter.add.f32 [tilespmem:s13], [sflag:$0x9], $0x80, s11, s21, $0xb8;
	[tilespmem:$0x1DA80] =	vst v63  }
0x154: {  	_ =	swait.ge [sflag:s12], $0x2800  }
0x155: {  	s8 =	sshrl.u32 s9, $0x3;
	[sflag:s12] =	ssyncset.done $0x0  }
0x156: {  	s22 =	sshrl.u32 s10, $0x3;
	s8 =	sadd.s32 s2, s8;
	[sflag:s12] =	ssyncadd.s32 $0xFFFFD800  }
0x157: {  	[tilespmem:s11], [sflag:$0x3] =	stream.linear.gather [hbm4b:s8+s5], $0x50, $0x38;
	[tilespmem:$0x1DA80] =	vst v63  }
0x158: {  	s22 =	sadd.s32 s2, s22  }
0x159: {  	[tilespmem:s26], [sflag:$0x5] =	stream.linear.gather [hbm4b:s22+s5], $0x50, $0x38;
	[tilespmem:$0x1DA80] =	vst v63  }
0x15a: {  	_ =	swait.ge [sflag:s19], $0x2800  }
0x15b: {  	[sflag:s19] =	ssyncset.done $0x0  }
0x15c: {  	[sflag:s19] =	ssyncadd.s32 $0xFFFFD800  }
0x15d: {  	_ =	swait.ge [sflag:s28], $0x50  }
0x15e: {  	[sflag:s28] =	ssyncset.done $0x0  }
0x15f: {  	[sflag:s28] =	ssyncadd.s32 $0xFFFFFFB0  }
0x160: {  	[tilespmem:s13], [sflag:$0x1] =	stream.indirect.gather [hbm4b:s1+s21], $0x80, s26, s21, $0xb8;
	[tilespmem:$0x1DA80] =	vst v63  }
0x161: {  	_ =	swait.ge [sflag:s7], $0x50  }
0x162: {  	[sflag:s7] =	ssyncset.done $0x0  }
0x163: {  	p1 =	sne.s32 s6, $0x99C;
	[sflag:s7] =	ssyncadd.s32 $0xFFFFFFB0  }
0x164: {  	[spmem:s4] =	stream.indirect.scatter.add.f32 [tilespmem:s16], [sflag:$0x9], $0x80, s14, s21, $0xb8;
	[tilespmem:$0x1DA80] =	vst v63  }
.Ltmp5:
0x165: {  	s18 =	smov.u32 s6;
	(pc) =	sbr.rel @p1 .LBB2_8-.Ltmp5, $4  }
0x166: {  	s6 =	sadd.s32 $0x14, s6;
	s9 =	sadd.s32 $0xA0, s9;
	_ =	swait.ge [sflag:s12], $0x2800  }
0x167: {  	s10 =	sadd.s32 $0xA0, s10;
	[sflag:s12] =	ssyncset.done $0x0;
	s8 =	rddreg [dreg:$0x6]  }
0x168: {  	s22 =	sadd.s32 s18, s20;
	[sflag:s12] =	ssyncadd.s32 $0xFFFFD800;
	s18 =	sadd.s32 s18, s8  }
0x169: {  	[tilespmem:s14], [sflag:$0x4] =	stream.linear.gather [hbm4b:s22+s5], $0x50, $0x38;
	[tilespmem:$0x1DA80] =	vst v63  }
0x16a: {  	[tilespmem:s29], [sflag:$0x6] =	stream.linear.gather [hbm4b:s18+s5], $0x50, $0x38;
	[tilespmem:$0x1DA80] =	vst v63  }
0x16b: {  	_ =	swait.ge [sflag:s17], $0x2800  }
0x16c: {  	[sflag:s17] =	ssyncset.done $0x0  }
0x16d: {  	[sflag:s17] =	ssyncadd.s32 $0xFFFFD800  }
0x16e: {  	_ =	swait.ge [sflag:s30], $0x50  }
0x16f: {  	[sflag:s30] =	ssyncset.done $0x0  }
0x170: {  	[sflag:s30] =	ssyncadd.s32 $0xFFFFFFB0  }
0x171: {  	[tilespmem:s16], [sflag:$0x2] =	stream.indirect.gather [hbm4b:s1+s21], $0x80, s29, s21, $0xb8;
	[tilespmem:$0x1DA80] =	vst v63  }
0x172: {  	_ =	swait.ge [sflag:s15], $0x50  }
0x173: {  	[sflag:s15] =	ssyncset.done $0x0  }
0x174: {  	[sflag:s15] =	ssyncadd.s32 $0xFFFFFFB0  }
0x175: {  	[spmem:s4] =	stream.indirect.scatter.add.f32 [tilespmem:s13], [sflag:$0x9], $0x80, s11, s21, $0xb8;
	[tilespmem:$0x1DA80] =	vst v63  }
0x176: {  	_ =	swait.ge [sflag:s12], $0x2800  }
0x177: {  	[sflag:s12] =	ssyncset.done $0x0  }
0x178: {  	[sflag:s12] =	ssyncadd.s32 $0xFFFFD800  }
0x179: {  	_ =	swait.ge [sflag:s19], $0x2800  }
0x17a: {  	[sflag:s19] =	ssyncset.done $0x0  }
0x17b: {  	[sflag:s19] =	ssyncadd.s32 $0xFFFFD800  }
0x17c: {  	_ =	swait.ge [sflag:s7], $0x50  }
0x17d: {  	[sflag:s7] =	ssyncset.done $0x0  }
0x17e: {  	[sflag:s7] =	ssyncadd.s32 $0xFFFFFFB0  }
0x17f: {  	[spmem:s4] =	stream.indirect.scatter.add.f32 [tilespmem:s16], [sflag:$0x9], $0x80, s14, s21, $0xb8;
	[tilespmem:$0x1DA80] =	vst v63  }
0x180: {  	_ =	swait.ge [sflag:s12], $0x2800  }
0x181: {  	[sflag:s12] =	ssyncset.done $0x0  }
0x182: {  	[sflag:s12] =	ssyncadd.s32 $0xFFFFD800  }
0x183: {  	[bflag:$0x0] =	sbarrier.arrive $0xFFFF  }
0x184: {  	s18 =	sld [smem:$0x7F5]  }
0x185: {  	s22 =	sld [smem:$0x7F4];
	_ =	sdelay $0x1  }
0x186: {  	s6 =	rddreg [dreg:$0xe]  }
0x187: {  	[hbm:s6], [sflag:s18] =	dma.local [spmem:s22], $0x2700  }
0x188: {  	_ =	swait.ge [sflag:s12], $0x2700  }
0x189: {  	s8 =	sld [smem:$0x7F6]  }
0x18a: {  	[sflag:s12] =	ssyncset.done $0x0  }
0x18b: {  	s6 =	rddreg [dreg:$0xf];
	[sflag:s12] =	ssyncadd.s32 $0xFFFFD900  }
0x18c: {  	[hbm:s6], [sflag:s18] =	dma.local @!p0 [spmem:s8], $0x100  }
0x18d: {  	s6 =	simm.s32 @!p0 $0x9  }
0x18e: {  	_ =	swait.ge @!p0 [sflag:s6], $0x100  }
0x18f: {  	[sflag:s6] =	ssyncset.done @!p0 $0x0  }
0x190: {  	s9 =	simm.s32 $0x1B080;
	s10 =	rddreg [dreg:$0x7];
	[sflag:s6] =	ssyncadd.s32 @!p0 $0xFFFFFF00  }
0x191: {  	[spmem:s10] =	stream.linear.scatter [tilespmem:s9], [sflag:$0x9], $0x2800, $0x38;
	[tilespmem:$0x1DA80] =	vst v63  }
0x192: {  	_ =	swait.ge [sflag:s12], $0x2800  }
0x193: {  	[sflag:s12] =	ssyncset.done $0x0  }
0x194: {  	s10 =	rddreg [dreg:$0x17];
	[sflag:s12] =	ssyncadd.s32 $0xFFFFD800  }
0x195: {  	[spmem:s10] =	stream.linear.scatter [tilespmem:s9], [sflag:$0x9], $0x2800, $0x38;
	[tilespmem:$0x1DA80] =	vst v63  }
0x196: {  	_ =	swait.ge [sflag:s12], $0x2800  }
0x197: {  	[sflag:s12] =	ssyncset.done $0x0  }
0x198: {  	s10 =	rddreg [dreg:$0x18];
	[sflag:s12] =	ssyncadd.s32 $0xFFFFD800  }
0x199: {  	[spmem:s10] =	stream.linear.scatter [tilespmem:s9], [sflag:$0x9], $0x2800, $0x38;
	[tilespmem:$0x1DA80] =	vst v63  }
0x19a: {  	_ =	swait.ge [sflag:s12], $0x2800  }
0x19b: {  	[sflag:s12] =	ssyncset.done $0x0  }
0x19c: {  	s10 =	rddreg [dreg:$0x19];
	[sflag:s12] =	ssyncadd.s32 $0xFFFFD800  }
0x19d: {  	[spmem:s10] =	stream.linear.scatter [tilespmem:s9], [sflag:$0x9], $0x2800, $0x38;
	[tilespmem:$0x1DA80] =	vst v63  }
0x19e: {  	_ =	swait.ge [sflag:s12], $0x2800  }
0x19f: {  	[sflag:s12] =	ssyncset.done $0x0  }
0x1a0: {  	s10 =	rddreg [dreg:$0x1a];
	[sflag:s12] =	ssyncadd.s32 $0xFFFFD800  }
0x1a1: {  	[spmem:s10] =	stream.linear.scatter [tilespmem:s9], [sflag:$0x9], $0x2800, $0x38;
	[tilespmem:$0x1DA80] =	vst v63  }
0x1a2: {  	_ =	swait.ge [sflag:s12], $0x2800  }
0x1a3: {  	[sflag:s12] =	ssyncset.done $0x0  }
0x1a4: {  	s10 =	rddreg [dreg:$0x1b];
	[sflag:s12] =	ssyncadd.s32 $0xFFFFD800  }
0x1a5: {  	[spmem:s10] =	stream.linear.scatter [tilespmem:s9], [sflag:$0x9], $0x2800, $0x38;
	[tilespmem:$0x1DA80] =	vst v63  }
0x1a6: {  	_ =	swait.ge [sflag:s12], $0x2800  }
0x1a7: {  	[sflag:s12] =	ssyncset.done $0x0  }
0x1a8: {  	s10 =	rddreg [dreg:$0x1c];
	[sflag:s12] =	ssyncadd.s32 $0xFFFFD800  }
0x1a9: {  	[spmem:s10] =	stream.linear.scatter [tilespmem:s9], [sflag:$0x9], $0x2800, $0x38;
	[tilespmem:$0x1DA80] =	vst v63  }
0x1aa: {  	_ =	swait.ge [sflag:s12], $0x2800  }
0x1ab: {  	[sflag:s12] =	ssyncset.done $0x0  }
0x1ac: {  	s10 =	rddreg [dreg:$0x1d];
	[sflag:s12] =	ssyncadd.s32 $0xFFFFD800  }
0x1ad: {  	[spmem:s10] =	stream.linear.scatter [tilespmem:s9], [sflag:$0x9], $0x2000, $0x38;
	[tilespmem:$0x1DA80] =	vst v63  }
0x1ae: {  	_ =	swait.ge [sflag:s12], $0x2000  }
0x1af: {  	[sflag:s12] =	ssyncset.done $0x0  }
0x1b0: {  	s8 =	simm.s32 @!p0 $0x1B080;
	s9 =	rddreg [dreg:$0x1e];
	[sflag:s12] =	ssyncadd.s32 $0xFFFFE000  }
0x1b1: {  	[spmem:s9] =	stream.linear.scatter @!p0 [tilespmem:s8], [sflag:$0x9], $0x800, $0x38;
	[tilespmem:$0x1DA80] =	vst v63  }
0x1b2: {  	_ =	swait.ge @!p0 [sflag:s6], $0x800  }
0x1b3: {  	[sflag:s6] =	ssyncset.done @!p0 $0x0  }
0x1b4: {  	[sflag:s6] =	ssyncadd.s32 @!p0 $0xFFFFF800  }
0x1b5: {  	[bflag:$0x0] =	sbarrier.arrive $0xFFFF  }
0x1b6: {  	s10 =	sld [smem:$0x7F9];
	_ =	sdelay $0x1  }
0x1b7: {  	s6 =	simm.s32 $0x0  }
0x1b8: {  	[tilespmem:s11], [sflag:$0x3] =	stream.linear.gather [hbm4b:s10+s6], $0x50, $0x38;
	[tilespmem:$0x1DA80] =	vst v63  }
0x1b9: {  	_ =	swait.ge [sflag:s15], $0x50  }
0x1ba: {  	[sflag:s15] =	ssyncset.done $0x0  }
0x1bb: {  	[sflag:s15] =	ssyncadd.s32 $0xFFFFFFB0  }
0x1bc: {  	[spmem:s4] =	stream.indirect.scatter.add.f32 [tilespmem:s31], [sflag:$0x9], $0x80, s11, s21, $0xb8;
	[tilespmem:$0x1DA80] =	vst v63  }
0x1bd: {  	_ =	swait.ge [sflag:s12], $0x2800  }
0x1be: {  	s9 =	sld [smem:$0x7FA]  }
0x1bf: {  	[sflag:s12] =	ssyncset.done $0x0  }
0x1c0: {  	[sflag:s12] =	ssyncadd.s32 $0xFFFFD800  }
0x1c1: {  	[tilespmem:s11], [sflag:$0x3] =	stream.linear.gather [hbm4b:s9+s6], $0x50, $0x38;
	[tilespmem:$0x1DA80] =	vst v63  }
0x1c2: {  	_ =	swait.ge [sflag:s15], $0x50  }
0x1c3: {  	[sflag:s15] =	ssyncset.done $0x0  }
0x1c4: {  	[sflag:s15] =	ssyncadd.s32 $0xFFFFFFB0  }
0x1c5: {  	[spmem:s4] =	stream.indirect.scatter.add.f32 [tilespmem:s31], [sflag:$0x9], $0x80, s11, s21, $0xb8;
	[tilespmem:$0x1DA80] =	vst v63  }
0x1c6: {  	_ =	swait.ge [sflag:s12], $0x2800  }
0x1c7: {  	[sflag:s12] =	ssyncset.done $0x0  }
0x1c8: {  	s10 =	rddreg [dreg:$0x8];
	[sflag:s12] =	ssyncadd.s32 $0xFFFFD800  }
0x1c9: {  	[tilespmem:s11], [sflag:$0x3] =	stream.linear.gather [hbm4b:s10+s6], $0x50, $0x38;
	[tilespmem:$0x1DA80] =	vst v63  }
0x1ca: {  	s9 =	rddreg [dreg:$0x1f]  }
0x1cb: {  	[tilespmem:s14], [sflag:$0x4] =	stream.linear.gather [hbm4b:s9+s6], $0x50, $0x38;
	[tilespmem:$0x1DA80] =	vst v63  }
0x1cc: {  	_ =	swait.ge [sflag:s15], $0x50  }
0x1cd: {  	[sflag:s15] =	ssyncset.done $0x0  }
0x1ce: {  	[sflag:s15] =	ssyncadd.s32 $0xFFFFFFB0  }
0x1cf: {  	[spmem:s4] =	stream.indirect.scatter.add.f32 [tilespmem:s31], [sflag:$0x1], $0x80, s11, s21, $0xb8;
	[tilespmem:$0x1DA80] =	vst v63  }
0x1d0: {  	s10 =	rddreg [dreg:$0x14]  }
0x1d1: {  	[tilespmem:s26], [sflag:$0x5] =	stream.linear.gather [hbm4b:s10+s6], $0x50, $0x38;
	[tilespmem:$0x1DA80] =	vst v63  }
0x1d2: {  	_ =	swait.ge [sflag:s7], $0x50  }
0x1d3: {  	[sflag:s7] =	ssyncset.done $0x0  }
0x1d4: {  	[sflag:s7] =	ssyncadd.s32 $0xFFFFFFB0  }
0x1d5: {  	[spmem:s4] =	stream.indirect.scatter.add.f32 [tilespmem:s31], [sflag:$0x2], $0x80, s14, s21, $0xb8;
	[tilespmem:$0x1DA80] =	vst v63  }
0x1d6: {  	_ = 	snop  }
0x1d7: {  	[tilespmem:s29], [sflag:$0x6] =	stream.linear.gather [hbm4b:s20+s6], $0x50, $0x38;
	[tilespmem:$0x1DA80] =	vst v63  }
0x1d8: {  	_ =	swait.ge [sflag:s28], $0x50  }
0x1d9: {  	[sflag:s28] =	ssyncset.done $0x0  }
0x1da: {  	[sflag:s28] =	ssyncadd.s32 $0xFFFFFFB0  }
0x1db: {  	[spmem:s4] =	stream.indirect.scatter.add.f32 [tilespmem:s31], [sflag:$0x7], $0x80, s26, s21, $0xb8;
	[tilespmem:$0x1DA80] =	vst v63  }
0x1dc: {  	_ =	swait.ge [sflag:s17], $0x2800  }
0x1dd: {  	s9 =	sld [smem:$0x7FB]  }
0x1de: {  	[sflag:s17] =	ssyncset.done $0x0  }
0x1df: {  	[sflag:s17] =	ssyncadd.s32 $0xFFFFD800  }
0x1e0: {  	[tilespmem:s11], [sflag:$0x3] =	stream.linear.gather [hbm4b:s9+s6], $0x50, $0x38;
	[tilespmem:$0x1DA80] =	vst v63  }
0x1e1: {  	_ =	swait.ge [sflag:s30], $0x50  }
0x1e2: {  	[sflag:s30] =	ssyncset.done $0x0  }
0x1e3: {  	[sflag:s30] =	ssyncadd.s32 $0xFFFFFFB0  }
0x1e4: {  	[spmem:s4] =	stream.indirect.scatter.add.f32 [tilespmem:s31], [sflag:$0x8], $0x80, s29, s21, $0xb8;
	[tilespmem:$0x1DA80] =	vst v63  }
0x1e5: {  	_ =	swait.ge [sflag:s19], $0x2800  }
0x1e6: {  	s10 =	sld [smem:$0x7FC]  }
0x1e7: {  	[sflag:s19] =	ssyncset.done $0x0  }
0x1e8: {  	s9 =	rddreg [dreg:$0x16];
	[sflag:s19] =	ssyncadd.s32 $0xFFFFD800  }
0x1e9: {  	[tilespmem:s14], [sflag:$0x4] =	stream.linear.gather [hbm4b:s10+s6], $0x50, $0x38;
	[tilespmem:$0x1DA80] =	vst v63  }
0x1ea: {  	s10 =	sld [smem:$0x7F7]  }
.LBB2_10:
0x1eb: {  	_ =	swait.ge [sflag:s15], $0x50  }
0x1ec: {  	[sflag:s15] =	ssyncset.done $0x0  }
0x1ed: {  	[sflag:s15] =	ssyncadd.s32 $0xFFFFFFB0  }
0x1ee: {  	[spmem:s4] =	stream.indirect.scatter.add.f32 [tilespmem:s31], [sflag:$0x1], $0x80, s11, s21, $0xb8;
	[tilespmem:$0x1DA80] =	vst v63  }
0x1ef: {  	_ =	swait.ge [sflag:s0], $0x2800  }
0x1f0: {  	[sflag:s0] =	ssyncset.done $0x0  }
0x1f1: {  	s8 =	sadd.s32 s6, s25;
	[sflag:s0] =	ssyncadd.s32 $0xFFFFD800  }
0x1f2: {  	[tilespmem:s26], [sflag:$0x5] =	stream.linear.gather [hbm4b:s8+s5], $0x50, $0x38;
	[tilespmem:$0x1DA80] =	vst v63  }
0x1f3: {  	_ =	swait.ge [sflag:s7], $0x50  }
0x1f4: {  	[sflag:s7] =	ssyncset.done $0x0  }
0x1f5: {  	[sflag:s7] =	ssyncadd.s32 $0xFFFFFFB0  }
0x1f6: {  	[spmem:s4] =	stream.indirect.scatter.add.f32 [tilespmem:s31], [sflag:$0x2], $0x80, s14, s21, $0xb8;
	[tilespmem:$0x1DA80] =	vst v63  }
0x1f7: {  	_ =	swait.ge [sflag:s3], $0x2800  }
0x1f8: {  	[sflag:s3] =	ssyncset.done $0x0  }
0x1f9: {  	s8 =	sadd.s32 s6, s24;
	[sflag:s3] =	ssyncadd.s32 $0xFFFFD800  }
0x1fa: {  	[tilespmem:s29], [sflag:$0x6] =	stream.linear.gather [hbm4b:s8+s5], $0x50, $0x38;
	[tilespmem:$0x1DA80] =	vst v63  }
0x1fb: {  	_ =	swait.ge [sflag:s28], $0x50  }
0x1fc: {  	p1 =	seq.s32 s6, $0x960;
	[sflag:s28] =	ssyncset.done $0x0  }
.Ltmp6:
0x1fd: {  	[sflag:s28] =	ssyncadd.s32 $0xFFFFFFB0;
	(pc) =	sbr.rel @p1 .LBB2_12-.Ltmp6, $4  }
0x1fe: {  	[spmem:s4] =	stream.indirect.scatter.add.f32 [tilespmem:s31], [sflag:$0x7], $0x80, s26, s21, $0xb8;
	[tilespmem:$0x1DA80] =	vst v63  }
0x1ff: {  	_ =	swait.ge [sflag:s17], $0x2800  }
0x200: {  	[sflag:s17] =	ssyncset.done $0x0  }
0x201: {  	[sflag:s17] =	ssyncadd.s32 $0xFFFFD800  }
0x202: {  	s8 =	sadd.s32 s6, s23  }
0x203: {  	[tilespmem:s11], [sflag:$0x3] =	stream.linear.gather [hbm4b:s8+s5], $0x50, $0x38;
	[tilespmem:$0x1DA80] =	vst v63  }
0x204: {  	_ =	swait.ge [sflag:s30], $0x50  }
0x205: {  	[sflag:s30] =	ssyncset.done $0x0  }
0x206: {  	[sflag:s30] =	ssyncadd.s32 $0xFFFFFFB0  }
0x207: {  	[spmem:s4] =	stream.indirect.scatter.add.f32 [tilespmem:s31], [sflag:$0x8], $0x80, s29, s21, $0xb8;
	[tilespmem:$0x1DA80] =	vst v63  }
.Ltmp7:
0x208: {  	_ = 	snop;
	(pc) =	sbr.rel .LBB2_10-.Ltmp7, $4  }
0x209: {  	_ =	swait.ge [sflag:s19], $0x2800  }
0x20a: {  	[sflag:s19] =	ssyncset.done $0x0  }
0x20b: {  	s8 =	sadd.s32 s6, s9;
	s6 =	sadd.s32 $0x28, s6;
	[sflag:s19] =	ssyncadd.s32 $0xFFFFD800  }
0x20c: {  	[tilespmem:s14], [sflag:$0x4] =	stream.linear.gather [hbm4b:s8+s5], $0x50, $0x38;
	[tilespmem:$0x1DA80] =	vst v63  }
.LBB2_13:
0x20d: {  	_ =	sfence.sel $0x180000  }
0x20e: {  	[bflag:$0x0] =	sbarrier.arrive $0xFFFF  }
0x20f: {  	_ =	strace $0x90000047  }
0x210: {  	s0 =	stileid.u32;
	[bflag:$0x2] =	sbarrier.arrive $0xFFFF  }
0x211: {  	p0 =	sne.s32 s0, $0x0;
	s0 =	rddreg [dreg:$0x5]  }
0x212: {  	s0 =	sadd.s32 @!p0 $0x100000, s0  }
0x213: {  	[sflag:s0] =	ssyncadd.tile.s32 @!p0 $0x1;
	_ =	shalt  }
.Lfunc_end2:
_tile_overlayer_lowered:
.L_overlay_start_2:
0x214: {  	(tag) =	ssettag $0x2  }
0x215: {  	s0 =	rddreg [dreg:$0x0];
	s2 =	stileid.u32  }
0x216: {  	s1 =	rddreg [dreg:$0x1];
	p0 =	sne.s32 s2, $0x0  }
0x217: {  	s3 =	rddreg [dreg:$0x2];
	[bflag:$0x3] =	sbarrier.arrive $0xFFFF;
	s2 =	simm.s32 @!p0 $0x1C09  }
0x218: {  	[timem:s3], [sflag:s2] =	dma.local @!p0 [hbm:s0], s1  }
0x219: {  	s0 =	simm.s32 @!p0 $0x9  }
0x21a: {  	_ =	swait.ge @!p0 [sflag:s0], s1  }
0x21b: {  	s1 =	ssub.s32 @!p0 $0x0, s1;
	[sflag:s0] =	ssyncset.done @!p0 $0x0  }
0x21c: {  	[sflag:s0] =	ssyncadd.s32 @!p0 s1  }
0x21d: {  	[bflag:$0x3] =	sbarrier.arrive $0xFFFF  }
0x21e: {  	_ =	shalt  }

</sc_bundles>
